<compile_context>
chip_gen: v7x
topology: tpu7x:2x2x1
jax: 0.10.2.dev20260603
libtpu: 0.0.44.dev20260713+nightly
codegen_flags: <defaults>
</compile_context>

<pallas_src>
import functools

import jax
import jax.numpy as jnp
from jax import lax
from jax.experimental import pallas as pl
from jax.experimental.pallas import tpu as pltpu
from jax.experimental.pallas import tpu_sc as plsc

N = 50000
T = 8
F = 128
H = 64
E = 800000

NS = 16
L = 16
CH = 128
QD = 4
NCH = 392
NG = NCH
ET_PAD = NCH * CH
E_PAD = ET_PAD * NS
ZCH = 25
N_ACC = NS * ZCH * CH
DEG_HG = NCH // QD // 2

B = 2000
NBLK = N // B

_MESH = dict(core_axis_name="c", subcore_axis_name="s")


@functools.partial(
    pl.kernel,
    mesh=plsc.VectorSubcoreMesh(**_MESH),
    out_type=jax.ShapeDtypeStruct((2, N_ACC, L), jnp.float32),
    scratch_types=[
        pltpu.VMEM((QD, CH), jnp.int32),
        pltpu.VMEM((CH, L), jnp.float32),
        pltpu.VMEM((CH, L), jnp.float32),
        pltpu.VMEM_SHARED((N_ACC, L), jnp.float32),
    ],
    compiler_params=pltpu.CompilerParams(use_tc_tiling_on_sc=False),
)
def _deg_kernel(dst_hbm, out_hbm, dst_v, ones_v, zero_v, acc_sh):
    c = lax.axis_index("c")
    s = lax.axis_index("s")

    lane = lax.iota(jnp.int32, L)
    one_hot = jnp.where(lane == 0, 1.0, 0.0).astype(jnp.float32)
    zeros = jnp.zeros((L,), jnp.float32)

    def _fill(r, _):
        ones_v[r, :] = one_hot
        zero_v[r, :] = zeros
        return 0

    lax.fori_loop(0, CH, _fill, 0)

    def _zcopy(z, _):
        pltpu.sync_copy(zero_v, acc_sh.at[pl.ds((s * ZCH + z) * CH, CH)])
        return 0

    lax.fori_loop(0, ZCH, _zcopy, 0)
    plsc.subcore_barrier()

    def _group(g, _):
        pltpu.sync_copy(dst_hbm.at[s, pl.ds(g * QD, QD)], dst_v)
        for q in range(QD):
            pltpu.sync_copy(ones_v, acc_sh.at[dst_v.at[q]], add=True)
        return 0

    lax.fori_loop(c * DEG_HG, (c + 1) * DEG_HG, _group, 0)
    plsc.subcore_barrier()

    def _wb(z, _):
        r0 = (s * ZCH + z) * CH
        pltpu.sync_copy(acc_sh.at[pl.ds(r0, CH)], zero_v)
        pltpu.sync_copy(zero_v, out_hbm.at[c, pl.ds(r0, CH)])
        return 0

    lax.fori_loop(0, ZCH, _wb, 0)


def _make_seg_sum(dh):
    NQ = NG // 4

    @functools.partial(
        pl.kernel,
        mesh=plsc.VectorSubcoreMesh(**_MESH),
        out_type=jax.ShapeDtypeStruct((2, N_ACC, dh), jnp.float32),
        scratch_types=[
            [pltpu.VMEM((1, 2, CH), jnp.int32) for _ in range(4)],
            [pltpu.VMEM((CH, dh), jnp.float32) for _ in range(2)],
            pltpu.VMEM_SHARED((N_ACC, dh), jnp.float32),
            pltpu.SemaphoreType.DMA,
            pltpu.SemaphoreType.DMA,
            pltpu.SemaphoreType.DMA,
        ],
        compiler_params=pltpu.CompilerParams(use_tc_tiling_on_sc=False),
    )
    def seg_sum(yw_hbm, eidx_hbm, out_hbm, idx_v, rows_v, acc_sh,
                sem_g, sem_s, sem_i):
        c = lax.axis_index("c")
        s = lax.axis_index("s")

        zeros = jnp.zeros((L,), jnp.float32)
        kpr = dh // L
        r0v = rows_v[0]

        def _zrow(i, _):
            r0v[i // kpr, pl.ds((i % kpr) * L, L)] = zeros
            return 0

        lax.fori_loop(0, CH * kpr, _zrow, 0)

        def _zcopy(z, _):
            pltpu.sync_copy(r0v, acc_sh.at[pl.ds((s * ZCH + z) * CH, CH)])
            return 0

        lax.fori_loop(0, ZCH, _zcopy, 0)

        pad0 = jnp.int32(N)
        lane = lax.iota(jnp.int32, L)

        def _prime(j, _):
            idx_v[3][0, 1, pl.ds(j * L, L)] = pad0 + j * L + lane
            return 0

        lax.fori_loop(0, CH // L, _prime, 0)
        plsc.subcore_barrier()

        def _stage(slot, g):
            pltpu.async_copy(eidx_hbm.at[c, s, pl.ds(g, 1)], idx_v[slot], sem_i)

        def _stage_wait(slot):
            pltpu.make_async_copy(eidx_hbm.at[c, s, pl.ds(0, 1)], idx_v[slot],
                                  sem_i).wait()

        def _gather(slot, rb):
            pltpu.async_copy(yw_hbm.at[idx_v[slot].at[0, 0]], rows_v[rb], sem_g)

        def _gather_wait(slot, rb):
            pltpu.make_async_copy(yw_hbm.at[idx_v[slot].at[0, 0]], rows_v[rb],
                                  sem_g).wait()

        def _scatter(slot, rb):
            pltpu.async_copy(rows_v[rb], acc_sh.at[idx_v[slot].at[0, 1]],
                             sem_s, add=True)

        def _scatter_drain(slot, rb):
            pltpu.make_async_copy(rows_v[rb], acc_sh.at[idx_v[slot].at[0, 1]],
                                  sem_s).wait()

        for slot in range(3):
            _stage(slot, slot)
        _scatter(3, 1)
        _stage_wait(0)
        _gather(0, 0)

        def _quad(p, _):
            q0 = 4 * p
            for j in range(4):
                k = q0 + j
                slot, pslot, nslot, rb = j, (j - 1) % 4, (j + 1) % 4, j % 2
                _gather_wait(slot, rb)
                _scatter_drain(pslot, 1 - rb)

                @pl.when(k + 1 < NG)
                def _(nslot=nslot, rb=rb):
                    _stage_wait(nslot)
                    _gather(nslot, 1 - rb)

                _scatter(slot, rb)

                @pl.when(k + 3 < NG)
                def _(pslot=pslot, k=k):
                    _stage(pslot, k + 3)
            return 0

        lax.fori_loop(0, NQ, _quad, 0)
        _scatter_drain(3, 1)
        plsc.subcore_barrier()

        def _wb(z, _):
            r0 = (s * ZCH + z) * CH
            pltpu.sync_copy(acc_sh.at[pl.ds(r0, CH)], r0v)
            pltpu.sync_copy(r0v, out_hbm.at[c, pl.ds(r0, CH)])
            return 0

        lax.fori_loop(0, ZCH, _wb, 0)

    return seg_sum


_seg_sum_32 = _make_seg_sum(32)
_seg_sum_16 = _make_seg_sum(16)


def _lstm_body(x_ref, wih_ref, whh_ref, bih_ref, bhh_ref, p0_ref, p1_ref,
               w1_ref, yw_ref, dinv_ref):
    bias = bih_ref[:] + bhh_ref[:]
    h = jnp.zeros((B, H), jnp.float32)
    c = jnp.zeros((B, H), jnp.float32)
    for t in range(T):
        g = jnp.dot(x_ref[:, t, :], wih_ref[:], preferred_element_type=jnp.float32)
        g = g + jnp.dot(h, whh_ref[:], preferred_element_type=jnp.float32)
        g = g + bias
        i = jax.nn.sigmoid(g[:, 0:H])
        f = jax.nn.sigmoid(g[:, H:2 * H])
        gg = jnp.tanh(g[:, 2 * H:3 * H])
        o = jax.nn.sigmoid(g[:, 3 * H:4 * H])
        c = f * c + i * gg
        h = o * jnp.tanh(c)
    deg = p0_ref[0, :, 0:1] + p1_ref[0, :, 0:1] + 1.0
    dinv = lax.rsqrt(deg)
    yw = jnp.dot(dinv * h, w1_ref[:], preferred_element_type=jnp.float32)
    yw_ref[0] = yw[:, 0:H // 2]
    yw_ref[1] = yw[:, H // 2:H]
    dinv_ref[:] = jnp.broadcast_to(dinv, (B, L))


def _lstm_call(x, wih_t, whh_t, bih, bhh, deg_parts, w1_t):
    return pl.pallas_call(
        _lstm_body,
        grid=(NBLK,),
        in_specs=[
            pl.BlockSpec((B, T, F), lambda i: (i, 0, 0)),
            pl.BlockSpec((F, 4 * H), lambda i: (0, 0)),
            pl.BlockSpec((H, 4 * H), lambda i: (0, 0)),
            pl.BlockSpec((1, 4 * H), lambda i: (0, 0)),
            pl.BlockSpec((1, 4 * H), lambda i: (0, 0)),
            pl.BlockSpec((1, B, L), lambda i: (0, i, 0)),
            pl.BlockSpec((1, B, L), lambda i: (1, i, 0)),
            pl.BlockSpec((H, H), lambda i: (0, 0)),
        ],
        out_specs=[
            pl.BlockSpec((2, B, H // 2), lambda i: (0, i, 0)),
            pl.BlockSpec((B, L), lambda i: (i, 0)),
        ],
        out_shape=[
            jax.ShapeDtypeStruct((2, N, H // 2), jnp.float32),
            jax.ShapeDtypeStruct((N, L), jnp.float32),
        ],
    )(x, wih_t, whh_t, bih, bhh, deg_parts, deg_parts, w1_t)


def _comb1_body(slo_ref, shi_ref, ylo_ref, yhi_ref, dinv_ref, b1_ref, w_ref, out_ref):
    dinv = dinv_ref[:, 0:1]
    zlo = jnp.maximum(dinv * (slo_ref[0] + ylo_ref[0]) + b1_ref[:, 0:H // 2], 0.0)
    zhi = jnp.maximum(dinv * (shi_ref[0] + yhi_ref[0]) + b1_ref[:, H // 2:H], 0.0)
    z = jnp.concatenate([zlo, zhi], axis=1)
    yw2 = jnp.dot(dinv * z, w_ref[:], preferred_element_type=jnp.float32)
    out_ref[0] = yw2[:, 0:H // 4]
    out_ref[1] = yw2[:, H // 4:H // 2]


def _comb1_call(seg1, yw1_s, dinv16, b1, w2_t):
    return pl.pallas_call(
        _comb1_body,
        grid=(NBLK,),
        in_specs=[
            pl.BlockSpec((1, B, H // 2), lambda i: (0, i, 0)),
            pl.BlockSpec((1, B, H // 2), lambda i: (1, i, 0)),
            pl.BlockSpec((1, B, H // 2), lambda i: (0, i, 0)),
            pl.BlockSpec((1, B, H // 2), lambda i: (1, i, 0)),
            pl.BlockSpec((B, L), lambda i: (i, 0)),
            pl.BlockSpec((1, H), lambda i: (0, 0)),
            pl.BlockSpec((H, H // 2), lambda i: (0, 0)),
        ],
        out_specs=pl.BlockSpec((2, B, H // 4), lambda i: (0, i, 0)),
        out_shape=jax.ShapeDtypeStruct((2, N, H // 4), jnp.float32),
    )(seg1, seg1, yw1_s, yw1_s, dinv16, b1, w2_t)


def _comb2_body(slo_ref, shi_ref, ylo_ref, yhi_ref, dinv_ref, b2_ref, wc_ref,
                bc_ref, out_ref):
    dinv = dinv_ref[:, 0:1]
    zlo = jnp.maximum(dinv * (slo_ref[0] + ylo_ref[0]) + b2_ref[:, 0:H // 4], 0.0)
    zhi = jnp.maximum(dinv * (shi_ref[0] + yhi_ref[0]) + b2_ref[:, H // 4:H // 2], 0.0)
    z = jnp.concatenate([zlo, zhi], axis=1)
    logits = jnp.dot(z, wc_ref[:], preferred_element_type=jnp.float32) + bc_ref[:]
    m = jnp.max(logits, axis=1, keepdims=True)
    e = jnp.exp(logits - m)
    out_ref[:] = e / jnp.sum(e, axis=1, keepdims=True)


def _comb2_call(seg2, yw2_s, dinv16, b2, wc_t, bc):
    return pl.pallas_call(
        _comb2_body,
        grid=(NBLK,),
        in_specs=[
            pl.BlockSpec((1, B, H // 4), lambda i: (0, i, 0)),
            pl.BlockSpec((1, B, H // 4), lambda i: (1, i, 0)),
            pl.BlockSpec((1, B, H // 4), lambda i: (0, i, 0)),
            pl.BlockSpec((1, B, H // 4), lambda i: (1, i, 0)),
            pl.BlockSpec((B, L), lambda i: (i, 0)),
            pl.BlockSpec((1, H // 2), lambda i: (0, 0)),
            pl.BlockSpec((H // 2, 2), lambda i: (0, 0)),
            pl.BlockSpec((1, 2), lambda i: (0, 0)),
        ],
        out_specs=pl.BlockSpec((B, 2), lambda i: (i, 0)),
        out_shape=jax.ShapeDtypeStruct((N, 2), jnp.float32),
    )(seg2, seg2, yw2_s, yw2_s, dinv16, b2, wc_t, bc)


def kernel(x, edge_index, W_ih, W_hh, b_ih, b_hh, W1, b1, W2, b2, Wc, bc):
    src = edge_index[0].astype(jnp.int32)
    dst = edge_index[1].astype(jnp.int32)
    pad = E_PAD - E
    pad_pos = jnp.arange(pad, dtype=jnp.int32)
    srcp = jnp.concatenate([src, pad_pos % N])
    dstp = jnp.concatenate([dst, N + pad_pos % (N_ACC - N)])
    dst3 = dstp.reshape(NS, NCH, CH)
    sr = srcp.reshape(1, NS, NCH, 1, CH)
    dr = jnp.broadcast_to(dstp.reshape(1, NS, NCH, 1, CH), (2, NS, NCH, 1, CH))
    off = jnp.array([0, N], jnp.int32).reshape(2, 1, 1, 1, 1)
    eidx = jnp.concatenate([sr + off, dr], axis=3)

    deg_parts = _deg_kernel(dst3)

    yw1_s, dinv16 = _lstm_call(x, W_ih.T, W_hh.T, b_ih.reshape(1, -1),
                               b_hh.reshape(1, -1), deg_parts, W1.T)
    seg1 = _seg_sum_32(yw1_s.reshape(2 * N, H // 2), eidx)
    yw2_s = _comb1_call(seg1, yw1_s, dinv16, b1.reshape(1, -1), W2.T)
    seg2 = _seg_sum_16(yw2_s.reshape(2 * N, H // 4), eidx)
    return _comb2_call(seg2, yw2_s, dinv16, b2.reshape(1, -1), Wc.T,
                       bc.reshape(1, -1))

# --- scband reference (transcript-rebuilt; emitter-appended) ---
"""Pipeline reference for scband-anomaly-detector-38293928411575 (READ-ONLY COPY).

The authoritative reference and input builder live on the scoring server;
editing this copy changes nothing except your own understanding.
"""

import jax, jax.numpy as jnp
import numpy as np

N = 50000
T = 8
F = 128
H = 64
C = 2
E = 800000


def setup_inputs(seed: int = 0) -> dict:
    key = jax.random.key(seed)
    ks = jax.random.split(key, 16)
    x = jax.random.normal(ks[0], (N, T, F), dtype=jnp.float32)
    edge_index = jax.random.randint(ks[1], (2, E), 0, N, dtype=jnp.int64)
    s = 0.05
    W_ih = jax.random.normal(ks[2], (4 * H, F), dtype=jnp.float32) * s
    W_hh = jax.random.normal(ks[3], (4 * H, H), dtype=jnp.float32) * s
    b_ih = jax.random.normal(ks[4], (4 * H,), dtype=jnp.float32) * s
    b_hh = jax.random.normal(ks[5], (4 * H,), dtype=jnp.float32) * s
    W1 = jax.random.normal(ks[6], (H, H), dtype=jnp.float32) * s
    b1 = jnp.zeros((H,), dtype=jnp.float32)
    W2 = jax.random.normal(ks[7], (H // 2, H), dtype=jnp.float32) * s
    b2 = jnp.zeros((H // 2,), dtype=jnp.float32)
    Wc = jax.random.normal(ks[8], (C, H // 2), dtype=jnp.float32) * s
    bc = jnp.zeros((C,), dtype=jnp.float32)
    return {"x": x, "edge_index": edge_index, "W_ih": W_ih, "W_hh": W_hh,
            "b_ih": b_ih, "b_hh": b_hh, "W1": W1, "b1": b1, "W2": W2,
            "b2": b2, "Wc": Wc, "bc": bc}


def lstm_last_hidden(x, W_ih, W_hh, b_ih, b_hh):
    # PyTorch LSTM, batch_first=True, gate order i, f, g, o
    n = x.shape[0]
    h0 = jnp.zeros((n, H), x.dtype)
    c0 = jnp.zeros((n, H), x.dtype)

    def step(carry, xt):
        h, c = carry
        gates = xt @ W_ih.T + h @ W_hh.T + b_ih + b_hh
        i, f, g, o = jnp.split(gates, 4, axis=-1)
        i = jax.nn.sigmoid(i)
        f = jax.nn.sigmoid(f)
        g = jnp.tanh(g)
        o = jax.nn.sigmoid(o)
        c = f * c + i * g
        h = o * jnp.tanh(c)
        return (h, c), None

    (hT, _), _ = jax.lax.scan(step, (h0, c0), jnp.swapaxes(x, 0, 1))
    return hT  # == lstm_out[:, -1, :]


def gcn_conv(x, edge_index, W, b):
    # PyG GCNConv: add self loops, symmetric normalization, scatter-add
    n = x.shape[0]
    loops = jnp.arange(n, dtype=edge_index.dtype)
    src = jnp.concatenate([edge_index[0], loops])
    dst = jnp.concatenate([edge_index[1], loops])
    deg = jnp.zeros((n,), x.dtype).at[dst].add(1.0)
    dinv = jnp.where(deg > 0, deg ** -0.5, 0.0)
    norm = dinv[src] * dinv[dst]
    xw = x @ W.T
    msg = xw[src] * norm[:, None]
    out = jnp.zeros((n, xw.shape[1]), x.dtype).at[dst].add(msg)
    return out + b


def reference(x, edge_index, W_ih, W_hh, b_ih, b_hh, W1, b1, W2, b2, Wc, bc):
    feats = lstm_last_hidden(x, W_ih, W_hh, b_ih, b_hh)
    feats = jax.nn.relu(gcn_conv(feats, edge_index, W1, b1))
    feats = jax.nn.relu(gcn_conv(feats, edge_index, W2, b2))
    out = feats @ Wc.T + bc
    return jax.nn.softmax(out, axis=1)

if __name__ == "__main__":
    import jax
    _d = setup_inputs()
    print(jax.jit(kernel)(*tuple(_d.values())))

</pallas_src>

<mosaic_0001>
#map = affine_map<(d0, d1) -> (0, 0)>
#map1 = affine_map<(d0, d1) -> (0, 0, 0, 0, 0)>
#map2 = affine_map<(d0, d1) -> (0, 0, 0)>
module attributes {stable_mosaic.version = 14 : i64} {
  func.func @seg_sum(%arg0: i32, %arg1: i32, %arg2: memref<100000x32xf32, #tpu.memory_space<hbm>>, %arg3: memref<2x16x392x2x128xi32, #tpu.memory_space<hbm>>, %arg4: memref<2x51200x32xf32, #tpu.memory_space<hbm>>, %arg5: memref<1x2x128xi32, #tpu.memory_space<vmem>>, %arg6: memref<1x2x128xi32, #tpu.memory_space<vmem>>, %arg7: memref<1x2x128xi32, #tpu.memory_space<vmem>>, %arg8: memref<1x2x128xi32, #tpu.memory_space<vmem>>, %arg9: memref<128x32xf32, #tpu.memory_space<vmem>>, %arg10: memref<128x32xf32, #tpu.memory_space<vmem>>, %arg11: memref<51200x32xf32, #tpu.memory_space<vmem_shared>>, %arg12: memref<!tpu.dma_semaphore, #tpu.memory_space<semaphore_mem>>, %arg13: memref<!tpu.dma_semaphore, #tpu.memory_space<semaphore_mem>>, %arg14: memref<!tpu.dma_semaphore, #tpu.memory_space<semaphore_mem>>) attributes {dimension_semantics = [#tpu.dimension_semantics<core_parallel>, #tpu.dimension_semantics<subcore_parallel>], iteration_bounds = array<i64: 2, 16>, scalar_prefetch = 0 : i64, scratch_operands = 10 : i64, tpu.core_type = #tpu.core_type<sc_vector_subcore>, window_params = [{transform_indices = #map}, {transform_indices = #map1}, {transform_indices = #map2}]} {
    %broadcast_in_dim3A = arith.constant 0.000000e+00 : f32
    %broadcast_in_dim3A_0 = vector.broadcast %broadcast_in_dim3A : f32 to vector<16xf32>
    %scan3A = arith.constant 0 : i32
    %scan3A_1 = arith.constant 0 : i32
    %scan3A_2 = arith.constant 256 : i32
    %scan3A_3 = arith.addi %scan3A_1, %scan3A_2 : i32
    %scan3A_4 = arith.constant 1 : i32
    %scan3A_5 = scf.for %scan3A_99 = %scan3A_1 to %scan3A_3 step %scan3A_4 iter_args(%scan3A_100 = %scan3A) -> (i32)  : i32 {
      %jit3A = arith.constant 2 : i32
      %div3A = arith.divsi %scan3A_99, %jit3A : i32
      %sign3A = arith.constant 0 : i32
      %sign3A_101 = arith.cmpi sgt, %scan3A_99, %sign3A : i32
      %sign3A_102 = arith.extui %sign3A_101 : i1 to i32
      %sign3A_103 = arith.constant 0 : i32
      %sign3A_104 = arith.cmpi slt, %scan3A_99, %sign3A_103 : i32
      %sign3A_105 = arith.extui %sign3A_104 : i1 to i32
      %sign3A_106 = arith.subi %sign3A_102, %sign3A_105 : i32
      %sign3A_107 = arith.constant 0 : i32
      %sign3A_108 = arith.cmpi sgt, %jit3A, %sign3A_107 : i32
      %sign3A_109 = arith.extui %sign3A_108 : i1 to i32
      %sign3A_110 = arith.constant 0 : i32
      %sign3A_111 = arith.cmpi slt, %jit3A, %sign3A_110 : i32
      %sign3A_112 = arith.extui %sign3A_111 : i1 to i32
      %sign3A_113 = arith.subi %sign3A_109, %sign3A_112 : i32
      %ne3A = arith.cmpi ne, %sign3A_106, %sign3A_113 : i32
      %rem3A = arith.remsi %scan3A_99, %jit3A : i32
      %ne3A_114 = arith.constant 0 : i32
      %ne3A_115 = arith.cmpi ne, %rem3A, %ne3A_114 : i32
      %and3A = arith.andi %ne3A, %ne3A_115 : i1
      %sub3A = arith.constant 1 : i32
      %sub3A_116 = arith.subi %div3A, %sub3A : i32
      %select_n3A = arith.select %and3A, %sub3A_116, %div3A : i32
      %jit3A_117 = arith.constant 2 : i32
      %eq3A = arith.constant 0 : i32
      %eq3A_118 = arith.cmpi eq, %jit3A_117, %eq3A : i32
      %jit3A_119 = arith.constant 1 : i32
      %select_n3A_120 = arith.select %eq3A_118, %jit3A_119, %jit3A_117 : i32
      %rem3A_121 = arith.remsi %scan3A_99, %select_n3A_120 : i32
      %ne3A_122 = arith.constant 0 : i32
      %ne3A_123 = arith.cmpi ne, %rem3A_121, %ne3A_122 : i32
      %lt3A = arith.constant 0 : i32
      %lt3A_124 = arith.cmpi slt, %rem3A_121, %lt3A : i32
      %lt3A_125 = arith.constant 0 : i32
      %lt3A_126 = arith.cmpi slt, %select_n3A_120, %lt3A_125 : i32
      %ne3A_127 = arith.xori %lt3A_124, %lt3A_126 : i1
      %and3A_128 = arith.andi %ne3A_127, %ne3A_123 : i1
      %add3A = arith.addi %rem3A_121, %select_n3A_120 : i32
      %select_n3A_129 = arith.select %and3A_128, %add3A, %rem3A_121 : i32
      %mul3A = arith.constant 16 : i32
      %mul3A_130 = arith.muli %select_n3A_129, %mul3A : i32
      %swap3A = arith.index_cast %select_n3A : i32 to index
      %swap3A_131 = arith.index_cast %mul3A_130 : i32 to index
      %swap3A_132 = tpu.vector_load %arg9[%swap3A, %swap3A_131] {strides = array<i32>} : memref<128x32xf32, #tpu.memory_space<vmem>>, vector<1x16xf32>,
      %swap3A_133 = vector.shape_cast %swap3A_132 : vector<1x16xf32> to vector<16xf32>
      %swap3A_134 = vector.shape_cast %broadcast_in_dim3A_0 : vector<16xf32> to vector<1x16xf32>
      tpu.vector_store %arg9[%swap3A, %swap3A_131], %swap3A_134 {strides = array<i32>} : memref<128x32xf32, #tpu.memory_space<vmem>>, vector<1x16xf32>,
      %scan3A_135 = arith.constant 0 : i32
      scf.yield %scan3A_135 : i32
    }
    %scan3A_6 = arith.constant 256 : i32
    %scan3A_7 = arith.constant 0 : i32
    %scan3A_8 = arith.constant 0 : i32
    %scan3A_9 = arith.constant 25 : i32
    %scan3A_10 = arith.addi %scan3A_8, %scan3A_9 : i32
    %scan3A_11 = arith.constant 1 : i32
    %scan3A_12 = scf.for %scan3A_99 = %scan3A_8 to %scan3A_10 step %scan3A_11 iter_args(%scan3A_100 = %scan3A_7) -> (i32)  : i32 {
      %mul3A = arith.constant 25 : i32
      %mul3A_101 = arith.muli %arg1, %mul3A : i32
      %add3A = arith.addi %mul3A_101, %scan3A_99 : i32
      %mul3A_102 = arith.constant 128 : i32
      %mul3A_103 = arith.muli %add3A, %mul3A_102 : i32
      "tpu.region"() ({
        %run_scoped3A = tpu.sem_alloc : memref<!tpu.dma_semaphore, #tpu.memory_space<semaphore_mem>>
        %dma_start3A_105 = arith.constant 0 : i32
        %dma_start3A_106 = tpu.memref_slice %arg11[%mul3A_103, %dma_start3A_105] : memref<51200x32xf32, #tpu.memory_space<vmem_shared>> -> memref<128x32xf32, #tpu.memory_space<vmem_shared>>
        %dma_start3A_107 = arith.constant 0 : i32
        %dma_start3A_108 = tpu.memref_slice %arg11[%mul3A_103, %dma_start3A_107] : memref<51200x32xf32, #tpu.memory_space<vmem_shared>> -> memref<128x32xf32, #tpu.memory_space<vmem_shared>>
        tpu.enqueue_dma source(%arg9 : memref<128x32xf32, #tpu.memory_space<vmem>>) target(%dma_start3A_108 : memref<128x32xf32, #tpu.memory_space<vmem_shared>>) target_semaphore(%run_scoped3A : memref<!tpu.dma_semaphore, #tpu.memory_space<semaphore_mem>>)
        %dma_wait3A_109 = arith.constant 0 : i32
        %dma_wait3A_110 = tpu.memref_slice %arg11[%mul3A_103, %dma_wait3A_109] : memref<51200x32xf32, #tpu.memory_space<vmem_shared>> -> memref<128x32xf32, #tpu.memory_space<vmem_shared>>
        %dma_wait3A_111 = arith.constant 0 : i32
        %dma_wait3A_112 = tpu.memref_slice %arg11[%mul3A_103, %dma_wait3A_111] : memref<51200x32xf32, #tpu.memory_space<vmem_shared>> -> memref<128x32xf32, #tpu.memory_space<vmem_shared>>
        tpu.wait_dma2 semaphore(%run_scoped3A : memref<!tpu.dma_semaphore, #tpu.memory_space<semaphore_mem>>) src(%arg9 : memref<128x32xf32, #tpu.memory_space<vmem>>) dst(%dma_wait3A_112 : memref<128x32xf32, #tpu.memory_space<vmem_shared>>)
        tpu.yield
      }) : () -> ()
      %scan3A_104 = arith.constant 0 : i32
      scf.yield %scan3A_104 : i32
    }
    %scan3A_13 = arith.constant 25 : i32
    %iota3A = tpu.iota {dimensions = array<i32: 0>} : vector<16xi32>
    %scan3A_14 = arith.constant 50000 : i32
    %scan3A_15 = arith.constant 0 : i32
    %scan3A_16 = arith.constant 0 : i32
    %scan3A_17 = arith.constant 8 : i32
    %scan3A_18 = arith.addi %scan3A_16, %scan3A_17 : i32
    %scan3A_19 = arith.constant 1 : i32
    %scan3A_20 = scf.for %scan3A_99 = %scan3A_16 to %scan3A_18 step %scan3A_19 iter_args(%scan3A_100 = %scan3A_15) -> (i32)  : i32 {
      %mul3A = arith.constant 16 : i32
      %mul3A_101 = arith.muli %scan3A_99, %mul3A : i32
      %add3A = arith.addi %scan3A_14, %mul3A_101 : i32
      %add3A_102 = vector.broadcast %add3A : i32 to vector<16xi32>
      %add3A_103 = arith.addi %add3A_102, %iota3A : vector<16xi32>
      %mul3A_104 = arith.constant 16 : i32
      %mul3A_105 = arith.muli %scan3A_99, %mul3A_104 : i32
      %swap3A = arith.constant 0 : i32
      %swap3A_106 = arith.constant 1 : i32
      %swap3A_107 = arith.index_cast %swap3A : i32 to index
      %swap3A_108 = arith.index_cast %swap3A_106 : i32 to index
      %swap3A_109 = arith.index_cast %mul3A_105 : i32 to index
      %swap3A_110 = tpu.vector_load %arg8[%swap3A_107, %swap3A_108, %swap3A_109] {strides = array<i32>} : memref<1x2x128xi32, #tpu.memory_space<vmem>>, vector<1x1x16xi32>,
      %swap3A_111 = vector.shape_cast %swap3A_110 : vector<1x1x16xi32> to vector<16xi32>
      %swap3A_112 = vector.shape_cast %add3A_103 : vector<16xi32> to vector<1x1x16xi32>
      tpu.vector_store %arg8[%swap3A_107, %swap3A_108, %swap3A_109], %swap3A_112 {strides = array<i32>} : memref<1x2x128xi32, #tpu.memory_space<vmem>>, vector<1x1x16xi32>,
      %scan3A_113 = arith.constant 0 : i32
      scf.yield %scan3A_113 : i32
    }
    %scan3A_21 = arith.constant 8 : i32
    %barrier3A = arith.constant 0 : index
    tpu.barrier barrier_id(%barrier3A)
    %dma_start3A = arith.constant 0 : i32
    %dma_start3A_22 = arith.constant 0 : i32
    %dma_start3A_23 = arith.constant 0 : i32
    %dma_start3A_24 = tpu.memref_slice %arg3[%arg0, %arg1, %dma_start3A, %dma_start3A_22, %dma_start3A_23] : memref<2x16x392x2x128xi32, #tpu.memory_space<hbm>> -> memref<1x1x1x2x128xi32, #tpu.memory_space<hbm>>
    %dma_start3A_25 = tpu.memref_squeeze %dma_start3A_24 : memref<1x1x1x2x128xi32, #tpu.memory_space<hbm>> -> memref<1x2x128xi32, #tpu.memory_space<hbm>>
    %dma_start3A_26 = arith.constant 0 : i32
    %dma_start3A_27 = arith.constant 0 : i32
    %dma_start3A_28 = arith.constant 0 : i32
    %dma_start3A_29 = tpu.memref_slice %arg3[%arg0, %arg1, %dma_start3A_26, %dma_start3A_27, %dma_start3A_28] : memref<2x16x392x2x128xi32, #tpu.memory_space<hbm>> -> memref<1x1x1x2x128xi32, #tpu.memory_space<hbm>>
    %dma_start3A_30 = tpu.memref_squeeze %dma_start3A_29 : memref<1x1x1x2x128xi32, #tpu.memory_space<hbm>> -> memref<1x2x128xi32, #tpu.memory_space<hbm>>
    tpu.enqueue_dma source(%dma_start3A_30 : memref<1x2x128xi32, #tpu.memory_space<hbm>>) target(%arg5 : memref<1x2x128xi32, #tpu.memory_space<vmem>>) target_semaphore(%arg14 : memref<!tpu.dma_semaphore, #tpu.memory_space<semaphore_mem>>)
    %dma_start3A_31 = arith.constant 1 : i32
    %dma_start3A_32 = arith.constant 0 : i32
    %dma_start3A_33 = arith.constant 0 : i32
    %dma_start3A_34 = tpu.memref_slice %arg3[%arg0, %arg1, %dma_start3A_31, %dma_start3A_32, %dma_start3A_33] : memref<2x16x392x2x128xi32, #tpu.memory_space<hbm>> -> memref<1x1x1x2x128xi32, #tpu.memory_space<hbm>>
    %dma_start3A_35 = tpu.memref_squeeze %dma_start3A_34 : memref<1x1x1x2x128xi32, #tpu.memory_space<hbm>> -> memref<1x2x128xi32, #tpu.memory_space<hbm>>
    %dma_start3A_36 = arith.constant 1 : i32
    %dma_start3A_37 = arith.constant 0 : i32
    %dma_start3A_38 = arith.constant 0 : i32
    %dma_start3A_39 = tpu.memref_slice %arg3[%arg0, %arg1, %dma_start3A_36, %dma_start3A_37, %dma_start3A_38] : memref<2x16x392x2x128xi32, #tpu.memory_space<hbm>> -> memref<1x1x1x2x128xi32, #tpu.memory_space<hbm>>
    %dma_start3A_40 = tpu.memref_squeeze %dma_start3A_39 : memref<1x1x1x2x128xi32, #tpu.memory_space<hbm>> -> memref<1x2x128xi32, #tpu.memory_space<hbm>>
    tpu.enqueue_dma source(%dma_start3A_40 : memref<1x2x128xi32, #tpu.memory_space<hbm>>) target(%arg6 : memref<1x2x128xi32, #tpu.memory_space<vmem>>) target_semaphore(%arg14 : memref<!tpu.dma_semaphore, #tpu.memory_space<semaphore_mem>>)
    %dma_start3A_41 = arith.constant 2 : i32
    %dma_start3A_42 = arith.constant 0 : i32
    %dma_start3A_43 = arith.constant 0 : i32
    %dma_start3A_44 = tpu.memref_slice %arg3[%arg0, %arg1, %dma_start3A_41, %dma_start3A_42, %dma_start3A_43] : memref<2x16x392x2x128xi32, #tpu.memory_space<hbm>> -> memref<1x1x1x2x128xi32, #tpu.memory_space<hbm>>
    %dma_start3A_45 = tpu.memref_squeeze %dma_start3A_44 : memref<1x1x1x2x128xi32, #tpu.memory_space<hbm>> -> memref<1x2x128xi32, #tpu.memory_space<hbm>>
    %dma_start3A_46 = arith.constant 2 : i32
    %dma_start3A_47 = arith.constant 0 : i32
    %dma_start3A_48 = arith.constant 0 : i32
    %dma_start3A_49 = tpu.memref_slice %arg3[%arg0, %arg1, %dma_start3A_46, %dma_start3A_47, %dma_start3A_48] : memref<2x16x392x2x128xi32, #tpu.memory_space<hbm>> -> memref<1x1x1x2x128xi32, #tpu.memory_space<hbm>>
    %dma_start3A_50 = tpu.memref_squeeze %dma_start3A_49 : memref<1x1x1x2x128xi32, #tpu.memory_space<hbm>> -> memref<1x2x128xi32, #tpu.memory_space<hbm>>
    tpu.enqueue_dma source(%dma_start3A_50 : memref<1x2x128xi32, #tpu.memory_space<hbm>>) target(%arg7 : memref<1x2x128xi32, #tpu.memory_space<vmem>>) target_semaphore(%arg14 : memref<!tpu.dma_semaphore, #tpu.memory_space<semaphore_mem>>)
    %dma_start3A_51 = arith.constant 0 : i32
    %dma_start3A_52 = arith.constant 1 : i32
    %dma_start3A_53 = arith.constant 0 : i32
    %dma_start3A_54 = tpu.memref_slice %arg8[%dma_start3A_51, %dma_start3A_52, %dma_start3A_53] : memref<1x2x128xi32, #tpu.memory_space<vmem>> -> memref<1x1x128xi32, #tpu.memory_space<vmem>>
    %dma_start3A_55 = tpu.memref_squeeze %dma_start3A_54 : memref<1x1x128xi32, #tpu.memory_space<vmem>> -> memref<128xi32, #tpu.memory_space<vmem>>
    %dma_start3A_56 = arith.constant 0 : i32
    %dma_start3A_57 = arith.constant 0 : i32
    %dma_start3A_58 = tpu.memref_slice %arg11[%dma_start3A_56, %dma_start3A_57] : memref<51200x32xf32, #tpu.memory_space<vmem_shared>> -> memref<51200x32xf32, #tpu.memory_space<vmem_shared>>
    tpu.enqueue_indirect_dma source(%arg10 : memref<128x32xf32, #tpu.memory_space<vmem>>) target(%dma_start3A_58 : memref<51200x32xf32, #tpu.memory_space<vmem_shared>>) offsets(%dma_start3A_55 : memref<128xi32, #tpu.memory_space<vmem>>) semaphore(%arg13 : memref<!tpu.dma_semaphore, #tpu.memory_space<semaphore_mem>>) {add = true}
    %dma_wait3A = arith.constant 0 : i32
    %dma_wait3A_59 = arith.constant 0 : i32
    %dma_wait3A_60 = arith.constant 0 : i32
    %dma_wait3A_61 = tpu.memref_slice %arg3[%arg0, %arg1, %dma_wait3A, %dma_wait3A_59, %dma_wait3A_60] : memref<2x16x392x2x128xi32, #tpu.memory_space<hbm>> -> memref<1x1x1x2x128xi32, #tpu.memory_space<hbm>>
    %dma_wait3A_62 = tpu.memref_squeeze %dma_wait3A_61 : memref<1x1x1x2x128xi32, #tpu.memory_space<hbm>> -> memref<1x2x128xi32, #tpu.memory_space<hbm>>
    %dma_wait3A_63 = arith.constant 0 : i32
    %dma_wait3A_64 = arith.constant 0 : i32
    %dma_wait3A_65 = arith.constant 0 : i32
    %dma_wait3A_66 = tpu.memref_slice %arg3[%arg0, %arg1, %dma_wait3A_63, %dma_wait3A_64, %dma_wait3A_65] : memref<2x16x392x2x128xi32, #tpu.memory_space<hbm>> -> memref<1x1x1x2x128xi32, #tpu.memory_space<hbm>>
    %dma_wait3A_67 = tpu.memref_squeeze %dma_wait3A_66 : memref<1x1x1x2x128xi32, #tpu.memory_space<hbm>> -> memref<1x2x128xi32, #tpu.memory_space<hbm>>
    tpu.wait_dma2 semaphore(%arg14 : memref<!tpu.dma_semaphore, #tpu.memory_space<semaphore_mem>>) src(%dma_wait3A_67 : memref<1x2x128xi32, #tpu.memory_space<hbm>>) dst(%arg5 : memref<1x2x128xi32, #tpu.memory_space<vmem>>)
    %dma_start3A_68 = arith.constant 0 : i32
    %dma_start3A_69 = arith.constant 0 : i32
    %dma_start3A_70 = arith.constant 0 : i32
    %dma_start3A_71 = tpu.memref_slice %arg5[%dma_start3A_68, %dma_start3A_69, %dma_start3A_70] : memref<1x2x128xi32, #tpu.memory_space<vmem>> -> memref<1x1x128xi32, #tpu.memory_space<vmem>>
    %dma_start3A_72 = tpu.memref_squeeze %dma_start3A_71 : memref<1x1x128xi32, #tpu.memory_space<vmem>> -> memref<128xi32, #tpu.memory_space<vmem>>
    %dma_start3A_73 = arith.constant 0 : i32
    %dma_start3A_74 = arith.constant 0 : i32
    %dma_start3A_75 = tpu.memref_slice %arg2[%dma_start3A_73, %dma_start3A_74] : memref<100000x32xf32, #tpu.memory_space<hbm>> -> memref<100000x32xf32, #tpu.memory_space<hbm>>
    tpu.enqueue_indirect_dma source(%dma_start3A_75 : memref<100000x32xf32, #tpu.memory_space<hbm>>) target(%arg9 : memref<128x32xf32, #tpu.memory_space<vmem>>) offsets(%dma_start3A_72 : memref<128xi32, #tpu.memory_space<vmem>>) semaphore(%arg12 : memref<!tpu.dma_semaphore, #tpu.memory_space<semaphore_mem>>)
    %scan3A_76 = arith.constant 0 : i32
    %scan3A_77 = arith.constant 0 : i32
    %scan3A_78 = arith.constant 98 : i32
    %scan3A_79 = arith.addi %scan3A_77, %scan3A_78 : i32
    %scan3A_80 = arith.constant 1 : i32
    %scan3A_81 = scf.for %scan3A_99 = %scan3A_77 to %scan3A_79 step %scan3A_80 iter_args(%scan3A_100 = %scan3A_76) -> (i32)  : i32 {
      %mul3A = arith.constant 4 : i32
      %mul3A_101 = arith.muli %mul3A, %scan3A_99 : i32
      %add3A = arith.constant 0 : i32
      %add3A_102 = arith.addi %mul3A_101, %add3A : i32
      %dma_wait3A_103 = arith.constant 0 : i32
      %dma_wait3A_104 = arith.constant 0 : i32
      %dma_wait3A_105 = arith.constant 0 : i32
      %dma_wait3A_106 = tpu.memref_slice %arg5[%dma_wait3A_103, %dma_wait3A_104, %dma_wait3A_105] : memref<1x2x128xi32, #tpu.memory_space<vmem>> -> memref<1x1x128xi32, #tpu.memory_space<vmem>>
      %dma_wait3A_107 = tpu.memref_squeeze %dma_wait3A_106 : memref<1x1x128xi32, #tpu.memory_space<vmem>> -> memref<128xi32, #tpu.memory_space<vmem>>
      %dma_wait3A_108 = arith.constant 0 : i32
      %dma_wait3A_109 = arith.constant 0 : i32
      %dma_wait3A_110 = tpu.memref_slice %arg2[%dma_wait3A_108, %dma_wait3A_109] : memref<100000x32xf32, #tpu.memory_space<hbm>> -> memref<100000x32xf32, #tpu.memory_space<hbm>>
      tpu.wait_indirect_dma semaphore(%arg12 : memref<!tpu.dma_semaphore, #tpu.memory_space<semaphore_mem>>) src(%dma_wait3A_110 : memref<100000x32xf32, #tpu.memory_space<hbm>>) dst(%arg9 : memref<128x32xf32, #tpu.memory_space<vmem>>)
      %dma_wait3A_111 = arith.constant 0 : i32
      %dma_wait3A_112 = arith.constant 1 : i32
      %dma_wait3A_113 = arith.constant 0 : i32
      %dma_wait3A_114 = tpu.memref_slice %arg8[%dma_wait3A_111, %dma_wait3A_112, %dma_wait3A_113] : memref<1x2x128xi32, #tpu.memory_space<vmem>> -> memref<1x1x128xi32, #tpu.memory_space<vmem>>
      %dma_wait3A_115 = tpu.memref_squeeze %dma_wait3A_114 : memref<1x1x128xi32, #tpu.memory_space<vmem>> -> memref<128xi32, #tpu.memory_space<vmem>>
      %dma_wait3A_116 = arith.constant 0 : i32
      %dma_wait3A_117 = arith.constant 0 : i32
      %dma_wait3A_118 = tpu.memref_slice %arg11[%dma_wait3A_116, %dma_wait3A_117] : memref<51200x32xf32, #tpu.memory_space<vmem_shared>> -> memref<51200x32xf32, #tpu.memory_space<vmem_shared>>
      tpu.wait_indirect_dma semaphore(%arg13 : memref<!tpu.dma_semaphore, #tpu.memory_space<semaphore_mem>>) src(%arg10 : memref<128x32xf32, #tpu.memory_space<vmem>>) dst(%dma_wait3A_118 : memref<51200x32xf32, #tpu.memory_space<vmem_shared>>)
      %add3A_119 = arith.constant 1 : i32
      %add3A_120 = arith.addi %add3A_102, %add3A_119 : i32
      %lt3A = arith.constant 392 : i32
      %lt3A_121 = arith.cmpi slt, %add3A_120, %lt3A : i32
      %convert_element_type3A = arith.extui %lt3A_121 : i1 to i32
      %cond3A = arith.constant 0 : i32
      %cond3A_122 = arith.cmpi ne, %convert_element_type3A, %cond3A : i32
      scf.if %cond3A_122 {
        %dma_wait3A_259 = arith.constant 0 : i32
        %dma_wait3A_260 = arith.constant 0 : i32
        %dma_wait3A_261 = arith.constant 0 : i32
        %dma_wait3A_262 = tpu.memref_slice %arg3[%arg0, %arg1, %dma_wait3A_259, %dma_wait3A_260, %dma_wait3A_261] : memref<2x16x392x2x128xi32, #tpu.memory_space<hbm>> -> memref<1x1x1x2x128xi32, #tpu.memory_space<hbm>>
        %dma_wait3A_263 = tpu.memref_squeeze %dma_wait3A_262 : memref<1x1x1x2x128xi32, #tpu.memory_space<hbm>> -> memref<1x2x128xi32, #tpu.memory_space<hbm>>
        %dma_wait3A_264 = arith.constant 0 : i32
        %dma_wait3A_265 = arith.constant 0 : i32
        %dma_wait3A_266 = arith.constant 0 : i32
        %dma_wait3A_267 = tpu.memref_slice %arg3[%arg0, %arg1, %dma_wait3A_264, %dma_wait3A_265, %dma_wait3A_266] : memref<2x16x392x2x128xi32, #tpu.memory_space<hbm>> -> memref<1x1x1x2x128xi32, #tpu.memory_space<hbm>>
        %dma_wait3A_268 = tpu.memref_squeeze %dma_wait3A_267 : memref<1x1x1x2x128xi32, #tpu.memory_space<hbm>> -> memref<1x2x128xi32, #tpu.memory_space<hbm>>
        tpu.wait_dma2 semaphore(%arg14 : memref<!tpu.dma_semaphore, #tpu.memory_space<semaphore_mem>>) src(%dma_wait3A_268 : memref<1x2x128xi32, #tpu.memory_space<hbm>>) dst(%arg6 : memref<1x2x128xi32, #tpu.memory_space<vmem>>)
        %dma_start3A_269 = arith.constant 0 : i32
        %dma_start3A_270 = arith.constant 0 : i32
        %dma_start3A_271 = arith.constant 0 : i32
        %dma_start3A_272 = tpu.memref_slice %arg6[%dma_start3A_269, %dma_start3A_270, %dma_start3A_271] : memref<1x2x128xi32, #tpu.memory_space<vmem>> -> memref<1x1x128xi32, #tpu.memory_space<vmem>>
        %dma_start3A_273 = tpu.memref_squeeze %dma_start3A_272 : memref<1x1x128xi32, #tpu.memory_space<vmem>> -> memref<128xi32, #tpu.memory_space<vmem>>
        %dma_start3A_274 = arith.constant 0 : i32
        %dma_start3A_275 = arith.constant 0 : i32
        %dma_start3A_276 = tpu.memref_slice %arg2[%dma_start3A_274, %dma_start3A_275] : memref<100000x32xf32, #tpu.memory_space<hbm>> -> memref<100000x32xf32, #tpu.memory_space<hbm>>
        tpu.enqueue_indirect_dma source(%dma_start3A_276 : memref<100000x32xf32, #tpu.memory_space<hbm>>) target(%arg10 : memref<128x32xf32, #tpu.memory_space<vmem>>) offsets(%dma_start3A_273 : memref<128xi32, #tpu.memory_space<vmem>>) semaphore(%arg12 : memref<!tpu.dma_semaphore, #tpu.memory_space<semaphore_mem>>)
      } else {
      }
      %dma_start3A_123 = arith.constant 0 : i32
      %dma_start3A_124 = arith.constant 1 : i32
      %dma_start3A_125 = arith.constant 0 : i32
      %dma_start3A_126 = tpu.memref_slice %arg5[%dma_start3A_123, %dma_start3A_124, %dma_start3A_125] : memref<1x2x128xi32, #tpu.memory_space<vmem>> -> memref<1x1x128xi32, #tpu.memory_space<vmem>>
      %dma_start3A_127 = tpu.memref_squeeze %dma_start3A_126 : memref<1x1x128xi32, #tpu.memory_space<vmem>> -> memref<128xi32, #tpu.memory_space<vmem>>
      %dma_start3A_128 = arith.constant 0 : i32
      %dma_start3A_129 = arith.constant 0 : i32
      %dma_start3A_130 = tpu.memref_slice %arg11[%dma_start3A_128, %dma_start3A_129] : memref<51200x32xf32, #tpu.memory_space<vmem_shared>> -> memref<51200x32xf32, #tpu.memory_space<vmem_shared>>
      tpu.enqueue_indirect_dma source(%arg9 : memref<128x32xf32, #tpu.memory_space<vmem>>) target(%dma_start3A_130 : memref<51200x32xf32, #tpu.memory_space<vmem_shared>>) offsets(%dma_start3A_127 : memref<128xi32, #tpu.memory_space<vmem>>) semaphore(%arg13 : memref<!tpu.dma_semaphore, #tpu.memory_space<semaphore_mem>>) {add = true}
      %add3A_131 = arith.constant 3 : i32
      %add3A_132 = arith.addi %add3A_102, %add3A_131 : i32
      %lt3A_133 = arith.constant 392 : i32
      %lt3A_134 = arith.cmpi slt, %add3A_132, %lt3A_133 : i32
      %convert_element_type3A_135 = arith.extui %lt3A_134 : i1 to i32
      %cond3A_136 = arith.constant 0 : i32
      %cond3A_137 = arith.cmpi ne, %convert_element_type3A_135, %cond3A_136 : i32
      scf.if %cond3A_137 {
        %add3A_259 = arith.constant 3 : i32
        %add3A_260 = arith.addi %add3A_102, %add3A_259 : i32
        %dma_start3A_261 = arith.constant 0 : i32
        %dma_start3A_262 = arith.constant 0 : i32
        %dma_start3A_263 = tpu.memref_slice %arg3[%arg0, %arg1, %add3A_260, %dma_start3A_261, %dma_start3A_262] : memref<2x16x392x2x128xi32, #tpu.memory_space<hbm>> -> memref<1x1x1x2x128xi32, #tpu.memory_space<hbm>>
        %dma_start3A_264 = tpu.memref_squeeze %dma_start3A_263 : memref<1x1x1x2x128xi32, #tpu.memory_space<hbm>> -> memref<1x2x128xi32, #tpu.memory_space<hbm>>
        %dma_start3A_265 = arith.constant 0 : i32
        %dma_start3A_266 = arith.constant 0 : i32
        %dma_start3A_267 = tpu.memref_slice %arg3[%arg0, %arg1, %add3A_260, %dma_start3A_265, %dma_start3A_266] : memref<2x16x392x2x128xi32, #tpu.memory_space<hbm>> -> memref<1x1x1x2x128xi32, #tpu.memory_space<hbm>>
        %dma_start3A_268 = tpu.memref_squeeze %dma_start3A_267 : memref<1x1x1x2x128xi32, #tpu.memory_space<hbm>> -> memref<1x2x128xi32, #tpu.memory_space<hbm>>
        tpu.enqueue_dma source(%dma_start3A_268 : memref<1x2x128xi32, #tpu.memory_space<hbm>>) target(%arg8 : memref<1x2x128xi32, #tpu.memory_space<vmem>>) target_semaphore(%arg14 : memref<!tpu.dma_semaphore, #tpu.memory_space<semaphore_mem>>)
      } else {
      }
      %add3A_138 = arith.constant 1 : i32
      %add3A_139 = arith.addi %mul3A_101, %add3A_138 : i32
      %dma_wait3A_140 = arith.constant 0 : i32
      %dma_wait3A_141 = arith.constant 0 : i32
      %dma_wait3A_142 = arith.constant 0 : i32
      %dma_wait3A_143 = tpu.memref_slice %arg6[%dma_wait3A_140, %dma_wait3A_141, %dma_wait3A_142] : memref<1x2x128xi32, #tpu.memory_space<vmem>> -> memref<1x1x128xi32, #tpu.memory_space<vmem>>
      %dma_wait3A_144 = tpu.memref_squeeze %dma_wait3A_143 : memref<1x1x128xi32, #tpu.memory_space<vmem>> -> memref<128xi32, #tpu.memory_space<vmem>>
      %dma_wait3A_145 = arith.constant 0 : i32
      %dma_wait3A_146 = arith.constant 0 : i32
      %dma_wait3A_147 = tpu.memref_slice %arg2[%dma_wait3A_145, %dma_wait3A_146] : memref<100000x32xf32, #tpu.memory_space<hbm>> -> memref<100000x32xf32, #tpu.memory_space<hbm>>
      tpu.wait_indirect_dma semaphore(%arg12 : memref<!tpu.dma_semaphore, #tpu.memory_space<semaphore_mem>>) src(%dma_wait3A_147 : memref<100000x32xf32, #tpu.memory_space<hbm>>) dst(%arg10 : memref<128x32xf32, #tpu.memory_space<vmem>>)
      %dma_wait3A_148 = arith.constant 0 : i32
      %dma_wait3A_149 = arith.constant 1 : i32
      %dma_wait3A_150 = arith.constant 0 : i32
      %dma_wait3A_151 = tpu.memref_slice %arg5[%dma_wait3A_148, %dma_wait3A_149, %dma_wait3A_150] : memref<1x2x128xi32, #tpu.memory_space<vmem>> -> memref<1x1x128xi32, #tpu.memory_space<vmem>>
      %dma_wait3A_152 = tpu.memref_squeeze %dma_wait3A_151 : memref<1x1x128xi32, #tpu.memory_space<vmem>> -> memref<128xi32, #tpu.memory_space<vmem>>
      %dma_wait3A_153 = arith.constant 0 : i32
      %dma_wait3A_154 = arith.constant 0 : i32
      %dma_wait3A_155 = tpu.memref_slice %arg11[%dma_wait3A_153, %dma_wait3A_154] : memref<51200x32xf32, #tpu.memory_space<vmem_shared>> -> memref<51200x32xf32, #tpu.memory_space<vmem_shared>>
      tpu.wait_indirect_dma semaphore(%arg13 : memref<!tpu.dma_semaphore, #tpu.memory_space<semaphore_mem>>) src(%arg9 : memref<128x32xf32, #tpu.memory_space<vmem>>) dst(%dma_wait3A_155 : memref<51200x32xf32, #tpu.memory_space<vmem_shared>>)
      %add3A_156 = arith.constant 1 : i32
      %add3A_157 = arith.addi %add3A_139, %add3A_156 : i32
      %lt3A_158 = arith.constant 392 : i32
      %lt3A_159 = arith.cmpi slt, %add3A_157, %lt3A_158 : i32
      %convert_element_type3A_160 = arith.extui %lt3A_159 : i1 to i32
      %cond3A_161 = arith.constant 0 : i32
      %cond3A_162 = arith.cmpi ne, %convert_element_type3A_160, %cond3A_161 : i32
      scf.if %cond3A_162 {
        %dma_wait3A_259 = arith.constant 0 : i32
        %dma_wait3A_260 = arith.constant 0 : i32
        %dma_wait3A_261 = arith.constant 0 : i32
        %dma_wait3A_262 = tpu.memref_slice %arg3[%arg0, %arg1, %dma_wait3A_259, %dma_wait3A_260, %dma_wait3A_261] : memref<2x16x392x2x128xi32, #tpu.memory_space<hbm>> -> memref<1x1x1x2x128xi32, #tpu.memory_space<hbm>>
        %dma_wait3A_263 = tpu.memref_squeeze %dma_wait3A_262 : memref<1x1x1x2x128xi32, #tpu.memory_space<hbm>> -> memref<1x2x128xi32, #tpu.memory_space<hbm>>
        %dma_wait3A_264 = arith.constant 0 : i32
        %dma_wait3A_265 = arith.constant 0 : i32
        %dma_wait3A_266 = arith.constant 0 : i32
        %dma_wait3A_267 = tpu.memref_slice %arg3[%arg0, %arg1, %dma_wait3A_264, %dma_wait3A_265, %dma_wait3A_266] : memref<2x16x392x2x128xi32, #tpu.memory_space<hbm>> -> memref<1x1x1x2x128xi32, #tpu.memory_space<hbm>>
        %dma_wait3A_268 = tpu.memref_squeeze %dma_wait3A_267 : memref<1x1x1x2x128xi32, #tpu.memory_space<hbm>> -> memref<1x2x128xi32, #tpu.memory_space<hbm>>
        tpu.wait_dma2 semaphore(%arg14 : memref<!tpu.dma_semaphore, #tpu.memory_space<semaphore_mem>>) src(%dma_wait3A_268 : memref<1x2x128xi32, #tpu.memory_space<hbm>>) dst(%arg7 : memref<1x2x128xi32, #tpu.memory_space<vmem>>)
        %dma_start3A_269 = arith.constant 0 : i32
        %dma_start3A_270 = arith.constant 0 : i32
        %dma_start3A_271 = arith.constant 0 : i32
        %dma_start3A_272 = tpu.memref_slice %arg7[%dma_start3A_269, %dma_start3A_270, %dma_start3A_271] : memref<1x2x128xi32, #tpu.memory_space<vmem>> -> memref<1x1x128xi32, #tpu.memory_space<vmem>>
        %dma_start3A_273 = tpu.memref_squeeze %dma_start3A_272 : memref<1x1x128xi32, #tpu.memory_space<vmem>> -> memref<128xi32, #tpu.memory_space<vmem>>
        %dma_start3A_274 = arith.constant 0 : i32
        %dma_start3A_275 = arith.constant 0 : i32
        %dma_start3A_276 = tpu.memref_slice %arg2[%dma_start3A_274, %dma_start3A_275] : memref<100000x32xf32, #tpu.memory_space<hbm>> -> memref<100000x32xf32, #tpu.memory_space<hbm>>
        tpu.enqueue_indirect_dma source(%dma_start3A_276 : memref<100000x32xf32, #tpu.memory_space<hbm>>) target(%arg9 : memref<128x32xf32, #tpu.memory_space<vmem>>) offsets(%dma_start3A_273 : memref<128xi32, #tpu.memory_space<vmem>>) semaphore(%arg12 : memref<!tpu.dma_semaphore, #tpu.memory_space<semaphore_mem>>)
      } else {
      }
      %dma_start3A_163 = arith.constant 0 : i32
      %dma_start3A_164 = arith.constant 1 : i32
      %dma_start3A_165 = arith.constant 0 : i32
      %dma_start3A_166 = tpu.memref_slice %arg6[%dma_start3A_163, %dma_start3A_164, %dma_start3A_165] : memref<1x2x128xi32, #tpu.memory_space<vmem>> -> memref<1x1x128xi32, #tpu.memory_space<vmem>>
      %dma_start3A_167 = tpu.memref_squeeze %dma_start3A_166 : memref<1x1x128xi32, #tpu.memory_space<vmem>> -> memref<128xi32, #tpu.memory_space<vmem>>
      %dma_start3A_168 = arith.constant 0 : i32
      %dma_start3A_169 = arith.constant 0 : i32
      %dma_start3A_170 = tpu.memref_slice %arg11[%dma_start3A_168, %dma_start3A_169] : memref<51200x32xf32, #tpu.memory_space<vmem_shared>> -> memref<51200x32xf32, #tpu.memory_space<vmem_shared>>
      tpu.enqueue_indirect_dma source(%arg10 : memref<128x32xf32, #tpu.memory_space<vmem>>) target(%dma_start3A_170 : memref<51200x32xf32, #tpu.memory_space<vmem_shared>>) offsets(%dma_start3A_167 : memref<128xi32, #tpu.memory_space<vmem>>) semaphore(%arg13 : memref<!tpu.dma_semaphore, #tpu.memory_space<semaphore_mem>>) {add = true}
      %add3A_171 = arith.constant 3 : i32
      %add3A_172 = arith.addi %add3A_139, %add3A_171 : i32
      %lt3A_173 = arith.constant 392 : i32
      %lt3A_174 = arith.cmpi slt, %add3A_172, %lt3A_173 : i32
      %convert_element_type3A_175 = arith.extui %lt3A_174 : i1 to i32
      %cond3A_176 = arith.constant 0 : i32
      %cond3A_177 = arith.cmpi ne, %convert_element_type3A_175, %cond3A_176 : i32
      scf.if %cond3A_177 {
        %add3A_259 = arith.constant 3 : i32
        %add3A_260 = arith.addi %add3A_139, %add3A_259 : i32
        %dma_start3A_261 = arith.constant 0 : i32
        %dma_start3A_262 = arith.constant 0 : i32
        %dma_start3A_263 = tpu.memref_slice %arg3[%arg0, %arg1, %add3A_260, %dma_start3A_261, %dma_start3A_262] : memref<2x16x392x2x128xi32, #tpu.memory_space<hbm>> -> memref<1x1x1x2x128xi32, #tpu.memory_space<hbm>>
        %dma_start3A_264 = tpu.memref_squeeze %dma_start3A_263 : memref<1x1x1x2x128xi32, #tpu.memory_space<hbm>> -> memref<1x2x128xi32, #tpu.memory_space<hbm>>
        %dma_start3A_265 = arith.constant 0 : i32
        %dma_start3A_266 = arith.constant 0 : i32
        %dma_start3A_267 = tpu.memref_slice %arg3[%arg0, %arg1, %add3A_260, %dma_start3A_265, %dma_start3A_266] : memref<2x16x392x2x128xi32, #tpu.memory_space<hbm>> -> memref<1x1x1x2x128xi32, #tpu.memory_space<hbm>>
        %dma_start3A_268 = tpu.memref_squeeze %dma_start3A_267 : memref<1x1x1x2x128xi32, #tpu.memory_space<hbm>> -> memref<1x2x128xi32, #tpu.memory_space<hbm>>
        tpu.enqueue_dma source(%dma_start3A_268 : memref<1x2x128xi32, #tpu.memory_space<hbm>>) target(%arg5 : memref<1x2x128xi32, #tpu.memory_space<vmem>>) target_semaphore(%arg14 : memref<!tpu.dma_semaphore, #tpu.memory_space<semaphore_mem>>)
      } else {
      }
      %add3A_178 = arith.constant 2 : i32
      %add3A_179 = arith.addi %mul3A_101, %add3A_178 : i32
      %dma_wait3A_180 = arith.constant 0 : i32
      %dma_wait3A_181 = arith.constant 0 : i32
      %dma_wait3A_182 = arith.constant 0 : i32
      %dma_wait3A_183 = tpu.memref_slice %arg7[%dma_wait3A_180, %dma_wait3A_181, %dma_wait3A_182] : memref<1x2x128xi32, #tpu.memory_space<vmem>> -> memref<1x1x128xi32, #tpu.memory_space<vmem>>
      %dma_wait3A_184 = tpu.memref_squeeze %dma_wait3A_183 : memref<1x1x128xi32, #tpu.memory_space<vmem>> -> memref<128xi32, #tpu.memory_space<vmem>>
      %dma_wait3A_185 = arith.constant 0 : i32
      %dma_wait3A_186 = arith.constant 0 : i32
      %dma_wait3A_187 = tpu.memref_slice %arg2[%dma_wait3A_185, %dma_wait3A_186] : memref<100000x32xf32, #tpu.memory_space<hbm>> -> memref<100000x32xf32, #tpu.memory_space<hbm>>
      tpu.wait_indirect_dma semaphore(%arg12 : memref<!tpu.dma_semaphore, #tpu.memory_space<semaphore_mem>>) src(%dma_wait3A_187 : memref<100000x32xf32, #tpu.memory_space<hbm>>) dst(%arg9 : memref<128x32xf32, #tpu.memory_space<vmem>>)
      %dma_wait3A_188 = arith.constant 0 : i32
      %dma_wait3A_189 = arith.constant 1 : i32
      %dma_wait3A_190 = arith.constant 0 : i32
      %dma_wait3A_191 = tpu.memref_slice %arg6[%dma_wait3A_188, %dma_wait3A_189, %dma_wait3A_190] : memref<1x2x128xi32, #tpu.memory_space<vmem>> -> memref<1x1x128xi32, #tpu.memory_space<vmem>>
      %dma_wait3A_192 = tpu.memref_squeeze %dma_wait3A_191 : memref<1x1x128xi32, #tpu.memory_space<vmem>> -> memref<128xi32, #tpu.memory_space<vmem>>
      %dma_wait3A_193 = arith.constant 0 : i32
      %dma_wait3A_194 = arith.constant 0 : i32
      %dma_wait3A_195 = tpu.memref_slice %arg11[%dma_wait3A_193, %dma_wait3A_194] : memref<51200x32xf32, #tpu.memory_space<vmem_shared>> -> memref<51200x32xf32, #tpu.memory_space<vmem_shared>>
      tpu.wait_indirect_dma semaphore(%arg13 : memref<!tpu.dma_semaphore, #tpu.memory_space<semaphore_mem>>) src(%arg10 : memref<128x32xf32, #tpu.memory_space<vmem>>) dst(%dma_wait3A_195 : memref<51200x32xf32, #tpu.memory_space<vmem_shared>>)
      %add3A_196 = arith.constant 1 : i32
      %add3A_197 = arith.addi %add3A_179, %add3A_196 : i32
      %lt3A_198 = arith.constant 392 : i32
      %lt3A_199 = arith.cmpi slt, %add3A_197, %lt3A_198 : i32
      %convert_element_type3A_200 = arith.extui %lt3A_199 : i1 to i32
      %cond3A_201 = arith.constant 0 : i32
      %cond3A_202 = arith.cmpi ne, %convert_element_type3A_200, %cond3A_201 : i32
      scf.if %cond3A_202 {
        %dma_wait3A_259 = arith.constant 0 : i32
        %dma_wait3A_260 = arith.constant 0 : i32
        %dma_wait3A_261 = arith.constant 0 : i32
        %dma_wait3A_262 = tpu.memref_slice %arg3[%arg0, %arg1, %dma_wait3A_259, %dma_wait3A_260, %dma_wait3A_261] : memref<2x16x392x2x128xi32, #tpu.memory_space<hbm>> -> memref<1x1x1x2x128xi32, #tpu.memory_space<hbm>>
        %dma_wait3A_263 = tpu.memref_squeeze %dma_wait3A_262 : memref<1x1x1x2x128xi32, #tpu.memory_space<hbm>> -> memref<1x2x128xi32, #tpu.memory_space<hbm>>
        %dma_wait3A_264 = arith.constant 0 : i32
        %dma_wait3A_265 = arith.constant 0 : i32
        %dma_wait3A_266 = arith.constant 0 : i32
        %dma_wait3A_267 = tpu.memref_slice %arg3[%arg0, %arg1, %dma_wait3A_264, %dma_wait3A_265, %dma_wait3A_266] : memref<2x16x392x2x128xi32, #tpu.memory_space<hbm>> -> memref<1x1x1x2x128xi32, #tpu.memory_space<hbm>>
        %dma_wait3A_268 = tpu.memref_squeeze %dma_wait3A_267 : memref<1x1x1x2x128xi32, #tpu.memory_space<hbm>> -> memref<1x2x128xi32, #tpu.memory_space<hbm>>
        tpu.wait_dma2 semaphore(%arg14 : memref<!tpu.dma_semaphore, #tpu.memory_space<semaphore_mem>>) src(%dma_wait3A_268 : memref<1x2x128xi32, #tpu.memory_space<hbm>>) dst(%arg8 : memref<1x2x128xi32, #tpu.memory_space<vmem>>)
        %dma_start3A_269 = arith.constant 0 : i32
        %dma_start3A_270 = arith.constant 0 : i32
        %dma_start3A_271 = arith.constant 0 : i32
        %dma_start3A_272 = tpu.memref_slice %arg8[%dma_start3A_269, %dma_start3A_270, %dma_start3A_271] : memref<1x2x128xi32, #tpu.memory_space<vmem>> -> memref<1x1x128xi32, #tpu.memory_space<vmem>>
        %dma_start3A_273 = tpu.memref_squeeze %dma_start3A_272 : memref<1x1x128xi32, #tpu.memory_space<vmem>> -> memref<128xi32, #tpu.memory_space<vmem>>
        %dma_start3A_274 = arith.constant 0 : i32
        %dma_start3A_275 = arith.constant 0 : i32
        %dma_start3A_276 = tpu.memref_slice %arg2[%dma_start3A_274, %dma_start3A_275] : memref<100000x32xf32, #tpu.memory_space<hbm>> -> memref<100000x32xf32, #tpu.memory_space<hbm>>
        tpu.enqueue_indirect_dma source(%dma_start3A_276 : memref<100000x32xf32, #tpu.memory_space<hbm>>) target(%arg10 : memref<128x32xf32, #tpu.memory_space<vmem>>) offsets(%dma_start3A_273 : memref<128xi32, #tpu.memory_space<vmem>>) semaphore(%arg12 : memref<!tpu.dma_semaphore, #tpu.memory_space<semaphore_mem>>)
      } else {
      }
      %dma_start3A_203 = arith.constant 0 : i32
      %dma_start3A_204 = arith.constant 1 : i32
      %dma_start3A_205 = arith.constant 0 : i32
      %dma_start3A_206 = tpu.memref_slice %arg7[%dma_start3A_203, %dma_start3A_204, %dma_start3A_205] : memref<1x2x128xi32, #tpu.memory_space<vmem>> -> memref<1x1x128xi32, #tpu.memory_space<vmem>>
      %dma_start3A_207 = tpu.memref_squeeze %dma_start3A_206 : memref<1x1x128xi32, #tpu.memory_space<vmem>> -> memref<128xi32, #tpu.memory_space<vmem>>
      %dma_start3A_208 = arith.constant 0 : i32
      %dma_start3A_209 = arith.constant 0 : i32
      %dma_start3A_210 = tpu.memref_slice %arg11[%dma_start3A_208, %dma_start3A_209] : memref<51200x32xf32, #tpu.memory_space<vmem_shared>> -> memref<51200x32xf32, #tpu.memory_space<vmem_shared>>
      tpu.enqueue_indirect_dma source(%arg9 : memref<128x32xf32, #tpu.memory_space<vmem>>) target(%dma_start3A_210 : memref<51200x32xf32, #tpu.memory_space<vmem_shared>>) offsets(%dma_start3A_207 : memref<128xi32, #tpu.memory_space<vmem>>) semaphore(%arg13 : memref<!tpu.dma_semaphore, #tpu.memory_space<semaphore_mem>>) {add = true}
      %add3A_211 = arith.constant 3 : i32
      %add3A_212 = arith.addi %add3A_179, %add3A_211 : i32
      %lt3A_213 = arith.constant 392 : i32
      %lt3A_214 = arith.cmpi slt, %add3A_212, %lt3A_213 : i32
      %convert_element_type3A_215 = arith.extui %lt3A_214 : i1 to i32
      %cond3A_216 = arith.constant 0 : i32
      %cond3A_217 = arith.cmpi ne, %convert_element_type3A_215, %cond3A_216 : i32
      scf.if %cond3A_217 {
        %add3A_259 = arith.constant 3 : i32
        %add3A_260 = arith.addi %add3A_179, %add3A_259 : i32
        %dma_start3A_261 = arith.constant 0 : i32
        %dma_start3A_262 = arith.constant 0 : i32
        %dma_start3A_263 = tpu.memref_slice %arg3[%arg0, %arg1, %add3A_260, %dma_start3A_261, %dma_start3A_262] : memref<2x16x392x2x128xi32, #tpu.memory_space<hbm>> -> memref<1x1x1x2x128xi32, #tpu.memory_space<hbm>>
        %dma_start3A_264 = tpu.memref_squeeze %dma_start3A_263 : memref<1x1x1x2x128xi32, #tpu.memory_space<hbm>> -> memref<1x2x128xi32, #tpu.memory_space<hbm>>
        %dma_start3A_265 = arith.constant 0 : i32
        %dma_start3A_266 = arith.constant 0 : i32
        %dma_start3A_267 = tpu.memref_slice %arg3[%arg0, %arg1, %add3A_260, %dma_start3A_265, %dma_start3A_266] : memref<2x16x392x2x128xi32, #tpu.memory_space<hbm>> -> memref<1x1x1x2x128xi32, #tpu.memory_space<hbm>>
        %dma_start3A_268 = tpu.memref_squeeze %dma_start3A_267 : memref<1x1x1x2x128xi32, #tpu.memory_space<hbm>> -> memref<1x2x128xi32, #tpu.memory_space<hbm>>
        tpu.enqueue_dma source(%dma_start3A_268 : memref<1x2x128xi32, #tpu.memory_space<hbm>>) target(%arg6 : memref<1x2x128xi32, #tpu.memory_space<vmem>>) target_semaphore(%arg14 : memref<!tpu.dma_semaphore, #tpu.memory_space<semaphore_mem>>)
      } else {
      }
      %add3A_218 = arith.constant 3 : i32
      %add3A_219 = arith.addi %mul3A_101, %add3A_218 : i32
      %dma_wait3A_220 = arith.constant 0 : i32
      %dma_wait3A_221 = arith.constant 0 : i32
      %dma_wait3A_222 = arith.constant 0 : i32
      %dma_wait3A_223 = tpu.memref_slice %arg8[%dma_wait3A_220, %dma_wait3A_221, %dma_wait3A_222] : memref<1x2x128xi32, #tpu.memory_space<vmem>> -> memref<1x1x128xi32, #tpu.memory_space<vmem>>
      %dma_wait3A_224 = tpu.memref_squeeze %dma_wait3A_223 : memref<1x1x128xi32, #tpu.memory_space<vmem>> -> memref<128xi32, #tpu.memory_space<vmem>>
      %dma_wait3A_225 = arith.constant 0 : i32
      %dma_wait3A_226 = arith.constant 0 : i32
      %dma_wait3A_227 = tpu.memref_slice %arg2[%dma_wait3A_225, %dma_wait3A_226] : memref<100000x32xf32, #tpu.memory_space<hbm>> -> memref<100000x32xf32, #tpu.memory_space<hbm>>
      tpu.wait_indirect_dma semaphore(%arg12 : memref<!tpu.dma_semaphore, #tpu.memory_space<semaphore_mem>>) src(%dma_wait3A_227 : memref<100000x32xf32, #tpu.memory_space<hbm>>) dst(%arg10 : memref<128x32xf32, #tpu.memory_space<vmem>>)
      %dma_wait3A_228 = arith.constant 0 : i32
      %dma_wait3A_229 = arith.constant 1 : i32
      %dma_wait3A_230 = arith.constant 0 : i32
      %dma_wait3A_231 = tpu.memref_slice %arg7[%dma_wait3A_228, %dma_wait3A_229, %dma_wait3A_230] : memref<1x2x128xi32, #tpu.memory_space<vmem>> -> memref<1x1x128xi32, #tpu.memory_space<vmem>>
      %dma_wait3A_232 = tpu.memref_squeeze %dma_wait3A_231 : memref<1x1x128xi32, #tpu.memory_space<vmem>> -> memref<128xi32, #tpu.memory_space<vmem>>
      %dma_wait3A_233 = arith.constant 0 : i32
      %dma_wait3A_234 = arith.constant 0 : i32
      %dma_wait3A_235 = tpu.memref_slice %arg11[%dma_wait3A_233, %dma_wait3A_234] : memref<51200x32xf32, #tpu.memory_space<vmem_shared>> -> memref<51200x32xf32, #tpu.memory_space<vmem_shared>>
      tpu.wait_indirect_dma semaphore(%arg13 : memref<!tpu.dma_semaphore, #tpu.memory_space<semaphore_mem>>) src(%arg9 : memref<128x32xf32, #tpu.memory_space<vmem>>) dst(%dma_wait3A_235 : memref<51200x32xf32, #tpu.memory_space<vmem_shared>>)
      %add3A_236 = arith.constant 1 : i32
      %add3A_237 = arith.addi %add3A_219, %add3A_236 : i32
      %lt3A_238 = arith.constant 392 : i32
      %lt3A_239 = arith.cmpi slt, %add3A_237, %lt3A_238 : i32
      %convert_element_type3A_240 = arith.extui %lt3A_239 : i1 to i32
      %cond3A_241 = arith.constant 0 : i32
      %cond3A_242 = arith.cmpi ne, %convert_element_type3A_240, %cond3A_241 : i32
      scf.if %cond3A_242 {
        %dma_wait3A_259 = arith.constant 0 : i32
        %dma_wait3A_260 = arith.constant 0 : i32
        %dma_wait3A_261 = arith.constant 0 : i32
        %dma_wait3A_262 = tpu.memref_slice %arg3[%arg0, %arg1, %dma_wait3A_259, %dma_wait3A_260, %dma_wait3A_261] : memref<2x16x392x2x128xi32, #tpu.memory_space<hbm>> -> memref<1x1x1x2x128xi32, #tpu.memory_space<hbm>>
        %dma_wait3A_263 = tpu.memref_squeeze %dma_wait3A_262 : memref<1x1x1x2x128xi32, #tpu.memory_space<hbm>> -> memref<1x2x128xi32, #tpu.memory_space<hbm>>
        %dma_wait3A_264 = arith.constant 0 : i32
        %dma_wait3A_265 = arith.constant 0 : i32
        %dma_wait3A_266 = arith.constant 0 : i32
        %dma_wait3A_267 = tpu.memref_slice %arg3[%arg0, %arg1, %dma_wait3A_264, %dma_wait3A_265, %dma_wait3A_266] : memref<2x16x392x2x128xi32, #tpu.memory_space<hbm>> -> memref<1x1x1x2x128xi32, #tpu.memory_space<hbm>>
        %dma_wait3A_268 = tpu.memref_squeeze %dma_wait3A_267 : memref<1x1x1x2x128xi32, #tpu.memory_space<hbm>> -> memref<1x2x128xi32, #tpu.memory_space<hbm>>
        tpu.wait_dma2 semaphore(%arg14 : memref<!tpu.dma_semaphore, #tpu.memory_space<semaphore_mem>>) src(%dma_wait3A_268 : memref<1x2x128xi32, #tpu.memory_space<hbm>>) dst(%arg5 : memref<1x2x128xi32, #tpu.memory_space<vmem>>)
        %dma_start3A_269 = arith.constant 0 : i32
        %dma_start3A_270 = arith.constant 0 : i32
        %dma_start3A_271 = arith.constant 0 : i32
        %dma_start3A_272 = tpu.memref_slice %arg5[%dma_start3A_269, %dma_start3A_270, %dma_start3A_271] : memref<1x2x128xi32, #tpu.memory_space<vmem>> -> memref<1x1x128xi32, #tpu.memory_space<vmem>>
        %dma_start3A_273 = tpu.memref_squeeze %dma_start3A_272 : memref<1x1x128xi32, #tpu.memory_space<vmem>> -> memref<128xi32, #tpu.memory_space<vmem>>
        %dma_start3A_274 = arith.constant 0 : i32
        %dma_start3A_275 = arith.constant 0 : i32
        %dma_start3A_276 = tpu.memref_slice %arg2[%dma_start3A_274, %dma_start3A_275] : memref<100000x32xf32, #tpu.memory_space<hbm>> -> memref<100000x32xf32, #tpu.memory_space<hbm>>
        tpu.enqueue_indirect_dma source(%dma_start3A_276 : memref<100000x32xf32, #tpu.memory_space<hbm>>) target(%arg9 : memref<128x32xf32, #tpu.memory_space<vmem>>) offsets(%dma_start3A_273 : memref<128xi32, #tpu.memory_space<vmem>>) semaphore(%arg12 : memref<!tpu.dma_semaphore, #tpu.memory_space<semaphore_mem>>)
      } else {
      }
      %dma_start3A_243 = arith.constant 0 : i32
      %dma_start3A_244 = arith.constant 1 : i32
      %dma_start3A_245 = arith.constant 0 : i32
      %dma_start3A_246 = tpu.memref_slice %arg8[%dma_start3A_243, %dma_start3A_244, %dma_start3A_245] : memref<1x2x128xi32, #tpu.memory_space<vmem>> -> memref<1x1x128xi32, #tpu.memory_space<vmem>>
      %dma_start3A_247 = tpu.memref_squeeze %dma_start3A_246 : memref<1x1x128xi32, #tpu.memory_space<vmem>> -> memref<128xi32, #tpu.memory_space<vmem>>
      %dma_start3A_248 = arith.constant 0 : i32
      %dma_start3A_249 = arith.constant 0 : i32
      %dma_start3A_250 = tpu.memref_slice %arg11[%dma_start3A_248, %dma_start3A_249] : memref<51200x32xf32, #tpu.memory_space<vmem_shared>> -> memref<51200x32xf32, #tpu.memory_space<vmem_shared>>
      tpu.enqueue_indirect_dma source(%arg10 : memref<128x32xf32, #tpu.memory_space<vmem>>) target(%dma_start3A_250 : memref<51200x32xf32, #tpu.memory_space<vmem_shared>>) offsets(%dma_start3A_247 : memref<128xi32, #tpu.memory_space<vmem>>) semaphore(%arg13 : memref<!tpu.dma_semaphore, #tpu.memory_space<semaphore_mem>>) {add = true}
      %add3A_251 = arith.constant 3 : i32
      %add3A_252 = arith.addi %add3A_219, %add3A_251 : i32
      %lt3A_253 = arith.constant 392 : i32
      %lt3A_254 = arith.cmpi slt, %add3A_252, %lt3A_253 : i32
      %convert_element_type3A_255 = arith.extui %lt3A_254 : i1 to i32
      %cond3A_256 = arith.constant 0 : i32
      %cond3A_257 = arith.cmpi ne, %convert_element_type3A_255, %cond3A_256 : i32
      scf.if %cond3A_257 {
        %add3A_259 = arith.constant 3 : i32
        %add3A_260 = arith.addi %add3A_219, %add3A_259 : i32
        %dma_start3A_261 = arith.constant 0 : i32
        %dma_start3A_262 = arith.constant 0 : i32
        %dma_start3A_263 = tpu.memref_slice %arg3[%arg0, %arg1, %add3A_260, %dma_start3A_261, %dma_start3A_262] : memref<2x16x392x2x128xi32, #tpu.memory_space<hbm>> -> memref<1x1x1x2x128xi32, #tpu.memory_space<hbm>>
        %dma_start3A_264 = tpu.memref_squeeze %dma_start3A_263 : memref<1x1x1x2x128xi32, #tpu.memory_space<hbm>> -> memref<1x2x128xi32, #tpu.memory_space<hbm>>
        %dma_start3A_265 = arith.constant 0 : i32
        %dma_start3A_266 = arith.constant 0 : i32
        %dma_start3A_267 = tpu.memref_slice %arg3[%arg0, %arg1, %add3A_260, %dma_start3A_265, %dma_start3A_266] : memref<2x16x392x2x128xi32, #tpu.memory_space<hbm>> -> memref<1x1x1x2x128xi32, #tpu.memory_space<hbm>>
        %dma_start3A_268 = tpu.memref_squeeze %dma_start3A_267 : memref<1x1x1x2x128xi32, #tpu.memory_space<hbm>> -> memref<1x2x128xi32, #tpu.memory_space<hbm>>
        tpu.enqueue_dma source(%dma_start3A_268 : memref<1x2x128xi32, #tpu.memory_space<hbm>>) target(%arg7 : memref<1x2x128xi32, #tpu.memory_space<vmem>>) target_semaphore(%arg14 : memref<!tpu.dma_semaphore, #tpu.memory_space<semaphore_mem>>)
      } else {
      }
      %scan3A_258 = arith.constant 0 : i32
      scf.yield %scan3A_258 : i32
    }
    %scan3A_82 = arith.constant 98 : i32
    %dma_wait3A_83 = arith.constant 0 : i32
    %dma_wait3A_84 = arith.constant 1 : i32
    %dma_wait3A_85 = arith.constant 0 : i32
    %dma_wait3A_86 = tpu.memref_slice %arg8[%dma_wait3A_83, %dma_wait3A_84, %dma_wait3A_85] : memref<1x2x128xi32, #tpu.memory_space<vmem>> -> memref<1x1x128xi32, #tpu.memory_space<vmem>>
    %dma_wait3A_87 = tpu.memref_squeeze %dma_wait3A_86 : memref<1x1x128xi32, #tpu.memory_space<vmem>> -> memref<128xi32, #tpu.memory_space<vmem>>
    %dma_wait3A_88 = arith.constant 0 : i32
    %dma_wait3A_89 = arith.constant 0 : i32
    %dma_wait3A_90 = tpu.memref_slice %arg11[%dma_wait3A_88, %dma_wait3A_89] : memref<51200x32xf32, #tpu.memory_space<vmem_shared>> -> memref<51200x32xf32, #tpu.memory_space<vmem_shared>>
    tpu.wait_indirect_dma semaphore(%arg13 : memref<!tpu.dma_semaphore, #tpu.memory_space<semaphore_mem>>) src(%arg10 : memref<128x32xf32, #tpu.memory_space<vmem>>) dst(%dma_wait3A_90 : memref<51200x32xf32, #tpu.memory_space<vmem_shared>>)
    %barrier3A_91 = arith.constant 0 : index
    tpu.barrier barrier_id(%barrier3A_91)
    %scan3A_92 = arith.constant 0 : i32
    %scan3A_93 = arith.constant 0 : i32
    %scan3A_94 = arith.constant 25 : i32
    %scan3A_95 = arith.addi %scan3A_93, %scan3A_94 : i32
    %scan3A_96 = arith.constant 1 : i32
    %scan3A_97 = scf.for %scan3A_99 = %scan3A_93 to %scan3A_95 step %scan3A_96 iter_args(%scan3A_100 = %scan3A_92) -> (i32)  : i32 {
      %mul3A = arith.constant 25 : i32
      %mul3A_101 = arith.muli %arg1, %mul3A : i32
      %add3A = arith.addi %mul3A_101, %scan3A_99 : i32
      %mul3A_102 = arith.constant 128 : i32
      %mul3A_103 = arith.muli %add3A, %mul3A_102 : i32
      "tpu.region"() ({
        %run_scoped3A = tpu.sem_alloc : memref<!tpu.dma_semaphore, #tpu.memory_space<semaphore_mem>>
        %dma_start3A_105 = arith.constant 0 : i32
        %dma_start3A_106 = tpu.memref_slice %arg11[%mul3A_103, %dma_start3A_105] : memref<51200x32xf32, #tpu.memory_space<vmem_shared>> -> memref<128x32xf32, #tpu.memory_space<vmem_shared>>
        %dma_start3A_107 = arith.constant 0 : i32
        %dma_start3A_108 = tpu.memref_slice %arg11[%mul3A_103, %dma_start3A_107] : memref<51200x32xf32, #tpu.memory_space<vmem_shared>> -> memref<128x32xf32, #tpu.memory_space<vmem_shared>>
        tpu.enqueue_dma source(%dma_start3A_108 : memref<128x32xf32, #tpu.memory_space<vmem_shared>>) target(%arg9 : memref<128x32xf32, #tpu.memory_space<vmem>>) target_semaphore(%run_scoped3A : memref<!tpu.dma_semaphore, #tpu.memory_space<semaphore_mem>>)
        %dma_wait3A_109 = arith.constant 0 : i32
        %dma_wait3A_110 = tpu.memref_slice %arg11[%mul3A_103, %dma_wait3A_109] : memref<51200x32xf32, #tpu.memory_space<vmem_shared>> -> memref<128x32xf32, #tpu.memory_space<vmem_shared>>
        %dma_wait3A_111 = arith.constant 0 : i32
        %dma_wait3A_112 = tpu.memref_slice %arg11[%mul3A_103, %dma_wait3A_111] : memref<51200x32xf32, #tpu.memory_space<vmem_shared>> -> memref<128x32xf32, #tpu.memory_space<vmem_shared>>
        tpu.wait_dma2 semaphore(%run_scoped3A : memref<!tpu.dma_semaphore, #tpu.memory_space<semaphore_mem>>) src(%dma_wait3A_112 : memref<128x32xf32, #tpu.memory_space<vmem_shared>>) dst(%arg9 : memref<128x32xf32, #tpu.memory_space<vmem>>)
        tpu.yield
      }) : () -> ()
      "tpu.region"() ({
        %run_scoped3A = tpu.sem_alloc : memref<!tpu.dma_semaphore, #tpu.memory_space<semaphore_mem>>
        %dma_start3A_105 = arith.constant 0 : i32
        %dma_start3A_106 = tpu.memref_slice %arg4[%arg0, %mul3A_103, %dma_start3A_105] : memref<2x51200x32xf32, #tpu.memory_space<hbm>> -> memref<1x128x32xf32, #tpu.memory_space<hbm>>
        %dma_start3A_107 = tpu.memref_squeeze %dma_start3A_106 : memref<1x128x32xf32, #tpu.memory_space<hbm>> -> memref<128x32xf32, #tpu.memory_space<hbm>>
        %dma_start3A_108 = arith.constant 0 : i32
        %dma_start3A_109 = tpu.memref_slice %arg4[%arg0, %mul3A_103, %dma_start3A_108] : memref<2x51200x32xf32, #tpu.memory_space<hbm>> -> memref<1x128x32xf32, #tpu.memory_space<hbm>>
        %dma_start3A_110 = tpu.memref_squeeze %dma_start3A_109 : memref<1x128x32xf32, #tpu.memory_space<hbm>> -> memref<128x32xf32, #tpu.memory_space<hbm>>
        tpu.enqueue_dma source(%arg9 : memref<128x32xf32, #tpu.memory_space<vmem>>) target(%dma_start3A_110 : memref<128x32xf32, #tpu.memory_space<hbm>>) target_semaphore(%run_scoped3A : memref<!tpu.dma_semaphore, #tpu.memory_space<semaphore_mem>>)
        %dma_wait3A_111 = arith.constant 0 : i32
        %dma_wait3A_112 = tpu.memref_slice %arg4[%arg0, %mul3A_103, %dma_wait3A_111] : memref<2x51200x32xf32, #tpu.memory_space<hbm>> -> memref<1x128x32xf32, #tpu.memory_space<hbm>>
        %dma_wait3A_113 = tpu.memref_squeeze %dma_wait3A_112 : memref<1x128x32xf32, #tpu.memory_space<hbm>> -> memref<128x32xf32, #tpu.memory_space<hbm>>
        %dma_wait3A_114 = arith.constant 0 : i32
        %dma_wait3A_115 = tpu.memref_slice %arg4[%arg0, %mul3A_103, %dma_wait3A_114] : memref<2x51200x32xf32, #tpu.memory_space<hbm>> -> memref<1x128x32xf32, #tpu.memory_space<hbm>>
        %dma_wait3A_116 = tpu.memref_squeeze %dma_wait3A_115 : memref<1x128x32xf32, #tpu.memory_space<hbm>> -> memref<128x32xf32, #tpu.memory_space<hbm>>
        tpu.wait_dma2 semaphore(%run_scoped3A : memref<!tpu.dma_semaphore, #tpu.memory_space<semaphore_mem>>) src(%arg9 : memref<128x32xf32, #tpu.memory_space<vmem>>) dst(%dma_wait3A_116 : memref<128x32xf32, #tpu.memory_space<hbm>>)
        tpu.yield
      }) : () -> ()
      %scan3A_104 = arith.constant 0 : i32
      scf.yield %scan3A_104 : i32
    }
    %scan3A_98 = arith.constant 25 : i32
    return
  }
}

#map = affine_map<(d0, d1) -> (0, 0)>
#map1 = affine_map<(d0, d1) -> (0, 0, 0, 0, 0)>
#map2 = affine_map<(d0, d1) -> (0, 0, 0)>
module attributes {stable_mosaic.version = 14 : i64} {
  func.func @seg_sum(%arg0: i32, %arg1: i32, %arg2: memref<100000x16xf32, #tpu.memory_space<hbm>>, %arg3: memref<2x16x392x2x128xi32, #tpu.memory_space<hbm>>, %arg4: memref<2x51200x16xf32, #tpu.memory_space<hbm>>, %arg5: memref<1x2x128xi32, #tpu.memory_space<vmem>>, %arg6: memref<1x2x128xi32, #tpu.memory_space<vmem>>, %arg7: memref<1x2x128xi32, #tpu.memory_space<vmem>>, %arg8: memref<1x2x128xi32, #tpu.memory_space<vmem>>, %arg9: memref<128x16xf32, #tpu.memory_space<vmem>>, %arg10: memref<128x16xf32, #tpu.memory_space<vmem>>, %arg11: memref<51200x16xf32, #tpu.memory_space<vmem_shared>>, %arg12: memref<!tpu.dma_semaphore, #tpu.memory_space<semaphore_mem>>, %arg13: memref<!tpu.dma_semaphore, #tpu.memory_space<semaphore_mem>>, %arg14: memref<!tpu.dma_semaphore, #tpu.memory_space<semaphore_mem>>) attributes {dimension_semantics = [#tpu.dimension_semantics<core_parallel>, #tpu.dimension_semantics<subcore_parallel>], iteration_bounds = array<i64: 2, 16>, scalar_prefetch = 0 : i64, scratch_operands = 10 : i64, tpu.core_type = #tpu.core_type<sc_vector_subcore>, window_params = [{transform_indices = #map}, {transform_indices = #map1}, {transform_indices = #map2}]} {
    %broadcast_in_dim3A = arith.constant 0.000000e+00 : f32
    %broadcast_in_dim3A_0 = vector.broadcast %broadcast_in_dim3A : f32 to vector<16xf32>
    %scan3A = arith.constant 0 : i32
    %scan3A_1 = arith.constant 0 : i32
    %scan3A_2 = arith.constant 128 : i32
    %scan3A_3 = arith.addi %scan3A_1, %scan3A_2 : i32
    %scan3A_4 = arith.constant 1 : i32
    %scan3A_5 = scf.for %scan3A_99 = %scan3A_1 to %scan3A_3 step %scan3A_4 iter_args(%scan3A_100 = %scan3A) -> (i32)  : i32 {
      %jit3A = arith.constant 1 : i32
      %div3A = arith.divsi %scan3A_99, %jit3A : i32
      %sign3A = arith.constant 0 : i32
      %sign3A_101 = arith.cmpi sgt, %scan3A_99, %sign3A : i32
      %sign3A_102 = arith.extui %sign3A_101 : i1 to i32
      %sign3A_103 = arith.constant 0 : i32
      %sign3A_104 = arith.cmpi slt, %scan3A_99, %sign3A_103 : i32
      %sign3A_105 = arith.extui %sign3A_104 : i1 to i32
      %sign3A_106 = arith.subi %sign3A_102, %sign3A_105 : i32
      %sign3A_107 = arith.constant 0 : i32
      %sign3A_108 = arith.cmpi sgt, %jit3A, %sign3A_107 : i32
      %sign3A_109 = arith.extui %sign3A_108 : i1 to i32
      %sign3A_110 = arith.constant 0 : i32
      %sign3A_111 = arith.cmpi slt, %jit3A, %sign3A_110 : i32
      %sign3A_112 = arith.extui %sign3A_111 : i1 to i32
      %sign3A_113 = arith.subi %sign3A_109, %sign3A_112 : i32
      %ne3A = arith.cmpi ne, %sign3A_106, %sign3A_113 : i32
      %rem3A = arith.remsi %scan3A_99, %jit3A : i32
      %ne3A_114 = arith.constant 0 : i32
      %ne3A_115 = arith.cmpi ne, %rem3A, %ne3A_114 : i32
      %and3A = arith.andi %ne3A, %ne3A_115 : i1
      %sub3A = arith.constant 1 : i32
      %sub3A_116 = arith.subi %div3A, %sub3A : i32
      %select_n3A = arith.select %and3A, %sub3A_116, %div3A : i32
      %jit3A_117 = arith.constant 1 : i32
      %eq3A = arith.constant 0 : i32
      %eq3A_118 = arith.cmpi eq, %jit3A_117, %eq3A : i32
      %jit3A_119 = arith.constant 1 : i32
      %select_n3A_120 = arith.select %eq3A_118, %jit3A_119, %jit3A_117 : i32
      %rem3A_121 = arith.remsi %scan3A_99, %select_n3A_120 : i32
      %ne3A_122 = arith.constant 0 : i32
      %ne3A_123 = arith.cmpi ne, %rem3A_121, %ne3A_122 : i32
      %lt3A = arith.constant 0 : i32
      %lt3A_124 = arith.cmpi slt, %rem3A_121, %lt3A : i32
      %lt3A_125 = arith.constant 0 : i32
      %lt3A_126 = arith.cmpi slt, %select_n3A_120, %lt3A_125 : i32
      %ne3A_127 = arith.xori %lt3A_124, %lt3A_126 : i1
      %and3A_128 = arith.andi %ne3A_127, %ne3A_123 : i1
      %add3A = arith.addi %rem3A_121, %select_n3A_120 : i32
      %select_n3A_129 = arith.select %and3A_128, %add3A, %rem3A_121 : i32
      %mul3A = arith.constant 16 : i32
      %mul3A_130 = arith.muli %select_n3A_129, %mul3A : i32
      %swap3A = arith.index_cast %select_n3A : i32 to index
      %swap3A_131 = arith.index_cast %mul3A_130 : i32 to index
      %swap3A_132 = tpu.vector_load %arg9[%swap3A, %swap3A_131] {strides = array<i32>} : memref<128x16xf32, #tpu.memory_space<vmem>>, vector<1x16xf32>,
      %swap3A_133 = vector.shape_cast %swap3A_132 : vector<1x16xf32> to vector<16xf32>
      %swap3A_134 = vector.shape_cast %broadcast_in_dim3A_0 : vector<16xf32> to vector<1x16xf32>
      tpu.vector_store %arg9[%swap3A, %swap3A_131], %swap3A_134 {strides = array<i32>} : memref<128x16xf32, #tpu.memory_space<vmem>>, vector<1x16xf32>,
      %scan3A_135 = arith.constant 0 : i32
      scf.yield %scan3A_135 : i32
    }
    %scan3A_6 = arith.constant 128 : i32
    %scan3A_7 = arith.constant 0 : i32
    %scan3A_8 = arith.constant 0 : i32
    %scan3A_9 = arith.constant 25 : i32
    %scan3A_10 = arith.addi %scan3A_8, %scan3A_9 : i32
    %scan3A_11 = arith.constant 1 : i32
    %scan3A_12 = scf.for %scan3A_99 = %scan3A_8 to %scan3A_10 step %scan3A_11 iter_args(%scan3A_100 = %scan3A_7) -> (i32)  : i32 {
      %mul3A = arith.constant 25 : i32
      %mul3A_101 = arith.muli %arg1, %mul3A : i32
      %add3A = arith.addi %mul3A_101, %scan3A_99 : i32
      %mul3A_102 = arith.constant 128 : i32
      %mul3A_103 = arith.muli %add3A, %mul3A_102 : i32
      "tpu.region"() ({
        %run_scoped3A = tpu.sem_alloc : memref<!tpu.dma_semaphore, #tpu.memory_space<semaphore_mem>>
        %dma_start3A_105 = arith.constant 0 : i32
        %dma_start3A_106 = tpu.memref_slice %arg11[%mul3A_103, %dma_start3A_105] : memref<51200x16xf32, #tpu.memory_space<vmem_shared>> -> memref<128x16xf32, #tpu.memory_space<vmem_shared>>
        %dma_start3A_107 = arith.constant 0 : i32
        %dma_start3A_108 = tpu.memref_slice %arg11[%mul3A_103, %dma_start3A_107] : memref<51200x16xf32, #tpu.memory_space<vmem_shared>> -> memref<128x16xf32, #tpu.memory_space<vmem_shared>>
        tpu.enqueue_dma source(%arg9 : memref<128x16xf32, #tpu.memory_space<vmem>>) target(%dma_start3A_108 : memref<128x16xf32, #tpu.memory_space<vmem_shared>>) target_semaphore(%run_scoped3A : memref<!tpu.dma_semaphore, #tpu.memory_space<semaphore_mem>>)
        %dma_wait3A_109 = arith.constant 0 : i32
        %dma_wait3A_110 = tpu.memref_slice %arg11[%mul3A_103, %dma_wait3A_109] : memref<51200x16xf32, #tpu.memory_space<vmem_shared>> -> memref<128x16xf32, #tpu.memory_space<vmem_shared>>
        %dma_wait3A_111 = arith.constant 0 : i32
        %dma_wait3A_112 = tpu.memref_slice %arg11[%mul3A_103, %dma_wait3A_111] : memref<51200x16xf32, #tpu.memory_space<vmem_shared>> -> memref<128x16xf32, #tpu.memory_space<vmem_shared>>
        tpu.wait_dma2 semaphore(%run_scoped3A : memref<!tpu.dma_semaphore, #tpu.memory_space<semaphore_mem>>) src(%arg9 : memref<128x16xf32, #tpu.memory_space<vmem>>) dst(%dma_wait3A_112 : memref<128x16xf32, #tpu.memory_space<vmem_shared>>)
        tpu.yield
      }) : () -> ()
      %scan3A_104 = arith.constant 0 : i32
      scf.yield %scan3A_104 : i32
    }
    %scan3A_13 = arith.constant 25 : i32
    %iota3A = tpu.iota {dimensions = array<i32: 0>} : vector<16xi32>
    %scan3A_14 = arith.constant 50000 : i32
    %scan3A_15 = arith.constant 0 : i32
    %scan3A_16 = arith.constant 0 : i32
    %scan3A_17 = arith.constant 8 : i32
    %scan3A_18 = arith.addi %scan3A_16, %scan3A_17 : i32
    %scan3A_19 = arith.constant 1 : i32
    %scan3A_20 = scf.for %scan3A_99 = %scan3A_16 to %scan3A_18 step %scan3A_19 iter_args(%scan3A_100 = %scan3A_15) -> (i32)  : i32 {
      %mul3A = arith.constant 16 : i32
      %mul3A_101 = arith.muli %scan3A_99, %mul3A : i32
      %add3A = arith.addi %scan3A_14, %mul3A_101 : i32
      %add3A_102 = vector.broadcast %add3A : i32 to vector<16xi32>
      %add3A_103 = arith.addi %add3A_102, %iota3A : vector<16xi32>
      %mul3A_104 = arith.constant 16 : i32
      %mul3A_105 = arith.muli %scan3A_99, %mul3A_104 : i32
      %swap3A = arith.constant 0 : i32
      %swap3A_106 = arith.constant 1 : i32
      %swap3A_107 = arith.index_cast %swap3A : i32 to index
      %swap3A_108 = arith.index_cast %swap3A_106 : i32 to index
      %swap3A_109 = arith.index_cast %mul3A_105 : i32 to index
      %swap3A_110 = tpu.vector_load %arg8[%swap3A_107, %swap3A_108, %swap3A_109] {strides = array<i32>} : memref<1x2x128xi32, #tpu.memory_space<vmem>>, vector<1x1x16xi32>,
      %swap3A_111 = vector.shape_cast %swap3A_110 : vector<1x1x16xi32> to vector<16xi32>
      %swap3A_112 = vector.shape_cast %add3A_103 : vector<16xi32> to vector<1x1x16xi32>
      tpu.vector_store %arg8[%swap3A_107, %swap3A_108, %swap3A_109], %swap3A_112 {strides = array<i32>} : memref<1x2x128xi32, #tpu.memory_space<vmem>>, vector<1x1x16xi32>,
      %scan3A_113 = arith.constant 0 : i32
      scf.yield %scan3A_113 : i32
    }
    %scan3A_21 = arith.constant 8 : i32
    %barrier3A = arith.constant 0 : index
    tpu.barrier barrier_id(%barrier3A)
    %dma_start3A = arith.constant 0 : i32
    %dma_start3A_22 = arith.constant 0 : i32
    %dma_start3A_23 = arith.constant 0 : i32
    %dma_start3A_24 = tpu.memref_slice %arg3[%arg0, %arg1, %dma_start3A, %dma_start3A_22, %dma_start3A_23] : memref<2x16x392x2x128xi32, #tpu.memory_space<hbm>> -> memref<1x1x1x2x128xi32, #tpu.memory_space<hbm>>
    %dma_start3A_25 = tpu.memref_squeeze %dma_start3A_24 : memref<1x1x1x2x128xi32, #tpu.memory_space<hbm>> -> memref<1x2x128xi32, #tpu.memory_space<hbm>>
    %dma_start3A_26 = arith.constant 0 : i32
    %dma_start3A_27 = arith.constant 0 : i32
    %dma_start3A_28 = arith.constant 0 : i32
    %dma_start3A_29 = tpu.memref_slice %arg3[%arg0, %arg1, %dma_start3A_26, %dma_start3A_27, %dma_start3A_28] : memref<2x16x392x2x128xi32, #tpu.memory_space<hbm>> -> memref<1x1x1x2x128xi32, #tpu.memory_space<hbm>>
    %dma_start3A_30 = tpu.memref_squeeze %dma_start3A_29 : memref<1x1x1x2x128xi32, #tpu.memory_space<hbm>> -> memref<1x2x128xi32, #tpu.memory_space<hbm>>
    tpu.enqueue_dma source(%dma_start3A_30 : memref<1x2x128xi32, #tpu.memory_space<hbm>>) target(%arg5 : memref<1x2x128xi32, #tpu.memory_space<vmem>>) target_semaphore(%arg14 : memref<!tpu.dma_semaphore, #tpu.memory_space<semaphore_mem>>)
    %dma_start3A_31 = arith.constant 1 : i32
    %dma_start3A_32 = arith.constant 0 : i32
    %dma_start3A_33 = arith.constant 0 : i32
    %dma_start3A_34 = tpu.memref_slice %arg3[%arg0, %arg1, %dma_start3A_31, %dma_start3A_32, %dma_start3A_33] : memref<2x16x392x2x128xi32, #tpu.memory_space<hbm>> -> memref<1x1x1x2x128xi32, #tpu.memory_space<hbm>>
    %dma_start3A_35 = tpu.memref_squeeze %dma_start3A_34 : memref<1x1x1x2x128xi32, #tpu.memory_space<hbm>> -> memref<1x2x128xi32, #tpu.memory_space<hbm>>
    %dma_start3A_36 = arith.constant 1 : i32
    %dma_start3A_37 = arith.constant 0 : i32
    %dma_start3A_38 = arith.constant 0 : i32
    %dma_start3A_39 = tpu.memref_slice %arg3[%arg0, %arg1, %dma_start3A_36, %dma_start3A_37, %dma_start3A_38] : memref<2x16x392x2x128xi32, #tpu.memory_space<hbm>> -> memref<1x1x1x2x128xi32, #tpu.memory_space<hbm>>
    %dma_start3A_40 = tpu.memref_squeeze %dma_start3A_39 : memref<1x1x1x2x128xi32, #tpu.memory_space<hbm>> -> memref<1x2x128xi32, #tpu.memory_space<hbm>>
    tpu.enqueue_dma source(%dma_start3A_40 : memref<1x2x128xi32, #tpu.memory_space<hbm>>) target(%arg6 : memref<1x2x128xi32, #tpu.memory_space<vmem>>) target_semaphore(%arg14 : memref<!tpu.dma_semaphore, #tpu.memory_space<semaphore_mem>>)
    %dma_start3A_41 = arith.constant 2 : i32
    %dma_start3A_42 = arith.constant 0 : i32
    %dma_start3A_43 = arith.constant 0 : i32
    %dma_start3A_44 = tpu.memref_slice %arg3[%arg0, %arg1, %dma_start3A_41, %dma_start3A_42, %dma_start3A_43] : memref<2x16x392x2x128xi32, #tpu.memory_space<hbm>> -> memref<1x1x1x2x128xi32, #tpu.memory_space<hbm>>
    %dma_start3A_45 = tpu.memref_squeeze %dma_start3A_44 : memref<1x1x1x2x128xi32, #tpu.memory_space<hbm>> -> memref<1x2x128xi32, #tpu.memory_space<hbm>>
    %dma_start3A_46 = arith.constant 2 : i32
    %dma_start3A_47 = arith.constant 0 : i32
    %dma_start3A_48 = arith.constant 0 : i32
    %dma_start3A_49 = tpu.memref_slice %arg3[%arg0, %arg1, %dma_start3A_46, %dma_start3A_47, %dma_start3A_48] : memref<2x16x392x2x128xi32, #tpu.memory_space<hbm>> -> memref<1x1x1x2x128xi32, #tpu.memory_space<hbm>>
    %dma_start3A_50 = tpu.memref_squeeze %dma_start3A_49 : memref<1x1x1x2x128xi32, #tpu.memory_space<hbm>> -> memref<1x2x128xi32, #tpu.memory_space<hbm>>
    tpu.enqueue_dma source(%dma_start3A_50 : memref<1x2x128xi32, #tpu.memory_space<hbm>>) target(%arg7 : memref<1x2x128xi32, #tpu.memory_space<vmem>>) target_semaphore(%arg14 : memref<!tpu.dma_semaphore, #tpu.memory_space<semaphore_mem>>)
    %dma_start3A_51 = arith.constant 0 : i32
    %dma_start3A_52 = arith.constant 1 : i32
    %dma_start3A_53 = arith.constant 0 : i32
    %dma_start3A_54 = tpu.memref_slice %arg8[%dma_start3A_51, %dma_start3A_52, %dma_start3A_53] : memref<1x2x128xi32, #tpu.memory_space<vmem>> -> memref<1x1x128xi32, #tpu.memory_space<vmem>>
    %dma_start3A_55 = tpu.memref_squeeze %dma_start3A_54 : memref<1x1x128xi32, #tpu.memory_space<vmem>> -> memref<128xi32, #tpu.memory_space<vmem>>
    %dma_start3A_56 = arith.constant 0 : i32
    %dma_start3A_57 = arith.constant 0 : i32
    %dma_start3A_58 = tpu.memref_slice %arg11[%dma_start3A_56, %dma_start3A_57] : memref<51200x16xf32, #tpu.memory_space<vmem_shared>> -> memref<51200x16xf32, #tpu.memory_space<vmem_shared>>
    tpu.enqueue_indirect_dma source(%arg10 : memref<128x16xf32, #tpu.memory_space<vmem>>) target(%dma_start3A_58 : memref<51200x16xf32, #tpu.memory_space<vmem_shared>>) offsets(%dma_start3A_55 : memref<128xi32, #tpu.memory_space<vmem>>) semaphore(%arg13 : memref<!tpu.dma_semaphore, #tpu.memory_space<semaphore_mem>>) {add = true}
    %dma_wait3A = arith.constant 0 : i32
    %dma_wait3A_59 = arith.constant 0 : i32
    %dma_wait3A_60 = arith.constant 0 : i32
    %dma_wait3A_61 = tpu.memref_slice %arg3[%arg0, %arg1, %dma_wait3A, %dma_wait3A_59, %dma_wait3A_60] : memref<2x16x392x2x128xi32, #tpu.memory_space<hbm>> -> memref<1x1x1x2x128xi32, #tpu.memory_space<hbm>>
    %dma_wait3A_62 = tpu.memref_squeeze %dma_wait3A_61 : memref<1x1x1x2x128xi32, #tpu.memory_space<hbm>> -> memref<1x2x128xi32, #tpu.memory_space<hbm>>
    %dma_wait3A_63 = arith.constant 0 : i32
    %dma_wait3A_64 = arith.constant 0 : i32
    %dma_wait3A_65 = arith.constant 0 : i32
    %dma_wait3A_66 = tpu.memref_slice %arg3[%arg0, %arg1, %dma_wait3A_63, %dma_wait3A_64, %dma_wait3A_65] : memref<2x16x392x2x128xi32, #tpu.memory_space<hbm>> -> memref<1x1x1x2x128xi32, #tpu.memory_space<hbm>>
    %dma_wait3A_67 = tpu.memref_squeeze %dma_wait3A_66 : memref<1x1x1x2x128xi32, #tpu.memory_space<hbm>> -> memref<1x2x128xi32, #tpu.memory_space<hbm>>
    tpu.wait_dma2 semaphore(%arg14 : memref<!tpu.dma_semaphore, #tpu.memory_space<semaphore_mem>>) src(%dma_wait3A_67 : memref<1x2x128xi32, #tpu.memory_space<hbm>>) dst(%arg5 : memref<1x2x128xi32, #tpu.memory_space<vmem>>)
    %dma_start3A_68 = arith.constant 0 : i32
    %dma_start3A_69 = arith.constant 0 : i32
    %dma_start3A_70 = arith.constant 0 : i32
    %dma_start3A_71 = tpu.memref_slice %arg5[%dma_start3A_68, %dma_start3A_69, %dma_start3A_70] : memref<1x2x128xi32, #tpu.memory_space<vmem>> -> memref<1x1x128xi32, #tpu.memory_space<vmem>>
    %dma_start3A_72 = tpu.memref_squeeze %dma_start3A_71 : memref<1x1x128xi32, #tpu.memory_space<vmem>> -> memref<128xi32, #tpu.memory_space<vmem>>
    %dma_start3A_73 = arith.constant 0 : i32
    %dma_start3A_74 = arith.constant 0 : i32
    %dma_start3A_75 = tpu.memref_slice %arg2[%dma_start3A_73, %dma_start3A_74] : memref<100000x16xf32, #tpu.memory_space<hbm>> -> memref<100000x16xf32, #tpu.memory_space<hbm>>
    tpu.enqueue_indirect_dma source(%dma_start3A_75 : memref<100000x16xf32, #tpu.memory_space<hbm>>) target(%arg9 : memref<128x16xf32, #tpu.memory_space<vmem>>) offsets(%dma_start3A_72 : memref<128xi32, #tpu.memory_space<vmem>>) semaphore(%arg12 : memref<!tpu.dma_semaphore, #tpu.memory_space<semaphore_mem>>)
    %scan3A_76 = arith.constant 0 : i32
    %scan3A_77 = arith.constant 0 : i32
    %scan3A_78 = arith.constant 98 : i32
    %scan3A_79 = arith.addi %scan3A_77, %scan3A_78 : i32
    %scan3A_80 = arith.constant 1 : i32
    %scan3A_81 = scf.for %scan3A_99 = %scan3A_77 to %scan3A_79 step %scan3A_80 iter_args(%scan3A_100 = %scan3A_76) -> (i32)  : i32 {
      %mul3A = arith.constant 4 : i32
      %mul3A_101 = arith.muli %mul3A, %scan3A_99 : i32
      %add3A = arith.constant 0 : i32
      %add3A_102 = arith.addi %mul3A_101, %add3A : i32
      %dma_wait3A_103 = arith.constant 0 : i32
      %dma_wait3A_104 = arith.constant 0 : i32
      %dma_wait3A_105 = arith.constant 0 : i32
      %dma_wait3A_106 = tpu.memref_slice %arg5[%dma_wait3A_103, %dma_wait3A_104, %dma_wait3A_105] : memref<1x2x128xi32, #tpu.memory_space<vmem>> -> memref<1x1x128xi32, #tpu.memory_space<vmem>>
      %dma_wait3A_107 = tpu.memref_squeeze %dma_wait3A_106 : memref<1x1x128xi32, #tpu.memory_space<vmem>> -> memref<128xi32, #tpu.memory_space<vmem>>
      %dma_wait3A_108 = arith.constant 0 : i32
      %dma_wait3A_109 = arith.constant 0 : i32
      %dma_wait3A_110 = tpu.memref_slice %arg2[%dma_wait3A_108, %dma_wait3A_109] : memref<100000x16xf32, #tpu.memory_space<hbm>> -> memref<100000x16xf32, #tpu.memory_space<hbm>>
      tpu.wait_indirect_dma semaphore(%arg12 : memref<!tpu.dma_semaphore, #tpu.memory_space<semaphore_mem>>) src(%dma_wait3A_110 : memref<100000x16xf32, #tpu.memory_space<hbm>>) dst(%arg9 : memref<128x16xf32, #tpu.memory_space<vmem>>)
      %dma_wait3A_111 = arith.constant 0 : i32
      %dma_wait3A_112 = arith.constant 1 : i32
      %dma_wait3A_113 = arith.constant 0 : i32
      %dma_wait3A_114 = tpu.memref_slice %arg8[%dma_wait3A_111, %dma_wait3A_112, %dma_wait3A_113] : memref<1x2x128xi32, #tpu.memory_space<vmem>> -> memref<1x1x128xi32, #tpu.memory_space<vmem>>
      %dma_wait3A_115 = tpu.memref_squeeze %dma_wait3A_114 : memref<1x1x128xi32, #tpu.memory_space<vmem>> -> memref<128xi32, #tpu.memory_space<vmem>>
      %dma_wait3A_116 = arith.constant 0 : i32
      %dma_wait3A_117 = arith.constant 0 : i32
      %dma_wait3A_118 = tpu.memref_slice %arg11[%dma_wait3A_116, %dma_wait3A_117] : memref<51200x16xf32, #tpu.memory_space<vmem_shared>> -> memref<51200x16xf32, #tpu.memory_space<vmem_shared>>
      tpu.wait_indirect_dma semaphore(%arg13 : memref<!tpu.dma_semaphore, #tpu.memory_space<semaphore_mem>>) src(%arg10 : memref<128x16xf32, #tpu.memory_space<vmem>>) dst(%dma_wait3A_118 : memref<51200x16xf32, #tpu.memory_space<vmem_shared>>)
      %add3A_119 = arith.constant 1 : i32
      %add3A_120 = arith.addi %add3A_102, %add3A_119 : i32
      %lt3A = arith.constant 392 : i32
      %lt3A_121 = arith.cmpi slt, %add3A_120, %lt3A : i32
      %convert_element_type3A = arith.extui %lt3A_121 : i1 to i32
      %cond3A = arith.constant 0 : i32
      %cond3A_122 = arith.cmpi ne, %convert_element_type3A, %cond3A : i32
      scf.if %cond3A_122 {
        %dma_wait3A_259 = arith.constant 0 : i32
        %dma_wait3A_260 = arith.constant 0 : i32
        %dma_wait3A_261 = arith.constant 0 : i32
        %dma_wait3A_262 = tpu.memref_slice %arg3[%arg0, %arg1, %dma_wait3A_259, %dma_wait3A_260, %dma_wait3A_261] : memref<2x16x392x2x128xi32, #tpu.memory_space<hbm>> -> memref<1x1x1x2x128xi32, #tpu.memory_space<hbm>>
        %dma_wait3A_263 = tpu.memref_squeeze %dma_wait3A_262 : memref<1x1x1x2x128xi32, #tpu.memory_space<hbm>> -> memref<1x2x128xi32, #tpu.memory_space<hbm>>
        %dma_wait3A_264 = arith.constant 0 : i32
        %dma_wait3A_265 = arith.constant 0 : i32
        %dma_wait3A_266 = arith.constant 0 : i32
        %dma_wait3A_267 = tpu.memref_slice %arg3[%arg0, %arg1, %dma_wait3A_264, %dma_wait3A_265, %dma_wait3A_266] : memref<2x16x392x2x128xi32, #tpu.memory_space<hbm>> -> memref<1x1x1x2x128xi32, #tpu.memory_space<hbm>>
        %dma_wait3A_268 = tpu.memref_squeeze %dma_wait3A_267 : memref<1x1x1x2x128xi32, #tpu.memory_space<hbm>> -> memref<1x2x128xi32, #tpu.memory_space<hbm>>
        tpu.wait_dma2 semaphore(%arg14 : memref<!tpu.dma_semaphore, #tpu.memory_space<semaphore_mem>>) src(%dma_wait3A_268 : memref<1x2x128xi32, #tpu.memory_space<hbm>>) dst(%arg6 : memref<1x2x128xi32, #tpu.memory_space<vmem>>)
        %dma_start3A_269 = arith.constant 0 : i32
        %dma_start3A_270 = arith.constant 0 : i32
        %dma_start3A_271 = arith.constant 0 : i32
        %dma_start3A_272 = tpu.memref_slice %arg6[%dma_start3A_269, %dma_start3A_270, %dma_start3A_271] : memref<1x2x128xi32, #tpu.memory_space<vmem>> -> memref<1x1x128xi32, #tpu.memory_space<vmem>>
        %dma_start3A_273 = tpu.memref_squeeze %dma_start3A_272 : memref<1x1x128xi32, #tpu.memory_space<vmem>> -> memref<128xi32, #tpu.memory_space<vmem>>
        %dma_start3A_274 = arith.constant 0 : i32
        %dma_start3A_275 = arith.constant 0 : i32
        %dma_start3A_276 = tpu.memref_slice %arg2[%dma_start3A_274, %dma_start3A_275] : memref<100000x16xf32, #tpu.memory_space<hbm>> -> memref<100000x16xf32, #tpu.memory_space<hbm>>
        tpu.enqueue_indirect_dma source(%dma_start3A_276 : memref<100000x16xf32, #tpu.memory_space<hbm>>) target(%arg10 : memref<128x16xf32, #tpu.memory_space<vmem>>) offsets(%dma_start3A_273 : memref<128xi32, #tpu.memory_space<vmem>>) semaphore(%arg12 : memref<!tpu.dma_semaphore, #tpu.memory_space<semaphore_mem>>)
      } else {
      }
      %dma_start3A_123 = arith.constant 0 : i32
      %dma_start3A_124 = arith.constant 1 : i32
      %dma_start3A_125 = arith.constant 0 : i32
      %dma_start3A_126 = tpu.memref_slice %arg5[%dma_start3A_123, %dma_start3A_124, %dma_start3A_125] : memref<1x2x128xi32, #tpu.memory_space<vmem>> -> memref<1x1x128xi32, #tpu.memory_space<vmem>>
      %dma_start3A_127 = tpu.memref_squeeze %dma_start3A_126 : memref<1x1x128xi32, #tpu.memory_space<vmem>> -> memref<128xi32, #tpu.memory_space<vmem>>
      %dma_start3A_128 = arith.constant 0 : i32
      %dma_start3A_129 = arith.constant 0 : i32
      %dma_start3A_130 = tpu.memref_slice %arg11[%dma_start3A_128, %dma_start3A_129] : memref<51200x16xf32, #tpu.memory_space<vmem_shared>> -> memref<51200x16xf32, #tpu.memory_space<vmem_shared>>
      tpu.enqueue_indirect_dma source(%arg9 : memref<128x16xf32, #tpu.memory_space<vmem>>) target(%dma_start3A_130 : memref<51200x16xf32, #tpu.memory_space<vmem_shared>>) offsets(%dma_start3A_127 : memref<128xi32, #tpu.memory_space<vmem>>) semaphore(%arg13 : memref<!tpu.dma_semaphore, #tpu.memory_space<semaphore_mem>>) {add = true}
      %add3A_131 = arith.constant 3 : i32
      %add3A_132 = arith.addi %add3A_102, %add3A_131 : i32
      %lt3A_133 = arith.constant 392 : i32
      %lt3A_134 = arith.cmpi slt, %add3A_132, %lt3A_133 : i32
      %convert_element_type3A_135 = arith.extui %lt3A_134 : i1 to i32
      %cond3A_136 = arith.constant 0 : i32
      %cond3A_137 = arith.cmpi ne, %convert_element_type3A_135, %cond3A_136 : i32
      scf.if %cond3A_137 {
        %add3A_259 = arith.constant 3 : i32
        %add3A_260 = arith.addi %add3A_102, %add3A_259 : i32
        %dma_start3A_261 = arith.constant 0 : i32
        %dma_start3A_262 = arith.constant 0 : i32
        %dma_start3A_263 = tpu.memref_slice %arg3[%arg0, %arg1, %add3A_260, %dma_start3A_261, %dma_start3A_262] : memref<2x16x392x2x128xi32, #tpu.memory_space<hbm>> -> memref<1x1x1x2x128xi32, #tpu.memory_space<hbm>>
        %dma_start3A_264 = tpu.memref_squeeze %dma_start3A_263 : memref<1x1x1x2x128xi32, #tpu.memory_space<hbm>> -> memref<1x2x128xi32, #tpu.memory_space<hbm>>
        %dma_start3A_265 = arith.constant 0 : i32
        %dma_start3A_266 = arith.constant 0 : i32
        %dma_start3A_267 = tpu.memref_slice %arg3[%arg0, %arg1, %add3A_260, %dma_start3A_265, %dma_start3A_266] : memref<2x16x392x2x128xi32, #tpu.memory_space<hbm>> -> memref<1x1x1x2x128xi32, #tpu.memory_space<hbm>>
        %dma_start3A_268 = tpu.memref_squeeze %dma_start3A_267 : memref<1x1x1x2x128xi32, #tpu.memory_space<hbm>> -> memref<1x2x128xi32, #tpu.memory_space<hbm>>
        tpu.enqueue_dma source(%dma_start3A_268 : memref<1x2x128xi32, #tpu.memory_space<hbm>>) target(%arg8 : memref<1x2x128xi32, #tpu.memory_space<vmem>>) target_semaphore(%arg14 : memref<!tpu.dma_semaphore, #tpu.memory_space<semaphore_mem>>)
      } else {
      }
      %add3A_138 = arith.constant 1 : i32
      %add3A_139 = arith.addi %mul3A_101, %add3A_138 : i32
      %dma_wait3A_140 = arith.constant 0 : i32
      %dma_wait3A_141 = arith.constant 0 : i32
      %dma_wait3A_142 = arith.constant 0 : i32
      %dma_wait3A_143 = tpu.memref_slice %arg6[%dma_wait3A_140, %dma_wait3A_141, %dma_wait3A_142] : memref<1x2x128xi32, #tpu.memory_space<vmem>> -> memref<1x1x128xi32, #tpu.memory_space<vmem>>
      %dma_wait3A_144 = tpu.memref_squeeze %dma_wait3A_143 : memref<1x1x128xi32, #tpu.memory_space<vmem>> -> memref<128xi32, #tpu.memory_space<vmem>>
      %dma_wait3A_145 = arith.constant 0 : i32
      %dma_wait3A_146 = arith.constant 0 : i32
      %dma_wait3A_147 = tpu.memref_slice %arg2[%dma_wait3A_145, %dma_wait3A_146] : memref<100000x16xf32, #tpu.memory_space<hbm>> -> memref<100000x16xf32, #tpu.memory_space<hbm>>
      tpu.wait_indirect_dma semaphore(%arg12 : memref<!tpu.dma_semaphore, #tpu.memory_space<semaphore_mem>>) src(%dma_wait3A_147 : memref<100000x16xf32, #tpu.memory_space<hbm>>) dst(%arg10 : memref<128x16xf32, #tpu.memory_space<vmem>>)
      %dma_wait3A_148 = arith.constant 0 : i32
      %dma_wait3A_149 = arith.constant 1 : i32
      %dma_wait3A_150 = arith.constant 0 : i32
      %dma_wait3A_151 = tpu.memref_slice %arg5[%dma_wait3A_148, %dma_wait3A_149, %dma_wait3A_150] : memref<1x2x128xi32, #tpu.memory_space<vmem>> -> memref<1x1x128xi32, #tpu.memory_space<vmem>>
      %dma_wait3A_152 = tpu.memref_squeeze %dma_wait3A_151 : memref<1x1x128xi32, #tpu.memory_space<vmem>> -> memref<128xi32, #tpu.memory_space<vmem>>
      %dma_wait3A_153 = arith.constant 0 : i32
      %dma_wait3A_154 = arith.constant 0 : i32
      %dma_wait3A_155 = tpu.memref_slice %arg11[%dma_wait3A_153, %dma_wait3A_154] : memref<51200x16xf32, #tpu.memory_space<vmem_shared>> -> memref<51200x16xf32, #tpu.memory_space<vmem_shared>>
      tpu.wait_indirect_dma semaphore(%arg13 : memref<!tpu.dma_semaphore, #tpu.memory_space<semaphore_mem>>) src(%arg9 : memref<128x16xf32, #tpu.memory_space<vmem>>) dst(%dma_wait3A_155 : memref<51200x16xf32, #tpu.memory_space<vmem_shared>>)
      %add3A_156 = arith.constant 1 : i32
      %add3A_157 = arith.addi %add3A_139, %add3A_156 : i32
      %lt3A_158 = arith.constant 392 : i32
      %lt3A_159 = arith.cmpi slt, %add3A_157, %lt3A_158 : i32
      %convert_element_type3A_160 = arith.extui %lt3A_159 : i1 to i32
      %cond3A_161 = arith.constant 0 : i32
      %cond3A_162 = arith.cmpi ne, %convert_element_type3A_160, %cond3A_161 : i32
      scf.if %cond3A_162 {
        %dma_wait3A_259 = arith.constant 0 : i32
        %dma_wait3A_260 = arith.constant 0 : i32
        %dma_wait3A_261 = arith.constant 0 : i32
        %dma_wait3A_262 = tpu.memref_slice %arg3[%arg0, %arg1, %dma_wait3A_259, %dma_wait3A_260, %dma_wait3A_261] : memref<2x16x392x2x128xi32, #tpu.memory_space<hbm>> -> memref<1x1x1x2x128xi32, #tpu.memory_space<hbm>>
        %dma_wait3A_263 = tpu.memref_squeeze %dma_wait3A_262 : memref<1x1x1x2x128xi32, #tpu.memory_space<hbm>> -> memref<1x2x128xi32, #tpu.memory_space<hbm>>
        %dma_wait3A_264 = arith.constant 0 : i32
        %dma_wait3A_265 = arith.constant 0 : i32
        %dma_wait3A_266 = arith.constant 0 : i32
        %dma_wait3A_267 = tpu.memref_slice %arg3[%arg0, %arg1, %dma_wait3A_264, %dma_wait3A_265, %dma_wait3A_266] : memref<2x16x392x2x128xi32, #tpu.memory_space<hbm>> -> memref<1x1x1x2x128xi32, #tpu.memory_space<hbm>>
        %dma_wait3A_268 = tpu.memref_squeeze %dma_wait3A_267 : memref<1x1x1x2x128xi32, #tpu.memory_space<hbm>> -> memref<1x2x128xi32, #tpu.memory_space<hbm>>
        tpu.wait_dma2 semaphore(%arg14 : memref<!tpu.dma_semaphore, #tpu.memory_space<semaphore_mem>>) src(%dma_wait3A_268 : memref<1x2x128xi32, #tpu.memory_space<hbm>>) dst(%arg7 : memref<1x2x128xi32, #tpu.memory_space<vmem>>)
        %dma_start3A_269 = arith.constant 0 : i32
        %dma_start3A_270 = arith.constant 0 : i32
        %dma_start3A_271 = arith.constant 0 : i32
        %dma_start3A_272 = tpu.memref_slice %arg7[%dma_start3A_269, %dma_start3A_270, %dma_start3A_271] : memref<1x2x128xi32, #tpu.memory_space<vmem>> -> memref<1x1x128xi32, #tpu.memory_space<vmem>>
        %dma_start3A_273 = tpu.memref_squeeze %dma_start3A_272 : memref<1x1x128xi32, #tpu.memory_space<vmem>> -> memref<128xi32, #tpu.memory_space<vmem>>
        %dma_start3A_274 = arith.constant 0 : i32
        %dma_start3A_275 = arith.constant 0 : i32
        %dma_start3A_276 = tpu.memref_slice %arg2[%dma_start3A_274, %dma_start3A_275] : memref<100000x16xf32, #tpu.memory_space<hbm>> -> memref<100000x16xf32, #tpu.memory_space<hbm>>
        tpu.enqueue_indirect_dma source(%dma_start3A_276 : memref<100000x16xf32, #tpu.memory_space<hbm>>) target(%arg9 : memref<128x16xf32, #tpu.memory_space<vmem>>) offsets(%dma_start3A_273 : memref<128xi32, #tpu.memory_space<vmem>>) semaphore(%arg12 : memref<!tpu.dma_semaphore, #tpu.memory_space<semaphore_mem>>)
      } else {
      }
      %dma_start3A_163 = arith.constant 0 : i32
      %dma_start3A_164 = arith.constant 1 : i32
      %dma_start3A_165 = arith.constant 0 : i32
      %dma_start3A_166 = tpu.memref_slice %arg6[%dma_start3A_163, %dma_start3A_164, %dma_start3A_165] : memref<1x2x128xi32, #tpu.memory_space<vmem>> -> memref<1x1x128xi32, #tpu.memory_space<vmem>>
      %dma_start3A_167 = tpu.memref_squeeze %dma_start3A_166 : memref<1x1x128xi32, #tpu.memory_space<vmem>> -> memref<128xi32, #tpu.memory_space<vmem>>
      %dma_start3A_168 = arith.constant 0 : i32
      %dma_start3A_169 = arith.constant 0 : i32
      %dma_start3A_170 = tpu.memref_slice %arg11[%dma_start3A_168, %dma_start3A_169] : memref<51200x16xf32, #tpu.memory_space<vmem_shared>> -> memref<51200x16xf32, #tpu.memory_space<vmem_shared>>
      tpu.enqueue_indirect_dma source(%arg10 : memref<128x16xf32, #tpu.memory_space<vmem>>) target(%dma_start3A_170 : memref<51200x16xf32, #tpu.memory_space<vmem_shared>>) offsets(%dma_start3A_167 : memref<128xi32, #tpu.memory_space<vmem>>) semaphore(%arg13 : memref<!tpu.dma_semaphore, #tpu.memory_space<semaphore_mem>>) {add = true}
      %add3A_171 = arith.constant 3 : i32
      %add3A_172 = arith.addi %add3A_139, %add3A_171 : i32
      %lt3A_173 = arith.constant 392 : i32
      %lt3A_174 = arith.cmpi slt, %add3A_172, %lt3A_173 : i32
      %convert_element_type3A_175 = arith.extui %lt3A_174 : i1 to i32
      %cond3A_176 = arith.constant 0 : i32
      %cond3A_177 = arith.cmpi ne, %convert_element_type3A_175, %cond3A_176 : i32
      scf.if %cond3A_177 {
        %add3A_259 = arith.constant 3 : i32
        %add3A_260 = arith.addi %add3A_139, %add3A_259 : i32
        %dma_start3A_261 = arith.constant 0 : i32
        %dma_start3A_262 = arith.constant 0 : i32
        %dma_start3A_263 = tpu.memref_slice %arg3[%arg0, %arg1, %add3A_260, %dma_start3A_261, %dma_start3A_262] : memref<2x16x392x2x128xi32, #tpu.memory_space<hbm>> -> memref<1x1x1x2x128xi32, #tpu.memory_space<hbm>>
        %dma_start3A_264 = tpu.memref_squeeze %dma_start3A_263 : memref<1x1x1x2x128xi32, #tpu.memory_space<hbm>> -> memref<1x2x128xi32, #tpu.memory_space<hbm>>
        %dma_start3A_265 = arith.constant 0 : i32
        %dma_start3A_266 = arith.constant 0 : i32
        %dma_start3A_267 = tpu.memref_slice %arg3[%arg0, %arg1, %add3A_260, %dma_start3A_265, %dma_start3A_266] : memref<2x16x392x2x128xi32, #tpu.memory_space<hbm>> -> memref<1x1x1x2x128xi32, #tpu.memory_space<hbm>>
        %dma_start3A_268 = tpu.memref_squeeze %dma_start3A_267 : memref<1x1x1x2x128xi32, #tpu.memory_space<hbm>> -> memref<1x2x128xi32, #tpu.memory_space<hbm>>
        tpu.enqueue_dma source(%dma_start3A_268 : memref<1x2x128xi32, #tpu.memory_space<hbm>>) target(%arg5 : memref<1x2x128xi32, #tpu.memory_space<vmem>>) target_semaphore(%arg14 : memref<!tpu.dma_semaphore, #tpu.memory_space<semaphore_mem>>)
      } else {
      }
      %add3A_178 = arith.constant 2 : i32
      %add3A_179 = arith.addi %mul3A_101, %add3A_178 : i32
      %dma_wait3A_180 = arith.constant 0 : i32
      %dma_wait3A_181 = arith.constant 0 : i32
      %dma_wait3A_182 = arith.constant 0 : i32
      %dma_wait3A_183 = tpu.memref_slice %arg7[%dma_wait3A_180, %dma_wait3A_181, %dma_wait3A_182] : memref<1x2x128xi32, #tpu.memory_space<vmem>> -> memref<1x1x128xi32, #tpu.memory_space<vmem>>
      %dma_wait3A_184 = tpu.memref_squeeze %dma_wait3A_183 : memref<1x1x128xi32, #tpu.memory_space<vmem>> -> memref<128xi32, #tpu.memory_space<vmem>>
      %dma_wait3A_185 = arith.constant 0 : i32
      %dma_wait3A_186 = arith.constant 0 : i32
      %dma_wait3A_187 = tpu.memref_slice %arg2[%dma_wait3A_185, %dma_wait3A_186] : memref<100000x16xf32, #tpu.memory_space<hbm>> -> memref<100000x16xf32, #tpu.memory_space<hbm>>
      tpu.wait_indirect_dma semaphore(%arg12 : memref<!tpu.dma_semaphore, #tpu.memory_space<semaphore_mem>>) src(%dma_wait3A_187 : memref<100000x16xf32, #tpu.memory_space<hbm>>) dst(%arg9 : memref<128x16xf32, #tpu.memory_space<vmem>>)
      %dma_wait3A_188 = arith.constant 0 : i32
      %dma_wait3A_189 = arith.constant 1 : i32
      %dma_wait3A_190 = arith.constant 0 : i32
      %dma_wait3A_191 = tpu.memref_slice %arg6[%dma_wait3A_188, %dma_wait3A_189, %dma_wait3A_190] : memref<1x2x128xi32, #tpu.memory_space<vmem>> -> memref<1x1x128xi32, #tpu.memory_space<vmem>>
      %dma_wait3A_192 = tpu.memref_squeeze %dma_wait3A_191 : memref<1x1x128xi32, #tpu.memory_space<vmem>> -> memref<128xi32, #tpu.memory_space<vmem>>
      %dma_wait3A_193 = arith.constant 0 : i32
      %dma_wait3A_194 = arith.constant 0 : i32
      %dma_wait3A_195 = tpu.memref_slice %arg11[%dma_wait3A_193, %dma_wait3A_194] : memref<51200x16xf32, #tpu.memory_space<vmem_shared>> -> memref<51200x16xf32, #tpu.memory_space<vmem_shared>>
      tpu.wait_indirect_dma semaphore(%arg13 : memref<!tpu.dma_semaphore, #tpu.memory_space<semaphore_mem>>) src(%arg10 : memref<128x16xf32, #tpu.memory_space<vmem>>) dst(%dma_wait3A_195 : memref<51200x16xf32, #tpu.memory_space<vmem_shared>>)
      %add3A_196 = arith.constant 1 : i32
      %add3A_197 = arith.addi %add3A_179, %add3A_196 : i32
      %lt3A_198 = arith.constant 392 : i32
      %lt3A_199 = arith.cmpi slt, %add3A_197, %lt3A_198 : i32
      %convert_element_type3A_200 = arith.extui %lt3A_199 : i1 to i32
      %cond3A_201 = arith.constant 0 : i32
      %cond3A_202 = arith.cmpi ne, %convert_element_type3A_200, %cond3A_201 : i32
      scf.if %cond3A_202 {
        %dma_wait3A_259 = arith.constant 0 : i32
        %dma_wait3A_260 = arith.constant 0 : i32
        %dma_wait3A_261 = arith.constant 0 : i32
        %dma_wait3A_262 = tpu.memref_slice %arg3[%arg0, %arg1, %dma_wait3A_259, %dma_wait3A_260, %dma_wait3A_261] : memref<2x16x392x2x128xi32, #tpu.memory_space<hbm>> -> memref<1x1x1x2x128xi32, #tpu.memory_space<hbm>>
        %dma_wait3A_263 = tpu.memref_squeeze %dma_wait3A_262 : memref<1x1x1x2x128xi32, #tpu.memory_space<hbm>> -> memref<1x2x128xi32, #tpu.memory_space<hbm>>
        %dma_wait3A_264 = arith.constant 0 : i32
        %dma_wait3A_265 = arith.constant 0 : i32
        %dma_wait3A_266 = arith.constant 0 : i32
        %dma_wait3A_267 = tpu.memref_slice %arg3[%arg0, %arg1, %dma_wait3A_264, %dma_wait3A_265, %dma_wait3A_266] : memref<2x16x392x2x128xi32, #tpu.memory_space<hbm>> -> memref<1x1x1x2x128xi32, #tpu.memory_space<hbm>>
        %dma_wait3A_268 = tpu.memref_squeeze %dma_wait3A_267 : memref<1x1x1x2x128xi32, #tpu.memory_space<hbm>> -> memref<1x2x128xi32, #tpu.memory_space<hbm>>
        tpu.wait_dma2 semaphore(%arg14 : memref<!tpu.dma_semaphore, #tpu.memory_space<semaphore_mem>>) src(%dma_wait3A_268 : memref<1x2x128xi32, #tpu.memory_space<hbm>>) dst(%arg8 : memref<1x2x128xi32, #tpu.memory_space<vmem>>)
        %dma_start3A_269 = arith.constant 0 : i32
        %dma_start3A_270 = arith.constant 0 : i32
        %dma_start3A_271 = arith.constant 0 : i32
        %dma_start3A_272 = tpu.memref_slice %arg8[%dma_start3A_269, %dma_start3A_270, %dma_start3A_271] : memref<1x2x128xi32, #tpu.memory_space<vmem>> -> memref<1x1x128xi32, #tpu.memory_space<vmem>>
        %dma_start3A_273 = tpu.memref_squeeze %dma_start3A_272 : memref<1x1x128xi32, #tpu.memory_space<vmem>> -> memref<128xi32, #tpu.memory_space<vmem>>
        %dma_start3A_274 = arith.constant 0 : i32
        %dma_start3A_275 = arith.constant 0 : i32
        %dma_start3A_276 = tpu.memref_slice %arg2[%dma_start3A_274, %dma_start3A_275] : memref<100000x16xf32, #tpu.memory_space<hbm>> -> memref<100000x16xf32, #tpu.memory_space<hbm>>
        tpu.enqueue_indirect_dma source(%dma_start3A_276 : memref<100000x16xf32, #tpu.memory_space<hbm>>) target(%arg10 : memref<128x16xf32, #tpu.memory_space<vmem>>) offsets(%dma_start3A_273 : memref<128xi32, #tpu.memory_space<vmem>>) semaphore(%arg12 : memref<!tpu.dma_semaphore, #tpu.memory_space<semaphore_mem>>)
      } else {
      }
      %dma_start3A_203 = arith.constant 0 : i32
      %dma_start3A_204 = arith.constant 1 : i32
      %dma_start3A_205 = arith.constant 0 : i32
      %dma_start3A_206 = tpu.memref_slice %arg7[%dma_start3A_203, %dma_start3A_204, %dma_start3A_205] : memref<1x2x128xi32, #tpu.memory_space<vmem>> -> memref<1x1x128xi32, #tpu.memory_space<vmem>>
      %dma_start3A_207 = tpu.memref_squeeze %dma_start3A_206 : memref<1x1x128xi32, #tpu.memory_space<vmem>> -> memref<128xi32, #tpu.memory_space<vmem>>
      %dma_start3A_208 = arith.constant 0 : i32
      %dma_start3A_209 = arith.constant 0 : i32
      %dma_start3A_210 = tpu.memref_slice %arg11[%dma_start3A_208, %dma_start3A_209] : memref<51200x16xf32, #tpu.memory_space<vmem_shared>> -> memref<51200x16xf32, #tpu.memory_space<vmem_shared>>
      tpu.enqueue_indirect_dma source(%arg9 : memref<128x16xf32, #tpu.memory_space<vmem>>) target(%dma_start3A_210 : memref<51200x16xf32, #tpu.memory_space<vmem_shared>>) offsets(%dma_start3A_207 : memref<128xi32, #tpu.memory_space<vmem>>) semaphore(%arg13 : memref<!tpu.dma_semaphore, #tpu.memory_space<semaphore_mem>>) {add = true}
      %add3A_211 = arith.constant 3 : i32
      %add3A_212 = arith.addi %add3A_179, %add3A_211 : i32
      %lt3A_213 = arith.constant 392 : i32
      %lt3A_214 = arith.cmpi slt, %add3A_212, %lt3A_213 : i32
      %convert_element_type3A_215 = arith.extui %lt3A_214 : i1 to i32
      %cond3A_216 = arith.constant 0 : i32
      %cond3A_217 = arith.cmpi ne, %convert_element_type3A_215, %cond3A_216 : i32
      scf.if %cond3A_217 {
        %add3A_259 = arith.constant 3 : i32
        %add3A_260 = arith.addi %add3A_179, %add3A_259 : i32
        %dma_start3A_261 = arith.constant 0 : i32
        %dma_start3A_262 = arith.constant 0 : i32
        %dma_start3A_263 = tpu.memref_slice %arg3[%arg0, %arg1, %add3A_260, %dma_start3A_261, %dma_start3A_262] : memref<2x16x392x2x128xi32, #tpu.memory_space<hbm>> -> memref<1x1x1x2x128xi32, #tpu.memory_space<hbm>>
        %dma_start3A_264 = tpu.memref_squeeze %dma_start3A_263 : memref<1x1x1x2x128xi32, #tpu.memory_space<hbm>> -> memref<1x2x128xi32, #tpu.memory_space<hbm>>
        %dma_start3A_265 = arith.constant 0 : i32
        %dma_start3A_266 = arith.constant 0 : i32
        %dma_start3A_267 = tpu.memref_slice %arg3[%arg0, %arg1, %add3A_260, %dma_start3A_265, %dma_start3A_266] : memref<2x16x392x2x128xi32, #tpu.memory_space<hbm>> -> memref<1x1x1x2x128xi32, #tpu.memory_space<hbm>>
        %dma_start3A_268 = tpu.memref_squeeze %dma_start3A_267 : memref<1x1x1x2x128xi32, #tpu.memory_space<hbm>> -> memref<1x2x128xi32, #tpu.memory_space<hbm>>
        tpu.enqueue_dma source(%dma_start3A_268 : memref<1x2x128xi32, #tpu.memory_space<hbm>>) target(%arg6 : memref<1x2x128xi32, #tpu.memory_space<vmem>>) target_semaphore(%arg14 : memref<!tpu.dma_semaphore, #tpu.memory_space<semaphore_mem>>)
      } else {
      }
      %add3A_218 = arith.constant 3 : i32
      %add3A_219 = arith.addi %mul3A_101, %add3A_218 : i32
      %dma_wait3A_220 = arith.constant 0 : i32
      %dma_wait3A_221 = arith.constant 0 : i32
      %dma_wait3A_222 = arith.constant 0 : i32
      %dma_wait3A_223 = tpu.memref_slice %arg8[%dma_wait3A_220, %dma_wait3A_221, %dma_wait3A_222] : memref<1x2x128xi32, #tpu.memory_space<vmem>> -> memref<1x1x128xi32, #tpu.memory_space<vmem>>
      %dma_wait3A_224 = tpu.memref_squeeze %dma_wait3A_223 : memref<1x1x128xi32, #tpu.memory_space<vmem>> -> memref<128xi32, #tpu.memory_space<vmem>>
      %dma_wait3A_225 = arith.constant 0 : i32
      %dma_wait3A_226 = arith.constant 0 : i32
      %dma_wait3A_227 = tpu.memref_slice %arg2[%dma_wait3A_225, %dma_wait3A_226] : memref<100000x16xf32, #tpu.memory_space<hbm>> -> memref<100000x16xf32, #tpu.memory_space<hbm>>
      tpu.wait_indirect_dma semaphore(%arg12 : memref<!tpu.dma_semaphore, #tpu.memory_space<semaphore_mem>>) src(%dma_wait3A_227 : memref<100000x16xf32, #tpu.memory_space<hbm>>) dst(%arg10 : memref<128x16xf32, #tpu.memory_space<vmem>>)
      %dma_wait3A_228 = arith.constant 0 : i32
      %dma_wait3A_229 = arith.constant 1 : i32
      %dma_wait3A_230 = arith.constant 0 : i32
      %dma_wait3A_231 = tpu.memref_slice %arg7[%dma_wait3A_228, %dma_wait3A_229, %dma_wait3A_230] : memref<1x2x128xi32, #tpu.memory_space<vmem>> -> memref<1x1x128xi32, #tpu.memory_space<vmem>>
      %dma_wait3A_232 = tpu.memref_squeeze %dma_wait3A_231 : memref<1x1x128xi32, #tpu.memory_space<vmem>> -> memref<128xi32, #tpu.memory_space<vmem>>
      %dma_wait3A_233 = arith.constant 0 : i32
      %dma_wait3A_234 = arith.constant 0 : i32
      %dma_wait3A_235 = tpu.memref_slice %arg11[%dma_wait3A_233, %dma_wait3A_234] : memref<51200x16xf32, #tpu.memory_space<vmem_shared>> -> memref<51200x16xf32, #tpu.memory_space<vmem_shared>>
      tpu.wait_indirect_dma semaphore(%arg13 : memref<!tpu.dma_semaphore, #tpu.memory_space<semaphore_mem>>) src(%arg9 : memref<128x16xf32, #tpu.memory_space<vmem>>) dst(%dma_wait3A_235 : memref<51200x16xf32, #tpu.memory_space<vmem_shared>>)
      %add3A_236 = arith.constant 1 : i32
      %add3A_237 = arith.addi %add3A_219, %add3A_236 : i32
      %lt3A_238 = arith.constant 392 : i32
      %lt3A_239 = arith.cmpi slt, %add3A_237, %lt3A_238 : i32
      %convert_element_type3A_240 = arith.extui %lt3A_239 : i1 to i32
      %cond3A_241 = arith.constant 0 : i32
      %cond3A_242 = arith.cmpi ne, %convert_element_type3A_240, %cond3A_241 : i32
      scf.if %cond3A_242 {
        %dma_wait3A_259 = arith.constant 0 : i32
        %dma_wait3A_260 = arith.constant 0 : i32
        %dma_wait3A_261 = arith.constant 0 : i32
        %dma_wait3A_262 = tpu.memref_slice %arg3[%arg0, %arg1, %dma_wait3A_259, %dma_wait3A_260, %dma_wait3A_261] : memref<2x16x392x2x128xi32, #tpu.memory_space<hbm>> -> memref<1x1x1x2x128xi32, #tpu.memory_space<hbm>>
        %dma_wait3A_263 = tpu.memref_squeeze %dma_wait3A_262 : memref<1x1x1x2x128xi32, #tpu.memory_space<hbm>> -> memref<1x2x128xi32, #tpu.memory_space<hbm>>
        %dma_wait3A_264 = arith.constant 0 : i32
        %dma_wait3A_265 = arith.constant 0 : i32
        %dma_wait3A_266 = arith.constant 0 : i32
        %dma_wait3A_267 = tpu.memref_slice %arg3[%arg0, %arg1, %dma_wait3A_264, %dma_wait3A_265, %dma_wait3A_266] : memref<2x16x392x2x128xi32, #tpu.memory_space<hbm>> -> memref<1x1x1x2x128xi32, #tpu.memory_space<hbm>>
        %dma_wait3A_268 = tpu.memref_squeeze %dma_wait3A_267 : memref<1x1x1x2x128xi32, #tpu.memory_space<hbm>> -> memref<1x2x128xi32, #tpu.memory_space<hbm>>
        tpu.wait_dma2 semaphore(%arg14 : memref<!tpu.dma_semaphore, #tpu.memory_space<semaphore_mem>>) src(%dma_wait3A_268 : memref<1x2x128xi32, #tpu.memory_space<hbm>>) dst(%arg5 : memref<1x2x128xi32, #tpu.memory_space<vmem>>)
        %dma_start3A_269 = arith.constant 0 : i32
        %dma_start3A_270 = arith.constant 0 : i32
        %dma_start3A_271 = arith.constant 0 : i32
        %dma_start3A_272 = tpu.memref_slice %arg5[%dma_start3A_269, %dma_start3A_270, %dma_start3A_271] : memref<1x2x128xi32, #tpu.memory_space<vmem>> -> memref<1x1x128xi32, #tpu.memory_space<vmem>>
        %dma_start3A_273 = tpu.memref_squeeze %dma_start3A_272 : memref<1x1x128xi32, #tpu.memory_space<vmem>> -> memref<128xi32, #tpu.memory_space<vmem>>
        %dma_start3A_274 = arith.constant 0 : i32
        %dma_start3A_275 = arith.constant 0 : i32
        %dma_start3A_276 = tpu.memref_slice %arg2[%dma_start3A_274, %dma_start3A_275] : memref<100000x16xf32, #tpu.memory_space<hbm>> -> memref<100000x16xf32, #tpu.memory_space<hbm>>
        tpu.enqueue_indirect_dma source(%dma_start3A_276 : memref<100000x16xf32, #tpu.memory_space<hbm>>) target(%arg9 : memref<128x16xf32, #tpu.memory_space<vmem>>) offsets(%dma_start3A_273 : memref<128xi32, #tpu.memory_space<vmem>>) semaphore(%arg12 : memref<!tpu.dma_semaphore, #tpu.memory_space<semaphore_mem>>)
      } else {
      }
      %dma_start3A_243 = arith.constant 0 : i32
      %dma_start3A_244 = arith.constant 1 : i32
      %dma_start3A_245 = arith.constant 0 : i32
      %dma_start3A_246 = tpu.memref_slice %arg8[%dma_start3A_243, %dma_start3A_244, %dma_start3A_245] : memref<1x2x128xi32, #tpu.memory_space<vmem>> -> memref<1x1x128xi32, #tpu.memory_space<vmem>>
      %dma_start3A_247 = tpu.memref_squeeze %dma_start3A_246 : memref<1x1x128xi32, #tpu.memory_space<vmem>> -> memref<128xi32, #tpu.memory_space<vmem>>
      %dma_start3A_248 = arith.constant 0 : i32
      %dma_start3A_249 = arith.constant 0 : i32
      %dma_start3A_250 = tpu.memref_slice %arg11[%dma_start3A_248, %dma_start3A_249] : memref<51200x16xf32, #tpu.memory_space<vmem_shared>> -> memref<51200x16xf32, #tpu.memory_space<vmem_shared>>
      tpu.enqueue_indirect_dma source(%arg10 : memref<128x16xf32, #tpu.memory_space<vmem>>) target(%dma_start3A_250 : memref<51200x16xf32, #tpu.memory_space<vmem_shared>>) offsets(%dma_start3A_247 : memref<128xi32, #tpu.memory_space<vmem>>) semaphore(%arg13 : memref<!tpu.dma_semaphore, #tpu.memory_space<semaphore_mem>>) {add = true}
      %add3A_251 = arith.constant 3 : i32
      %add3A_252 = arith.addi %add3A_219, %add3A_251 : i32
      %lt3A_253 = arith.constant 392 : i32
      %lt3A_254 = arith.cmpi slt, %add3A_252, %lt3A_253 : i32
      %convert_element_type3A_255 = arith.extui %lt3A_254 : i1 to i32
      %cond3A_256 = arith.constant 0 : i32
      %cond3A_257 = arith.cmpi ne, %convert_element_type3A_255, %cond3A_256 : i32
      scf.if %cond3A_257 {
        %add3A_259 = arith.constant 3 : i32
        %add3A_260 = arith.addi %add3A_219, %add3A_259 : i32
        %dma_start3A_261 = arith.constant 0 : i32
        %dma_start3A_262 = arith.constant 0 : i32
        %dma_start3A_263 = tpu.memref_slice %arg3[%arg0, %arg1, %add3A_260, %dma_start3A_261, %dma_start3A_262] : memref<2x16x392x2x128xi32, #tpu.memory_space<hbm>> -> memref<1x1x1x2x128xi32, #tpu.memory_space<hbm>>
        %dma_start3A_264 = tpu.memref_squeeze %dma_start3A_263 : memref<1x1x1x2x128xi32, #tpu.memory_space<hbm>> -> memref<1x2x128xi32, #tpu.memory_space<hbm>>
        %dma_start3A_265 = arith.constant 0 : i32
        %dma_start3A_266 = arith.constant 0 : i32
        %dma_start3A_267 = tpu.memref_slice %arg3[%arg0, %arg1, %add3A_260, %dma_start3A_265, %dma_start3A_266] : memref<2x16x392x2x128xi32, #tpu.memory_space<hbm>> -> memref<1x1x1x2x128xi32, #tpu.memory_space<hbm>>
        %dma_start3A_268 = tpu.memref_squeeze %dma_start3A_267 : memref<1x1x1x2x128xi32, #tpu.memory_space<hbm>> -> memref<1x2x128xi32, #tpu.memory_space<hbm>>
        tpu.enqueue_dma source(%dma_start3A_268 : memref<1x2x128xi32, #tpu.memory_space<hbm>>) target(%arg7 : memref<1x2x128xi32, #tpu.memory_space<vmem>>) target_semaphore(%arg14 : memref<!tpu.dma_semaphore, #tpu.memory_space<semaphore_mem>>)
      } else {
      }
      %scan3A_258 = arith.constant 0 : i32
      scf.yield %scan3A_258 : i32
    }
    %scan3A_82 = arith.constant 98 : i32
    %dma_wait3A_83 = arith.constant 0 : i32
    %dma_wait3A_84 = arith.constant 1 : i32
    %dma_wait3A_85 = arith.constant 0 : i32
    %dma_wait3A_86 = tpu.memref_slice %arg8[%dma_wait3A_83, %dma_wait3A_84, %dma_wait3A_85] : memref<1x2x128xi32, #tpu.memory_space<vmem>> -> memref<1x1x128xi32, #tpu.memory_space<vmem>>
    %dma_wait3A_87 = tpu.memref_squeeze %dma_wait3A_86 : memref<1x1x128xi32, #tpu.memory_space<vmem>> -> memref<128xi32, #tpu.memory_space<vmem>>
    %dma_wait3A_88 = arith.constant 0 : i32
    %dma_wait3A_89 = arith.constant 0 : i32
    %dma_wait3A_90 = tpu.memref_slice %arg11[%dma_wait3A_88, %dma_wait3A_89] : memref<51200x16xf32, #tpu.memory_space<vmem_shared>> -> memref<51200x16xf32, #tpu.memory_space<vmem_shared>>
    tpu.wait_indirect_dma semaphore(%arg13 : memref<!tpu.dma_semaphore, #tpu.memory_space<semaphore_mem>>) src(%arg10 : memref<128x16xf32, #tpu.memory_space<vmem>>) dst(%dma_wait3A_90 : memref<51200x16xf32, #tpu.memory_space<vmem_shared>>)
    %barrier3A_91 = arith.constant 0 : index
    tpu.barrier barrier_id(%barrier3A_91)
    %scan3A_92 = arith.constant 0 : i32
    %scan3A_93 = arith.constant 0 : i32
    %scan3A_94 = arith.constant 25 : i32
    %scan3A_95 = arith.addi %scan3A_93, %scan3A_94 : i32
    %scan3A_96 = arith.constant 1 : i32
    %scan3A_97 = scf.for %scan3A_99 = %scan3A_93 to %scan3A_95 step %scan3A_96 iter_args(%scan3A_100 = %scan3A_92) -> (i32)  : i32 {
      %mul3A = arith.constant 25 : i32
      %mul3A_101 = arith.muli %arg1, %mul3A : i32
      %add3A = arith.addi %mul3A_101, %scan3A_99 : i32
      %mul3A_102 = arith.constant 128 : i32
      %mul3A_103 = arith.muli %add3A, %mul3A_102 : i32
      "tpu.region"() ({
        %run_scoped3A = tpu.sem_alloc : memref<!tpu.dma_semaphore, #tpu.memory_space<semaphore_mem>>
        %dma_start3A_105 = arith.constant 0 : i32
        %dma_start3A_106 = tpu.memref_slice %arg11[%mul3A_103, %dma_start3A_105] : memref<51200x16xf32, #tpu.memory_space<vmem_shared>> -> memref<128x16xf32, #tpu.memory_space<vmem_shared>>
        %dma_start3A_107 = arith.constant 0 : i32
        %dma_start3A_108 = tpu.memref_slice %arg11[%mul3A_103, %dma_start3A_107] : memref<51200x16xf32, #tpu.memory_space<vmem_shared>> -> memref<128x16xf32, #tpu.memory_space<vmem_shared>>
        tpu.enqueue_dma source(%dma_start3A_108 : memref<128x16xf32, #tpu.memory_space<vmem_shared>>) target(%arg9 : memref<128x16xf32, #tpu.memory_space<vmem>>) target_semaphore(%run_scoped3A : memref<!tpu.dma_semaphore, #tpu.memory_space<semaphore_mem>>)
        %dma_wait3A_109 = arith.constant 0 : i32
        %dma_wait3A_110 = tpu.memref_slice %arg11[%mul3A_103, %dma_wait3A_109] : memref<51200x16xf32, #tpu.memory_space<vmem_shared>> -> memref<128x16xf32, #tpu.memory_space<vmem_shared>>
        %dma_wait3A_111 = arith.constant 0 : i32
        %dma_wait3A_112 = tpu.memref_slice %arg11[%mul3A_103, %dma_wait3A_111] : memref<51200x16xf32, #tpu.memory_space<vmem_shared>> -> memref<128x16xf32, #tpu.memory_space<vmem_shared>>
        tpu.wait_dma2 semaphore(%run_scoped3A : memref<!tpu.dma_semaphore, #tpu.memory_space<semaphore_mem>>) src(%dma_wait3A_112 : memref<128x16xf32, #tpu.memory_space<vmem_shared>>) dst(%arg9 : memref<128x16xf32, #tpu.memory_space<vmem>>)
        tpu.yield
      }) : () -> ()
      "tpu.region"() ({
        %run_scoped3A = tpu.sem_alloc : memref<!tpu.dma_semaphore, #tpu.memory_space<semaphore_mem>>
        %dma_start3A_105 = arith.constant 0 : i32
        %dma_start3A_106 = tpu.memref_slice %arg4[%arg0, %mul3A_103, %dma_start3A_105] : memref<2x51200x16xf32, #tpu.memory_space<hbm>> -> memref<1x128x16xf32, #tpu.memory_space<hbm>>
        %dma_start3A_107 = tpu.memref_squeeze %dma_start3A_106 : memref<1x128x16xf32, #tpu.memory_space<hbm>> -> memref<128x16xf32, #tpu.memory_space<hbm>>
        %dma_start3A_108 = arith.constant 0 : i32
        %dma_start3A_109 = tpu.memref_slice %arg4[%arg0, %mul3A_103, %dma_start3A_108] : memref<2x51200x16xf32, #tpu.memory_space<hbm>> -> memref<1x128x16xf32, #tpu.memory_space<hbm>>
        %dma_start3A_110 = tpu.memref_squeeze %dma_start3A_109 : memref<1x128x16xf32, #tpu.memory_space<hbm>> -> memref<128x16xf32, #tpu.memory_space<hbm>>
        tpu.enqueue_dma source(%arg9 : memref<128x16xf32, #tpu.memory_space<vmem>>) target(%dma_start3A_110 : memref<128x16xf32, #tpu.memory_space<hbm>>) target_semaphore(%run_scoped3A : memref<!tpu.dma_semaphore, #tpu.memory_space<semaphore_mem>>)
        %dma_wait3A_111 = arith.constant 0 : i32
        %dma_wait3A_112 = tpu.memref_slice %arg4[%arg0, %mul3A_103, %dma_wait3A_111] : memref<2x51200x16xf32, #tpu.memory_space<hbm>> -> memref<1x128x16xf32, #tpu.memory_space<hbm>>
        %dma_wait3A_113 = tpu.memref_squeeze %dma_wait3A_112 : memref<1x128x16xf32, #tpu.memory_space<hbm>> -> memref<128x16xf32, #tpu.memory_space<hbm>>
        %dma_wait3A_114 = arith.constant 0 : i32
        %dma_wait3A_115 = tpu.memref_slice %arg4[%arg0, %mul3A_103, %dma_wait3A_114] : memref<2x51200x16xf32, #tpu.memory_space<hbm>> -> memref<1x128x16xf32, #tpu.memory_space<hbm>>
        %dma_wait3A_116 = tpu.memref_squeeze %dma_wait3A_115 : memref<1x128x16xf32, #tpu.memory_space<hbm>> -> memref<128x16xf32, #tpu.memory_space<hbm>>
        tpu.wait_dma2 semaphore(%run_scoped3A : memref<!tpu.dma_semaphore, #tpu.memory_space<semaphore_mem>>) src(%arg9 : memref<128x16xf32, #tpu.memory_space<vmem>>) dst(%dma_wait3A_116 : memref<128x16xf32, #tpu.memory_space<hbm>>)
        tpu.yield
      }) : () -> ()
      %scan3A_104 = arith.constant 0 : i32
      scf.yield %scan3A_104 : i32
    }
    %scan3A_98 = arith.constant 25 : i32
    return
  }
}

#map = affine_map<(d0, d1) -> (0, 0, 0)>
module attributes {stable_mosaic.version = 14 : i64} {
  func.func @_deg_kernel(%arg0: i32, %arg1: i32, %arg2: memref<16x392x128xi32, #tpu.memory_space<hbm>>, %arg3: memref<2x51200x16xf32, #tpu.memory_space<hbm>>, %arg4: memref<4x128xi32, #tpu.memory_space<vmem>>, %arg5: memref<128x16xf32, #tpu.memory_space<vmem>>, %arg6: memref<128x16xf32, #tpu.memory_space<vmem>>, %arg7: memref<51200x16xf32, #tpu.memory_space<vmem_shared>>) attributes {dimension_semantics = [#tpu.dimension_semantics<core_parallel>, #tpu.dimension_semantics<subcore_parallel>], iteration_bounds = array<i64: 2, 16>, scalar_prefetch = 0 : i64, scratch_operands = 4 : i64, tpu.core_type = #tpu.core_type<sc_vector_subcore>, window_params = [{transform_indices = #map}, {transform_indices = #map}]} {
    %iota3A = tpu.iota {dimensions = array<i32: 0>} : vector<16xi32>
    %eq3A = arith.constant 0 : i32
    %eq3A_0 = vector.broadcast %eq3A : i32 to vector<16xi32>
    %eq3A_1 = arith.cmpi eq, %iota3A, %eq3A_0 : vector<16xi32>
    %jit3A = arith.constant 1.000000e+00 : f32
    %jit3A_2 = arith.constant 0.000000e+00 : f32
    %broadcast_in_dim3A = vector.broadcast %jit3A : f32 to vector<16xf32>
    %broadcast_in_dim3A_3 = vector.broadcast %jit3A_2 : f32 to vector<16xf32>
    %select_n3A = arith.select %eq3A_1, %broadcast_in_dim3A, %broadcast_in_dim3A_3 : vector<16xi1>, vector<16xf32>
    %broadcast_in_dim3A_4 = arith.constant 0.000000e+00 : f32
    %broadcast_in_dim3A_5 = vector.broadcast %broadcast_in_dim3A_4 : f32 to vector<16xf32>
    %scan3A = arith.constant 0 : i32
    %scan3A_6 = arith.constant 0 : i32
    %scan3A_7 = arith.constant 128 : i32
    %scan3A_8 = arith.addi %scan3A_6, %scan3A_7 : i32
    %scan3A_9 = arith.constant 1 : i32
    %scan3A_10 = scf.for %scan3A_41 = %scan3A_6 to %scan3A_8 step %scan3A_9 iter_args(%scan3A_42 = %scan3A) -> (i32)  : i32 {
      %swap3A = arith.index_cast %scan3A_41 : i32 to index
      %swap3A_43 = arith.constant 0 : index
      %swap3A_44 = tpu.vector_load %arg5[%swap3A, %swap3A_43] {strides = array<i32>} : memref<128x16xf32, #tpu.memory_space<vmem>>, vector<1x16xf32>,
      %swap3A_45 = vector.shape_cast %swap3A_44 : vector<1x16xf32> to vector<16xf32>
      %swap3A_46 = vector.shape_cast %select_n3A : vector<16xf32> to vector<1x16xf32>
      tpu.vector_store %arg5[%swap3A, %swap3A_43], %swap3A_46 {strides = array<i32>} : memref<128x16xf32, #tpu.memory_space<vmem>>, vector<1x16xf32>,
      %swap3A_47 = arith.index_cast %scan3A_41 : i32 to index
      %swap3A_48 = arith.constant 0 : index
      %swap3A_49 = tpu.vector_load %arg6[%swap3A_47, %swap3A_48] {strides = array<i32>} : memref<128x16xf32, #tpu.memory_space<vmem>>, vector<1x16xf32>,
      %swap3A_50 = vector.shape_cast %swap3A_49 : vector<1x16xf32> to vector<16xf32>
      %swap3A_51 = vector.shape_cast %broadcast_in_dim3A_5 : vector<16xf32> to vector<1x16xf32>
      tpu.vector_store %arg6[%swap3A_47, %swap3A_48], %swap3A_51 {strides = array<i32>} : memref<128x16xf32, #tpu.memory_space<vmem>>, vector<1x16xf32>,
      %scan3A_52 = arith.constant 0 : i32
      scf.yield %scan3A_52 : i32
    }
    %scan3A_11 = arith.constant 128 : i32
    %scan3A_12 = arith.constant 0 : i32
    %scan3A_13 = arith.constant 0 : i32
    %scan3A_14 = arith.constant 25 : i32
    %scan3A_15 = arith.addi %scan3A_13, %scan3A_14 : i32
    %scan3A_16 = arith.constant 1 : i32
    %scan3A_17 = scf.for %scan3A_41 = %scan3A_13 to %scan3A_15 step %scan3A_16 iter_args(%scan3A_42 = %scan3A_12) -> (i32)  : i32 {
      %mul3A_43 = arith.constant 25 : i32
      %mul3A_44 = arith.muli %arg1, %mul3A_43 : i32
      %add3A_45 = arith.addi %mul3A_44, %scan3A_41 : i32
      %mul3A_46 = arith.constant 128 : i32
      %mul3A_47 = arith.muli %add3A_45, %mul3A_46 : i32
      "tpu.region"() ({
        %run_scoped3A = tpu.sem_alloc : memref<!tpu.dma_semaphore, #tpu.memory_space<semaphore_mem>>
        %dma_start3A = arith.constant 0 : i32
        %dma_start3A_49 = tpu.memref_slice %arg7[%mul3A_47, %dma_start3A] : memref<51200x16xf32, #tpu.memory_space<vmem_shared>> -> memref<128x16xf32, #tpu.memory_space<vmem_shared>>
        %dma_start3A_50 = arith.constant 0 : i32
        %dma_start3A_51 = tpu.memref_slice %arg7[%mul3A_47, %dma_start3A_50] : memref<51200x16xf32, #tpu.memory_space<vmem_shared>> -> memref<128x16xf32, #tpu.memory_space<vmem_shared>>
        tpu.enqueue_dma source(%arg6 : memref<128x16xf32, #tpu.memory_space<vmem>>) target(%dma_start3A_51 : memref<128x16xf32, #tpu.memory_space<vmem_shared>>) target_semaphore(%run_scoped3A : memref<!tpu.dma_semaphore, #tpu.memory_space<semaphore_mem>>)
        %dma_wait3A = arith.constant 0 : i32
        %dma_wait3A_52 = tpu.memref_slice %arg7[%mul3A_47, %dma_wait3A] : memref<51200x16xf32, #tpu.memory_space<vmem_shared>> -> memref<128x16xf32, #tpu.memory_space<vmem_shared>>
        %dma_wait3A_53 = arith.constant 0 : i32
        %dma_wait3A_54 = tpu.memref_slice %arg7[%mul3A_47, %dma_wait3A_53] : memref<51200x16xf32, #tpu.memory_space<vmem_shared>> -> memref<128x16xf32, #tpu.memory_space<vmem_shared>>
        tpu.wait_dma2 semaphore(%run_scoped3A : memref<!tpu.dma_semaphore, #tpu.memory_space<semaphore_mem>>) src(%arg6 : memref<128x16xf32, #tpu.memory_space<vmem>>) dst(%dma_wait3A_54 : memref<128x16xf32, #tpu.memory_space<vmem_shared>>)
        tpu.yield
      }) : () -> ()
      %scan3A_48 = arith.constant 0 : i32
      scf.yield %scan3A_48 : i32
    }
    %scan3A_18 = arith.constant 25 : i32
    %barrier3A = arith.constant 0 : index
    tpu.barrier barrier_id(%barrier3A)
    %mul3A = arith.constant 49 : i32
    %mul3A_19 = arith.muli %arg0, %mul3A : i32
    %add3A = arith.constant 1 : i32
    %add3A_20 = arith.addi %arg0, %add3A : i32
    %mul3A_21 = arith.constant 49 : i32
    %mul3A_22 = arith.muli %add3A_20, %mul3A_21 : i32
    %while3A = arith.constant 0 : i32
    %while3A_23 = arith.subi %mul3A_22, %mul3A_19 : i32
    %while3A_24 = arith.addi %mul3A_19, %while3A_23 : i32
    %while3A_25 = arith.constant 1 : i32
    %while3A_26 = arith.divsi %while3A_23, %while3A_25 : i32
    %while3A_27 = arith.muli %while3A_26, %while3A_25 : i32
    %while3A_28 = arith.addi %mul3A_19, %while3A_27 : i32
    %while3A_29 = arith.constant 1 : i32
    %while3A_30 = scf.for %while3A_41 = %mul3A_19 to %while3A_28 step %while3A_29 iter_args(%while3A_42 = %while3A) -> (i32)  : i32 {
      %mul3A_43 = arith.constant 4 : i32
      %mul3A_44 = arith.muli %while3A_41, %mul3A_43 : i32
      "tpu.region"() ({
        %run_scoped3A_49 = tpu.sem_alloc : memref<!tpu.dma_semaphore, #tpu.memory_space<semaphore_mem>>
        %dma_start3A = arith.constant 0 : i32
        %dma_start3A_50 = tpu.memref_slice %arg2[%arg1, %mul3A_44, %dma_start3A] : memref<16x392x128xi32, #tpu.memory_space<hbm>> -> memref<1x4x128xi32, #tpu.memory_space<hbm>>
        %dma_start3A_51 = tpu.memref_squeeze %dma_start3A_50 : memref<1x4x128xi32, #tpu.memory_space<hbm>> -> memref<4x128xi32, #tpu.memory_space<hbm>>
        %dma_start3A_52 = arith.constant 0 : i32
        %dma_start3A_53 = tpu.memref_slice %arg2[%arg1, %mul3A_44, %dma_start3A_52] : memref<16x392x128xi32, #tpu.memory_space<hbm>> -> memref<1x4x128xi32, #tpu.memory_space<hbm>>
        %dma_start3A_54 = tpu.memref_squeeze %dma_start3A_53 : memref<1x4x128xi32, #tpu.memory_space<hbm>> -> memref<4x128xi32, #tpu.memory_space<hbm>>
        tpu.enqueue_dma source(%dma_start3A_54 : memref<4x128xi32, #tpu.memory_space<hbm>>) target(%arg4 : memref<4x128xi32, #tpu.memory_space<vmem>>) target_semaphore(%run_scoped3A_49 : memref<!tpu.dma_semaphore, #tpu.memory_space<semaphore_mem>>)
        %dma_wait3A = arith.constant 0 : i32
        %dma_wait3A_55 = tpu.memref_slice %arg2[%arg1, %mul3A_44, %dma_wait3A] : memref<16x392x128xi32, #tpu.memory_space<hbm>> -> memref<1x4x128xi32, #tpu.memory_space<hbm>>
        %dma_wait3A_56 = tpu.memref_squeeze %dma_wait3A_55 : memref<1x4x128xi32, #tpu.memory_space<hbm>> -> memref<4x128xi32, #tpu.memory_space<hbm>>
        %dma_wait3A_57 = arith.constant 0 : i32
        %dma_wait3A_58 = tpu.memref_slice %arg2[%arg1, %mul3A_44, %dma_wait3A_57] : memref<16x392x128xi32, #tpu.memory_space<hbm>> -> memref<1x4x128xi32, #tpu.memory_space<hbm>>
        %dma_wait3A_59 = tpu.memref_squeeze %dma_wait3A_58 : memref<1x4x128xi32, #tpu.memory_space<hbm>> -> memref<4x128xi32, #tpu.memory_space<hbm>>
        tpu.wait_dma2 semaphore(%run_scoped3A_49 : memref<!tpu.dma_semaphore, #tpu.memory_space<semaphore_mem>>) src(%dma_wait3A_59 : memref<4x128xi32, #tpu.memory_space<hbm>>) dst(%arg4 : memref<4x128xi32, #tpu.memory_space<vmem>>)
        tpu.yield
      }) : () -> ()
      %run_scoped3A = arith.constant 0 : i32
      "tpu.region"() ({
        %run_scoped3A_49 = tpu.sem_alloc : memref<!tpu.dma_semaphore, #tpu.memory_space<semaphore_mem>>
        %dma_start3A = arith.constant 0 : i32
        %dma_start3A_50 = tpu.memref_slice %arg4[%run_scoped3A, %dma_start3A] : memref<4x128xi32, #tpu.memory_space<vmem>> -> memref<1x128xi32, #tpu.memory_space<vmem>>
        %dma_start3A_51 = tpu.memref_squeeze %dma_start3A_50 : memref<1x128xi32, #tpu.memory_space<vmem>> -> memref<128xi32, #tpu.memory_space<vmem>>
        %dma_start3A_52 = arith.constant 0 : i32
        %dma_start3A_53 = arith.constant 0 : i32
        %dma_start3A_54 = tpu.memref_slice %arg7[%dma_start3A_52, %dma_start3A_53] : memref<51200x16xf32, #tpu.memory_space<vmem_shared>> -> memref<51200x16xf32, #tpu.memory_space<vmem_shared>>
        tpu.enqueue_indirect_dma source(%arg5 : memref<128x16xf32, #tpu.memory_space<vmem>>) target(%dma_start3A_54 : memref<51200x16xf32, #tpu.memory_space<vmem_shared>>) offsets(%dma_start3A_51 : memref<128xi32, #tpu.memory_space<vmem>>) semaphore(%run_scoped3A_49 : memref<!tpu.dma_semaphore, #tpu.memory_space<semaphore_mem>>) {add = true}
        %dma_wait3A = arith.constant 0 : i32
        %dma_wait3A_55 = tpu.memref_slice %arg4[%run_scoped3A, %dma_wait3A] : memref<4x128xi32, #tpu.memory_space<vmem>> -> memref<1x128xi32, #tpu.memory_space<vmem>>
        %dma_wait3A_56 = tpu.memref_squeeze %dma_wait3A_55 : memref<1x128xi32, #tpu.memory_space<vmem>> -> memref<128xi32, #tpu.memory_space<vmem>>
        %dma_wait3A_57 = arith.constant 0 : i32
        %dma_wait3A_58 = arith.constant 0 : i32
        %dma_wait3A_59 = tpu.memref_slice %arg7[%dma_wait3A_57, %dma_wait3A_58] : memref<51200x16xf32, #tpu.memory_space<vmem_shared>> -> memref<51200x16xf32, #tpu.memory_space<vmem_shared>>
        tpu.wait_indirect_dma semaphore(%run_scoped3A_49 : memref<!tpu.dma_semaphore, #tpu.memory_space<semaphore_mem>>) src(%arg5 : memref<128x16xf32, #tpu.memory_space<vmem>>) dst(%dma_wait3A_59 : memref<51200x16xf32, #tpu.memory_space<vmem_shared>>)
        tpu.yield
      }) : () -> ()
      %run_scoped3A_45 = arith.constant 1 : i32
      "tpu.region"() ({
        %run_scoped3A_49 = tpu.sem_alloc : memref<!tpu.dma_semaphore, #tpu.memory_space<semaphore_mem>>
        %dma_start3A = arith.constant 0 : i32
        %dma_start3A_50 = tpu.memref_slice %arg4[%run_scoped3A_45, %dma_start3A] : memref<4x128xi32, #tpu.memory_space<vmem>> -> memref<1x128xi32, #tpu.memory_space<vmem>>
        %dma_start3A_51 = tpu.memref_squeeze %dma_start3A_50 : memref<1x128xi32, #tpu.memory_space<vmem>> -> memref<128xi32, #tpu.memory_space<vmem>>
        %dma_start3A_52 = arith.constant 0 : i32
        %dma_start3A_53 = arith.constant 0 : i32
        %dma_start3A_54 = tpu.memref_slice %arg7[%dma_start3A_52, %dma_start3A_53] : memref<51200x16xf32, #tpu.memory_space<vmem_shared>> -> memref<51200x16xf32, #tpu.memory_space<vmem_shared>>
        tpu.enqueue_indirect_dma source(%arg5 : memref<128x16xf32, #tpu.memory_space<vmem>>) target(%dma_start3A_54 : memref<51200x16xf32, #tpu.memory_space<vmem_shared>>) offsets(%dma_start3A_51 : memref<128xi32, #tpu.memory_space<vmem>>) semaphore(%run_scoped3A_49 : memref<!tpu.dma_semaphore, #tpu.memory_space<semaphore_mem>>) {add = true}
        %dma_wait3A = arith.constant 0 : i32
        %dma_wait3A_55 = tpu.memref_slice %arg4[%run_scoped3A_45, %dma_wait3A] : memref<4x128xi32, #tpu.memory_space<vmem>> -> memref<1x128xi32, #tpu.memory_space<vmem>>
        %dma_wait3A_56 = tpu.memref_squeeze %dma_wait3A_55 : memref<1x128xi32, #tpu.memory_space<vmem>> -> memref<128xi32, #tpu.memory_space<vmem>>
        %dma_wait3A_57 = arith.constant 0 : i32
        %dma_wait3A_58 = arith.constant 0 : i32
        %dma_wait3A_59 = tpu.memref_slice %arg7[%dma_wait3A_57, %dma_wait3A_58] : memref<51200x16xf32, #tpu.memory_space<vmem_shared>> -> memref<51200x16xf32, #tpu.memory_space<vmem_shared>>
        tpu.wait_indirect_dma semaphore(%run_scoped3A_49 : memref<!tpu.dma_semaphore, #tpu.memory_space<semaphore_mem>>) src(%arg5 : memref<128x16xf32, #tpu.memory_space<vmem>>) dst(%dma_wait3A_59 : memref<51200x16xf32, #tpu.memory_space<vmem_shared>>)
        tpu.yield
      }) : () -> ()
      %run_scoped3A_46 = arith.constant 2 : i32
      "tpu.region"() ({
        %run_scoped3A_49 = tpu.sem_alloc : memref<!tpu.dma_semaphore, #tpu.memory_space<semaphore_mem>>
        %dma_start3A = arith.constant 0 : i32
        %dma_start3A_50 = tpu.memref_slice %arg4[%run_scoped3A_46, %dma_start3A] : memref<4x128xi32, #tpu.memory_space<vmem>> -> memref<1x128xi32, #tpu.memory_space<vmem>>
        %dma_start3A_51 = tpu.memref_squeeze %dma_start3A_50 : memref<1x128xi32, #tpu.memory_space<vmem>> -> memref<128xi32, #tpu.memory_space<vmem>>
        %dma_start3A_52 = arith.constant 0 : i32
        %dma_start3A_53 = arith.constant 0 : i32
        %dma_start3A_54 = tpu.memref_slice %arg7[%dma_start3A_52, %dma_start3A_53] : memref<51200x16xf32, #tpu.memory_space<vmem_shared>> -> memref<51200x16xf32, #tpu.memory_space<vmem_shared>>
        tpu.enqueue_indirect_dma source(%arg5 : memref<128x16xf32, #tpu.memory_space<vmem>>) target(%dma_start3A_54 : memref<51200x16xf32, #tpu.memory_space<vmem_shared>>) offsets(%dma_start3A_51 : memref<128xi32, #tpu.memory_space<vmem>>) semaphore(%run_scoped3A_49 : memref<!tpu.dma_semaphore, #tpu.memory_space<semaphore_mem>>) {add = true}
        %dma_wait3A = arith.constant 0 : i32
        %dma_wait3A_55 = tpu.memref_slice %arg4[%run_scoped3A_46, %dma_wait3A] : memref<4x128xi32, #tpu.memory_space<vmem>> -> memref<1x128xi32, #tpu.memory_space<vmem>>
        %dma_wait3A_56 = tpu.memref_squeeze %dma_wait3A_55 : memref<1x128xi32, #tpu.memory_space<vmem>> -> memref<128xi32, #tpu.memory_space<vmem>>
        %dma_wait3A_57 = arith.constant 0 : i32
        %dma_wait3A_58 = arith.constant 0 : i32
        %dma_wait3A_59 = tpu.memref_slice %arg7[%dma_wait3A_57, %dma_wait3A_58] : memref<51200x16xf32, #tpu.memory_space<vmem_shared>> -> memref<51200x16xf32, #tpu.memory_space<vmem_shared>>
        tpu.wait_indirect_dma semaphore(%run_scoped3A_49 : memref<!tpu.dma_semaphore, #tpu.memory_space<semaphore_mem>>) src(%arg5 : memref<128x16xf32, #tpu.memory_space<vmem>>) dst(%dma_wait3A_59 : memref<51200x16xf32, #tpu.memory_space<vmem_shared>>)
        tpu.yield
      }) : () -> ()
      %run_scoped3A_47 = arith.constant 3 : i32
      "tpu.region"() ({
        %run_scoped3A_49 = tpu.sem_alloc : memref<!tpu.dma_semaphore, #tpu.memory_space<semaphore_mem>>
        %dma_start3A = arith.constant 0 : i32
        %dma_start3A_50 = tpu.memref_slice %arg4[%run_scoped3A_47, %dma_start3A] : memref<4x128xi32, #tpu.memory_space<vmem>> -> memref<1x128xi32, #tpu.memory_space<vmem>>
        %dma_start3A_51 = tpu.memref_squeeze %dma_start3A_50 : memref<1x128xi32, #tpu.memory_space<vmem>> -> memref<128xi32, #tpu.memory_space<vmem>>
        %dma_start3A_52 = arith.constant 0 : i32
        %dma_start3A_53 = arith.constant 0 : i32
        %dma_start3A_54 = tpu.memref_slice %arg7[%dma_start3A_52, %dma_start3A_53] : memref<51200x16xf32, #tpu.memory_space<vmem_shared>> -> memref<51200x16xf32, #tpu.memory_space<vmem_shared>>
        tpu.enqueue_indirect_dma source(%arg5 : memref<128x16xf32, #tpu.memory_space<vmem>>) target(%dma_start3A_54 : memref<51200x16xf32, #tpu.memory_space<vmem_shared>>) offsets(%dma_start3A_51 : memref<128xi32, #tpu.memory_space<vmem>>) semaphore(%run_scoped3A_49 : memref<!tpu.dma_semaphore, #tpu.memory_space<semaphore_mem>>) {add = true}
        %dma_wait3A = arith.constant 0 : i32
        %dma_wait3A_55 = tpu.memref_slice %arg4[%run_scoped3A_47, %dma_wait3A] : memref<4x128xi32, #tpu.memory_space<vmem>> -> memref<1x128xi32, #tpu.memory_space<vmem>>
        %dma_wait3A_56 = tpu.memref_squeeze %dma_wait3A_55 : memref<1x128xi32, #tpu.memory_space<vmem>> -> memref<128xi32, #tpu.memory_space<vmem>>
        %dma_wait3A_57 = arith.constant 0 : i32
        %dma_wait3A_58 = arith.constant 0 : i32
        %dma_wait3A_59 = tpu.memref_slice %arg7[%dma_wait3A_57, %dma_wait3A_58] : memref<51200x16xf32, #tpu.memory_space<vmem_shared>> -> memref<51200x16xf32, #tpu.memory_space<vmem_shared>>
        tpu.wait_indirect_dma semaphore(%run_scoped3A_49 : memref<!tpu.dma_semaphore, #tpu.memory_space<semaphore_mem>>) src(%arg5 : memref<128x16xf32, #tpu.memory_space<vmem>>) dst(%dma_wait3A_59 : memref<51200x16xf32, #tpu.memory_space<vmem_shared>>)
        tpu.yield
      }) : () -> ()
      %while3A_48 = arith.constant 0 : i32
      scf.yield %while3A_48 : i32
    }
    %while3A_31 = arith.constant 1 : i32
    %while3A_32 = scf.for %while3A_41 = %while3A_28 to %while3A_24 step %while3A_31 iter_args(%while3A_42 = %while3A_30) -> (i32)  : i32 {
      %mul3A_43 = arith.constant 4 : i32
      %mul3A_44 = arith.muli %while3A_41, %mul3A_43 : i32
      "tpu.region"() ({
        %run_scoped3A_49 = tpu.sem_alloc : memref<!tpu.dma_semaphore, #tpu.memory_space<semaphore_mem>>
        %dma_start3A = arith.constant 0 : i32
        %dma_start3A_50 = tpu.memref_slice %arg2[%arg1, %mul3A_44, %dma_start3A] : memref<16x392x128xi32, #tpu.memory_space<hbm>> -> memref<1x4x128xi32, #tpu.memory_space<hbm>>
        %dma_start3A_51 = tpu.memref_squeeze %dma_start3A_50 : memref<1x4x128xi32, #tpu.memory_space<hbm>> -> memref<4x128xi32, #tpu.memory_space<hbm>>
        %dma_start3A_52 = arith.constant 0 : i32
        %dma_start3A_53 = tpu.memref_slice %arg2[%arg1, %mul3A_44, %dma_start3A_52] : memref<16x392x128xi32, #tpu.memory_space<hbm>> -> memref<1x4x128xi32, #tpu.memory_space<hbm>>
        %dma_start3A_54 = tpu.memref_squeeze %dma_start3A_53 : memref<1x4x128xi32, #tpu.memory_space<hbm>> -> memref<4x128xi32, #tpu.memory_space<hbm>>
        tpu.enqueue_dma source(%dma_start3A_54 : memref<4x128xi32, #tpu.memory_space<hbm>>) target(%arg4 : memref<4x128xi32, #tpu.memory_space<vmem>>) target_semaphore(%run_scoped3A_49 : memref<!tpu.dma_semaphore, #tpu.memory_space<semaphore_mem>>)
        %dma_wait3A = arith.constant 0 : i32
        %dma_wait3A_55 = tpu.memref_slice %arg2[%arg1, %mul3A_44, %dma_wait3A] : memref<16x392x128xi32, #tpu.memory_space<hbm>> -> memref<1x4x128xi32, #tpu.memory_space<hbm>>
        %dma_wait3A_56 = tpu.memref_squeeze %dma_wait3A_55 : memref<1x4x128xi32, #tpu.memory_space<hbm>> -> memref<4x128xi32, #tpu.memory_space<hbm>>
        %dma_wait3A_57 = arith.constant 0 : i32
        %dma_wait3A_58 = tpu.memref_slice %arg2[%arg1, %mul3A_44, %dma_wait3A_57] : memref<16x392x128xi32, #tpu.memory_space<hbm>> -> memref<1x4x128xi32, #tpu.memory_space<hbm>>
        %dma_wait3A_59 = tpu.memref_squeeze %dma_wait3A_58 : memref<1x4x128xi32, #tpu.memory_space<hbm>> -> memref<4x128xi32, #tpu.memory_space<hbm>>
        tpu.wait_dma2 semaphore(%run_scoped3A_49 : memref<!tpu.dma_semaphore, #tpu.memory_space<semaphore_mem>>) src(%dma_wait3A_59 : memref<4x128xi32, #tpu.memory_space<hbm>>) dst(%arg4 : memref<4x128xi32, #tpu.memory_space<vmem>>)
        tpu.yield
      }) : () -> ()
      %run_scoped3A = arith.constant 0 : i32
      "tpu.region"() ({
        %run_scoped3A_49 = tpu.sem_alloc : memref<!tpu.dma_semaphore, #tpu.memory_space<semaphore_mem>>
        %dma_start3A = arith.constant 0 : i32
        %dma_start3A_50 = tpu.memref_slice %arg4[%run_scoped3A, %dma_start3A] : memref<4x128xi32, #tpu.memory_space<vmem>> -> memref<1x128xi32, #tpu.memory_space<vmem>>
        %dma_start3A_51 = tpu.memref_squeeze %dma_start3A_50 : memref<1x128xi32, #tpu.memory_space<vmem>> -> memref<128xi32, #tpu.memory_space<vmem>>
        %dma_start3A_52 = arith.constant 0 : i32
        %dma_start3A_53 = arith.constant 0 : i32
        %dma_start3A_54 = tpu.memref_slice %arg7[%dma_start3A_52, %dma_start3A_53] : memref<51200x16xf32, #tpu.memory_space<vmem_shared>> -> memref<51200x16xf32, #tpu.memory_space<vmem_shared>>
        tpu.enqueue_indirect_dma source(%arg5 : memref<128x16xf32, #tpu.memory_space<vmem>>) target(%dma_start3A_54 : memref<51200x16xf32, #tpu.memory_space<vmem_shared>>) offsets(%dma_start3A_51 : memref<128xi32, #tpu.memory_space<vmem>>) semaphore(%run_scoped3A_49 : memref<!tpu.dma_semaphore, #tpu.memory_space<semaphore_mem>>) {add = true}
        %dma_wait3A = arith.constant 0 : i32
        %dma_wait3A_55 = tpu.memref_slice %arg4[%run_scoped3A, %dma_wait3A] : memref<4x128xi32, #tpu.memory_space<vmem>> -> memref<1x128xi32, #tpu.memory_space<vmem>>
        %dma_wait3A_56 = tpu.memref_squeeze %dma_wait3A_55 : memref<1x128xi32, #tpu.memory_space<vmem>> -> memref<128xi32, #tpu.memory_space<vmem>>
        %dma_wait3A_57 = arith.constant 0 : i32
        %dma_wait3A_58 = arith.constant 0 : i32
        %dma_wait3A_59 = tpu.memref_slice %arg7[%dma_wait3A_57, %dma_wait3A_58] : memref<51200x16xf32, #tpu.memory_space<vmem_shared>> -> memref<51200x16xf32, #tpu.memory_space<vmem_shared>>
        tpu.wait_indirect_dma semaphore(%run_scoped3A_49 : memref<!tpu.dma_semaphore, #tpu.memory_space<semaphore_mem>>) src(%arg5 : memref<128x16xf32, #tpu.memory_space<vmem>>) dst(%dma_wait3A_59 : memref<51200x16xf32, #tpu.memory_space<vmem_shared>>)
        tpu.yield
      }) : () -> ()
      %run_scoped3A_45 = arith.constant 1 : i32
      "tpu.region"() ({
        %run_scoped3A_49 = tpu.sem_alloc : memref<!tpu.dma_semaphore, #tpu.memory_space<semaphore_mem>>
        %dma_start3A = arith.constant 0 : i32
        %dma_start3A_50 = tpu.memref_slice %arg4[%run_scoped3A_45, %dma_start3A] : memref<4x128xi32, #tpu.memory_space<vmem>> -> memref<1x128xi32, #tpu.memory_space<vmem>>
        %dma_start3A_51 = tpu.memref_squeeze %dma_start3A_50 : memref<1x128xi32, #tpu.memory_space<vmem>> -> memref<128xi32, #tpu.memory_space<vmem>>
        %dma_start3A_52 = arith.constant 0 : i32
        %dma_start3A_53 = arith.constant 0 : i32
        %dma_start3A_54 = tpu.memref_slice %arg7[%dma_start3A_52, %dma_start3A_53] : memref<51200x16xf32, #tpu.memory_space<vmem_shared>> -> memref<51200x16xf32, #tpu.memory_space<vmem_shared>>
        tpu.enqueue_indirect_dma source(%arg5 : memref<128x16xf32, #tpu.memory_space<vmem>>) target(%dma_start3A_54 : memref<51200x16xf32, #tpu.memory_space<vmem_shared>>) offsets(%dma_start3A_51 : memref<128xi32, #tpu.memory_space<vmem>>) semaphore(%run_scoped3A_49 : memref<!tpu.dma_semaphore, #tpu.memory_space<semaphore_mem>>) {add = true}
        %dma_wait3A = arith.constant 0 : i32
        %dma_wait3A_55 = tpu.memref_slice %arg4[%run_scoped3A_45, %dma_wait3A] : memref<4x128xi32, #tpu.memory_space<vmem>> -> memref<1x128xi32, #tpu.memory_space<vmem>>
        %dma_wait3A_56 = tpu.memref_squeeze %dma_wait3A_55 : memref<1x128xi32, #tpu.memory_space<vmem>> -> memref<128xi32, #tpu.memory_space<vmem>>
        %dma_wait3A_57 = arith.constant 0 : i32
        %dma_wait3A_58 = arith.constant 0 : i32
        %dma_wait3A_59 = tpu.memref_slice %arg7[%dma_wait3A_57, %dma_wait3A_58] : memref<51200x16xf32, #tpu.memory_space<vmem_shared>> -> memref<51200x16xf32, #tpu.memory_space<vmem_shared>>
        tpu.wait_indirect_dma semaphore(%run_scoped3A_49 : memref<!tpu.dma_semaphore, #tpu.memory_space<semaphore_mem>>) src(%arg5 : memref<128x16xf32, #tpu.memory_space<vmem>>) dst(%dma_wait3A_59 : memref<51200x16xf32, #tpu.memory_space<vmem_shared>>)
        tpu.yield
      }) : () -> ()
      %run_scoped3A_46 = arith.constant 2 : i32
      "tpu.region"() ({
        %run_scoped3A_49 = tpu.sem_alloc : memref<!tpu.dma_semaphore, #tpu.memory_space<semaphore_mem>>
        %dma_start3A = arith.constant 0 : i32
        %dma_start3A_50 = tpu.memref_slice %arg4[%run_scoped3A_46, %dma_start3A] : memref<4x128xi32, #tpu.memory_space<vmem>> -> memref<1x128xi32, #tpu.memory_space<vmem>>
        %dma_start3A_51 = tpu.memref_squeeze %dma_start3A_50 : memref<1x128xi32, #tpu.memory_space<vmem>> -> memref<128xi32, #tpu.memory_space<vmem>>
        %dma_start3A_52 = arith.constant 0 : i32
        %dma_start3A_53 = arith.constant 0 : i32
        %dma_start3A_54 = tpu.memref_slice %arg7[%dma_start3A_52, %dma_start3A_53] : memref<51200x16xf32, #tpu.memory_space<vmem_shared>> -> memref<51200x16xf32, #tpu.memory_space<vmem_shared>>
        tpu.enqueue_indirect_dma source(%arg5 : memref<128x16xf32, #tpu.memory_space<vmem>>) target(%dma_start3A_54 : memref<51200x16xf32, #tpu.memory_space<vmem_shared>>) offsets(%dma_start3A_51 : memref<128xi32, #tpu.memory_space<vmem>>) semaphore(%run_scoped3A_49 : memref<!tpu.dma_semaphore, #tpu.memory_space<semaphore_mem>>) {add = true}
        %dma_wait3A = arith.constant 0 : i32
        %dma_wait3A_55 = tpu.memref_slice %arg4[%run_scoped3A_46, %dma_wait3A] : memref<4x128xi32, #tpu.memory_space<vmem>> -> memref<1x128xi32, #tpu.memory_space<vmem>>
        %dma_wait3A_56 = tpu.memref_squeeze %dma_wait3A_55 : memref<1x128xi32, #tpu.memory_space<vmem>> -> memref<128xi32, #tpu.memory_space<vmem>>
        %dma_wait3A_57 = arith.constant 0 : i32
        %dma_wait3A_58 = arith.constant 0 : i32
        %dma_wait3A_59 = tpu.memref_slice %arg7[%dma_wait3A_57, %dma_wait3A_58] : memref<51200x16xf32, #tpu.memory_space<vmem_shared>> -> memref<51200x16xf32, #tpu.memory_space<vmem_shared>>
        tpu.wait_indirect_dma semaphore(%run_scoped3A_49 : memref<!tpu.dma_semaphore, #tpu.memory_space<semaphore_mem>>) src(%arg5 : memref<128x16xf32, #tpu.memory_space<vmem>>) dst(%dma_wait3A_59 : memref<51200x16xf32, #tpu.memory_space<vmem_shared>>)
        tpu.yield
      }) : () -> ()
      %run_scoped3A_47 = arith.constant 3 : i32
      "tpu.region"() ({
        %run_scoped3A_49 = tpu.sem_alloc : memref<!tpu.dma_semaphore, #tpu.memory_space<semaphore_mem>>
        %dma_start3A = arith.constant 0 : i32
        %dma_start3A_50 = tpu.memref_slice %arg4[%run_scoped3A_47, %dma_start3A] : memref<4x128xi32, #tpu.memory_space<vmem>> -> memref<1x128xi32, #tpu.memory_space<vmem>>
        %dma_start3A_51 = tpu.memref_squeeze %dma_start3A_50 : memref<1x128xi32, #tpu.memory_space<vmem>> -> memref<128xi32, #tpu.memory_space<vmem>>
        %dma_start3A_52 = arith.constant 0 : i32
        %dma_start3A_53 = arith.constant 0 : i32
        %dma_start3A_54 = tpu.memref_slice %arg7[%dma_start3A_52, %dma_start3A_53] : memref<51200x16xf32, #tpu.memory_space<vmem_shared>> -> memref<51200x16xf32, #tpu.memory_space<vmem_shared>>
        tpu.enqueue_indirect_dma source(%arg5 : memref<128x16xf32, #tpu.memory_space<vmem>>) target(%dma_start3A_54 : memref<51200x16xf32, #tpu.memory_space<vmem_shared>>) offsets(%dma_start3A_51 : memref<128xi32, #tpu.memory_space<vmem>>) semaphore(%run_scoped3A_49 : memref<!tpu.dma_semaphore, #tpu.memory_space<semaphore_mem>>) {add = true}
        %dma_wait3A = arith.constant 0 : i32
        %dma_wait3A_55 = tpu.memref_slice %arg4[%run_scoped3A_47, %dma_wait3A] : memref<4x128xi32, #tpu.memory_space<vmem>> -> memref<1x128xi32, #tpu.memory_space<vmem>>
        %dma_wait3A_56 = tpu.memref_squeeze %dma_wait3A_55 : memref<1x128xi32, #tpu.memory_space<vmem>> -> memref<128xi32, #tpu.memory_space<vmem>>
        %dma_wait3A_57 = arith.constant 0 : i32
        %dma_wait3A_58 = arith.constant 0 : i32
        %dma_wait3A_59 = tpu.memref_slice %arg7[%dma_wait3A_57, %dma_wait3A_58] : memref<51200x16xf32, #tpu.memory_space<vmem_shared>> -> memref<51200x16xf32, #tpu.memory_space<vmem_shared>>
        tpu.wait_indirect_dma semaphore(%run_scoped3A_49 : memref<!tpu.dma_semaphore, #tpu.memory_space<semaphore_mem>>) src(%arg5 : memref<128x16xf32, #tpu.memory_space<vmem>>) dst(%dma_wait3A_59 : memref<51200x16xf32, #tpu.memory_space<vmem_shared>>)
        tpu.yield
      }) : () -> ()
      %while3A_48 = arith.constant 0 : i32
      scf.yield %while3A_48 : i32
    }
    %barrier3A_33 = arith.constant 0 : index
    tpu.barrier barrier_id(%barrier3A_33)
    %scan3A_34 = arith.constant 0 : i32
    %scan3A_35 = arith.constant 0 : i32
    %scan3A_36 = arith.constant 25 : i32
    %scan3A_37 = arith.addi %scan3A_35, %scan3A_36 : i32
    %scan3A_38 = arith.constant 1 : i32
    %scan3A_39 = scf.for %scan3A_41 = %scan3A_35 to %scan3A_37 step %scan3A_38 iter_args(%scan3A_42 = %scan3A_34) -> (i32)  : i32 {
      %mul3A_43 = arith.constant 25 : i32
      %mul3A_44 = arith.muli %arg1, %mul3A_43 : i32
      %add3A_45 = arith.addi %mul3A_44, %scan3A_41 : i32
      %mul3A_46 = arith.constant 128 : i32
      %mul3A_47 = arith.muli %add3A_45, %mul3A_46 : i32
      "tpu.region"() ({
        %run_scoped3A = tpu.sem_alloc : memref<!tpu.dma_semaphore, #tpu.memory_space<semaphore_mem>>
        %dma_start3A = arith.constant 0 : i32
        %dma_start3A_49 = tpu.memref_slice %arg7[%mul3A_47, %dma_start3A] : memref<51200x16xf32, #tpu.memory_space<vmem_shared>> -> memref<128x16xf32, #tpu.memory_space<vmem_shared>>
        %dma_start3A_50 = arith.constant 0 : i32
        %dma_start3A_51 = tpu.memref_slice %arg7[%mul3A_47, %dma_start3A_50] : memref<51200x16xf32, #tpu.memory_space<vmem_shared>> -> memref<128x16xf32, #tpu.memory_space<vmem_shared>>
        tpu.enqueue_dma source(%dma_start3A_51 : memref<128x16xf32, #tpu.memory_space<vmem_shared>>) target(%arg6 : memref<128x16xf32, #tpu.memory_space<vmem>>) target_semaphore(%run_scoped3A : memref<!tpu.dma_semaphore, #tpu.memory_space<semaphore_mem>>)
        %dma_wait3A = arith.constant 0 : i32
        %dma_wait3A_52 = tpu.memref_slice %arg7[%mul3A_47, %dma_wait3A] : memref<51200x16xf32, #tpu.memory_space<vmem_shared>> -> memref<128x16xf32, #tpu.memory_space<vmem_shared>>
        %dma_wait3A_53 = arith.constant 0 : i32
        %dma_wait3A_54 = tpu.memref_slice %arg7[%mul3A_47, %dma_wait3A_53] : memref<51200x16xf32, #tpu.memory_space<vmem_shared>> -> memref<128x16xf32, #tpu.memory_space<vmem_shared>>
        tpu.wait_dma2 semaphore(%run_scoped3A : memref<!tpu.dma_semaphore, #tpu.memory_space<semaphore_mem>>) src(%dma_wait3A_54 : memref<128x16xf32, #tpu.memory_space<vmem_shared>>) dst(%arg6 : memref<128x16xf32, #tpu.memory_space<vmem>>)
        tpu.yield
      }) : () -> ()
      "tpu.region"() ({
        %run_scoped3A = tpu.sem_alloc : memref<!tpu.dma_semaphore, #tpu.memory_space<semaphore_mem>>
        %dma_start3A = arith.constant 0 : i32
        %dma_start3A_49 = tpu.memref_slice %arg3[%arg0, %mul3A_47, %dma_start3A] : memref<2x51200x16xf32, #tpu.memory_space<hbm>> -> memref<1x128x16xf32, #tpu.memory_space<hbm>>
        %dma_start3A_50 = tpu.memref_squeeze %dma_start3A_49 : memref<1x128x16xf32, #tpu.memory_space<hbm>> -> memref<128x16xf32, #tpu.memory_space<hbm>>
        %dma_start3A_51 = arith.constant 0 : i32
        %dma_start3A_52 = tpu.memref_slice %arg3[%arg0, %mul3A_47, %dma_start3A_51] : memref<2x51200x16xf32, #tpu.memory_space<hbm>> -> memref<1x128x16xf32, #tpu.memory_space<hbm>>
        %dma_start3A_53 = tpu.memref_squeeze %dma_start3A_52 : memref<1x128x16xf32, #tpu.memory_space<hbm>> -> memref<128x16xf32, #tpu.memory_space<hbm>>
        tpu.enqueue_dma source(%arg6 : memref<128x16xf32, #tpu.memory_space<vmem>>) target(%dma_start3A_53 : memref<128x16xf32, #tpu.memory_space<hbm>>) target_semaphore(%run_scoped3A : memref<!tpu.dma_semaphore, #tpu.memory_space<semaphore_mem>>)
        %dma_wait3A = arith.constant 0 : i32
        %dma_wait3A_54 = tpu.memref_slice %arg3[%arg0, %mul3A_47, %dma_wait3A] : memref<2x51200x16xf32, #tpu.memory_space<hbm>> -> memref<1x128x16xf32, #tpu.memory_space<hbm>>
        %dma_wait3A_55 = tpu.memref_squeeze %dma_wait3A_54 : memref<1x128x16xf32, #tpu.memory_space<hbm>> -> memref<128x16xf32, #tpu.memory_space<hbm>>
        %dma_wait3A_56 = arith.constant 0 : i32
        %dma_wait3A_57 = tpu.memref_slice %arg3[%arg0, %mul3A_47, %dma_wait3A_56] : memref<2x51200x16xf32, #tpu.memory_space<hbm>> -> memref<1x128x16xf32, #tpu.memory_space<hbm>>
        %dma_wait3A_58 = tpu.memref_squeeze %dma_wait3A_57 : memref<1x128x16xf32, #tpu.memory_space<hbm>> -> memref<128x16xf32, #tpu.memory_space<hbm>>
        tpu.wait_dma2 semaphore(%run_scoped3A : memref<!tpu.dma_semaphore, #tpu.memory_space<semaphore_mem>>) src(%arg6 : memref<128x16xf32, #tpu.memory_space<vmem>>) dst(%dma_wait3A_58 : memref<128x16xf32, #tpu.memory_space<hbm>>)
        tpu.yield
      }) : () -> ()
      %scan3A_48 = arith.constant 0 : i32
      scf.yield %scan3A_48 : i32
    }
    %scan3A_40 = arith.constant 25 : i32
    return
  }
}

module attributes {stable_mosaic.version = 14 : i64} {
  func.func @_lstm_body(%arg0: i32, %arg1: memref<2000x8x128xf32, #tpu.memory_space<vmem>>, %arg2: memref<128x256xf32, #tpu.memory_space<vmem>>, %arg3: memref<64x256xf32, #tpu.memory_space<vmem>>, %arg4: memref<1x256xf32, #tpu.memory_space<vmem>>, %arg5: memref<1x256xf32, #tpu.memory_space<vmem>>, %arg6: memref<1x2000x16xf32, #tpu.memory_space<vmem>>, %arg7: memref<1x2000x16xf32, #tpu.memory_space<vmem>>, %arg8: memref<64x64xf32, #tpu.memory_space<vmem>>, %arg9: memref<2x2000x32xf32, #tpu.memory_space<vmem>>, %arg10: memref<2000x16xf32, #tpu.memory_space<vmem>>) attributes {dimension_semantics = [#tpu.dimension_semantics<arbitrary>], iteration_bounds = array<i64: 25>, scalar_prefetch = 0 : i64, scratch_operands = 0 : i64, tpu.core_type = #tpu.core_type<tc>, window_params = [{transform_indices = @transform_0, window_bounds = array<i64: 2000, 8, 128>}, {pipeline_mode = #tpu.pipeline_mode<synchronous>, transform_indices = @transform_1, window_bounds = array<i64: 128, 256>}, {pipeline_mode = #tpu.pipeline_mode<synchronous>, transform_indices = @transform_2, window_bounds = array<i64: 64, 256>}, {pipeline_mode = #tpu.pipeline_mode<synchronous>, transform_indices = @transform_3, window_bounds = array<i64: 1, 256>}, {pipeline_mode = #tpu.pipeline_mode<synchronous>, transform_indices = @transform_4, window_bounds = array<i64: 1, 256>}, {transform_indices = @transform_5, window_bounds = array<i64: 1, 2000, 16>}, {transform_indices = @transform_6, window_bounds = array<i64: 1, 2000, 16>}, {pipeline_mode = #tpu.pipeline_mode<synchronous>, transform_indices = @transform_7, window_bounds = array<i64: 64, 64>}, {transform_indices = @transform_8, window_bounds = array<i64: 2, 2000, 32>}, {transform_indices = @transform_9, window_bounds = array<i64: 2000, 16>}]} {
    %get3A = arith.constant 0 : index
    %get3A_0 = arith.constant 0 : index
    %get3A_1 = vector.load %arg4[%get3A, %get3A_0] : memref<1x256xf32, #tpu.memory_space<vmem>>, vector<1x256xf32>
    %get3A_2 = arith.constant 0 : index
    %get3A_3 = arith.constant 0 : index
    %get3A_4 = vector.load %arg5[%get3A_2, %get3A_3] : memref<1x256xf32, #tpu.memory_space<vmem>>, vector<1x256xf32>
    %add3A = arith.addf %get3A_1, %get3A_4 : vector<1x256xf32>
    %broadcast_in_dim3A = arith.constant 0.000000e+00 : f32
    %broadcast_in_dim3A_5 = vector.broadcast %broadcast_in_dim3A : f32 to vector<2000x64xf32>
    %broadcast_in_dim3A_6 = arith.constant 0.000000e+00 : f32
    %broadcast_in_dim3A_7 = vector.broadcast %broadcast_in_dim3A_6 : f32 to vector<2000x64xf32>
    %get3A_8 = arith.constant 0 : index
    %get3A_9 = arith.constant 0 : index
    %get3A_10 = arith.constant 0 : index
    %get3A_11 = vector.load %arg1[%get3A_8, %get3A_9, %get3A_10] : memref<2000x8x128xf32, #tpu.memory_space<vmem>>, vector<2000x1x128xf32>
    %get3A_12 = vector.shape_cast %get3A_11 : vector<2000x1x128xf32> to vector<2000x128xf32>
    %get3A_13 = arith.constant 0 : index
    %get3A_14 = arith.constant 0 : index
    %get3A_15 = vector.load %arg2[%get3A_13, %get3A_14] : memref<128x256xf32, #tpu.memory_space<vmem>>, vector<128x256xf32>
    %dot_general3A = arith.constant dense<0.000000e+00> : vector<2000x256xf32>
    %dot_general3A_16 = tpu.matmul %get3A_12, %get3A_15, %dot_general3A {dimension_numbers = #tpu.dot_dimension_numbers<[1], [0], [0], [1], [0, 0, 1, 1], [], []>, transpose_lhs_hint = false} : vector<2000x128xf32>, vector<128x256xf32>, vector<2000x256xf32> -> vector<2000x256xf32>
    %get3A_17 = arith.constant 0 : index
    %get3A_18 = arith.constant 0 : index
    %get3A_19 = vector.load %arg3[%get3A_17, %get3A_18] : memref<64x256xf32, #tpu.memory_space<vmem>>, vector<64x256xf32>
    %dot_general3A_20 = arith.constant dense<0.000000e+00> : vector<2000x256xf32>
    %dot_general3A_21 = tpu.matmul %broadcast_in_dim3A_5, %get3A_19, %dot_general3A_20 {dimension_numbers = #tpu.dot_dimension_numbers<[1], [0], [0], [1], [0, 0, 1, 1], [], []>, transpose_lhs_hint = false} : vector<2000x64xf32>, vector<64x256xf32>, vector<2000x256xf32> -> vector<2000x256xf32>
    %add3A_22 = arith.addf %dot_general3A_16, %dot_general3A_21 : vector<2000x256xf32>
    %add3A_23 = vector.broadcast %add3A : vector<1x256xf32> to vector<2000x256xf32>
    %add3A_24 = arith.addf %add3A_22, %add3A_23 : vector<2000x256xf32>
    %slice3A = vector.extract_strided_slice %add3A_24 {offsets = [0, 0], sizes = [2000, 64], strides = [1, 1]} : vector<2000x256xf32> to vector<2000x64xf32>
    %logistic3A = arith.negf %slice3A : vector<2000x64xf32>
    %logistic3A_25 = math.exp %logistic3A : vector<2000x64xf32>
    %logistic3A_26 = arith.constant 1.000000e+00 : f32
    %logistic3A_27 = vector.broadcast %logistic3A_26 : f32 to vector<2000x64xf32>
    %logistic3A_28 = arith.addf %logistic3A_27, %logistic3A_25 : vector<2000x64xf32>
    %logistic3A_29 = arith.divf %logistic3A_27, %logistic3A_28 : vector<2000x64xf32>
    %slice3A_30 = vector.extract_strided_slice %add3A_24 {offsets = [0, 64], sizes = [2000, 64], strides = [1, 1]} : vector<2000x256xf32> to vector<2000x64xf32>
    %logistic3A_31 = arith.negf %slice3A_30 : vector<2000x64xf32>
    %logistic3A_32 = math.exp %logistic3A_31 : vector<2000x64xf32>
    %logistic3A_33 = arith.constant 1.000000e+00 : f32
    %logistic3A_34 = vector.broadcast %logistic3A_33 : f32 to vector<2000x64xf32>
    %logistic3A_35 = arith.addf %logistic3A_34, %logistic3A_32 : vector<2000x64xf32>
    %logistic3A_36 = arith.divf %logistic3A_34, %logistic3A_35 : vector<2000x64xf32>
    %slice3A_37 = vector.extract_strided_slice %add3A_24 {offsets = [0, 128], sizes = [2000, 64], strides = [1, 1]} : vector<2000x256xf32> to vector<2000x64xf32>
    %tanh3A = math.tanh %slice3A_37 : vector<2000x64xf32>
    %slice3A_38 = vector.extract_strided_slice %add3A_24 {offsets = [0, 192], sizes = [2000, 64], strides = [1, 1]} : vector<2000x256xf32> to vector<2000x64xf32>
    %logistic3A_39 = arith.negf %slice3A_38 : vector<2000x64xf32>
    %logistic3A_40 = math.exp %logistic3A_39 : vector<2000x64xf32>
    %logistic3A_41 = arith.constant 1.000000e+00 : f32
    %logistic3A_42 = vector.broadcast %logistic3A_41 : f32 to vector<2000x64xf32>
    %logistic3A_43 = arith.addf %logistic3A_42, %logistic3A_40 : vector<2000x64xf32>
    %logistic3A_44 = arith.divf %logistic3A_42, %logistic3A_43 : vector<2000x64xf32>
    %mul3A = arith.mulf %logistic3A_36, %broadcast_in_dim3A_7 : vector<2000x64xf32>
    %mul3A_45 = arith.mulf %logistic3A_29, %tanh3A : vector<2000x64xf32>
    %add3A_46 = arith.addf %mul3A, %mul3A_45 : vector<2000x64xf32>
    %tanh3A_47 = math.tanh %add3A_46 : vector<2000x64xf32>
    %mul3A_48 = arith.mulf %logistic3A_44, %tanh3A_47 : vector<2000x64xf32>
    %get3A_49 = arith.constant 0 : index
    %get3A_50 = arith.constant 1 : index
    %get3A_51 = arith.constant 0 : index
    %get3A_52 = vector.load %arg1[%get3A_49, %get3A_50, %get3A_51] : memref<2000x8x128xf32, #tpu.memory_space<vmem>>, vector<2000x1x128xf32>
    %get3A_53 = vector.shape_cast %get3A_52 : vector<2000x1x128xf32> to vector<2000x128xf32>
    %get3A_54 = arith.constant 0 : index
    %get3A_55 = arith.constant 0 : index
    %get3A_56 = vector.load %arg2[%get3A_54, %get3A_55] : memref<128x256xf32, #tpu.memory_space<vmem>>, vector<128x256xf32>
    %dot_general3A_57 = arith.constant dense<0.000000e+00> : vector<2000x256xf32>
    %dot_general3A_58 = tpu.matmul %get3A_53, %get3A_56, %dot_general3A_57 {dimension_numbers = #tpu.dot_dimension_numbers<[1], [0], [0], [1], [0, 0, 1, 1], [], []>, transpose_lhs_hint = false} : vector<2000x128xf32>, vector<128x256xf32>, vector<2000x256xf32> -> vector<2000x256xf32>
    %get3A_59 = arith.constant 0 : index
    %get3A_60 = arith.constant 0 : index
    %get3A_61 = vector.load %arg3[%get3A_59, %get3A_60] : memref<64x256xf32, #tpu.memory_space<vmem>>, vector<64x256xf32>
    %dot_general3A_62 = arith.constant dense<0.000000e+00> : vector<2000x256xf32>
    %dot_general3A_63 = tpu.matmul %mul3A_48, %get3A_61, %dot_general3A_62 {dimension_numbers = #tpu.dot_dimension_numbers<[1], [0], [0], [1], [0, 0, 1, 1], [], []>, transpose_lhs_hint = false} : vector<2000x64xf32>, vector<64x256xf32>, vector<2000x256xf32> -> vector<2000x256xf32>
    %add3A_64 = arith.addf %dot_general3A_58, %dot_general3A_63 : vector<2000x256xf32>
    %add3A_65 = vector.broadcast %add3A : vector<1x256xf32> to vector<2000x256xf32>
    %add3A_66 = arith.addf %add3A_64, %add3A_65 : vector<2000x256xf32>
    %slice3A_67 = vector.extract_strided_slice %add3A_66 {offsets = [0, 0], sizes = [2000, 64], strides = [1, 1]} : vector<2000x256xf32> to vector<2000x64xf32>
    %logistic3A_68 = arith.negf %slice3A_67 : vector<2000x64xf32>
    %logistic3A_69 = math.exp %logistic3A_68 : vector<2000x64xf32>
    %logistic3A_70 = arith.constant 1.000000e+00 : f32
    %logistic3A_71 = vector.broadcast %logistic3A_70 : f32 to vector<2000x64xf32>
    %logistic3A_72 = arith.addf %logistic3A_71, %logistic3A_69 : vector<2000x64xf32>
    %logistic3A_73 = arith.divf %logistic3A_71, %logistic3A_72 : vector<2000x64xf32>
    %slice3A_74 = vector.extract_strided_slice %add3A_66 {offsets = [0, 64], sizes = [2000, 64], strides = [1, 1]} : vector<2000x256xf32> to vector<2000x64xf32>
    %logistic3A_75 = arith.negf %slice3A_74 : vector<2000x64xf32>
    %logistic3A_76 = math.exp %logistic3A_75 : vector<2000x64xf32>
    %logistic3A_77 = arith.constant 1.000000e+00 : f32
    %logistic3A_78 = vector.broadcast %logistic3A_77 : f32 to vector<2000x64xf32>
    %logistic3A_79 = arith.addf %logistic3A_78, %logistic3A_76 : vector<2000x64xf32>
    %logistic3A_80 = arith.divf %logistic3A_78, %logistic3A_79 : vector<2000x64xf32>
    %slice3A_81 = vector.extract_strided_slice %add3A_66 {offsets = [0, 128], sizes = [2000, 64], strides = [1, 1]} : vector<2000x256xf32> to vector<2000x64xf32>
    %tanh3A_82 = math.tanh %slice3A_81 : vector<2000x64xf32>
    %slice3A_83 = vector.extract_strided_slice %add3A_66 {offsets = [0, 192], sizes = [2000, 64], strides = [1, 1]} : vector<2000x256xf32> to vector<2000x64xf32>
    %logistic3A_84 = arith.negf %slice3A_83 : vector<2000x64xf32>
    %logistic3A_85 = math.exp %logistic3A_84 : vector<2000x64xf32>
    %logistic3A_86 = arith.constant 1.000000e+00 : f32
    %logistic3A_87 = vector.broadcast %logistic3A_86 : f32 to vector<2000x64xf32>
    %logistic3A_88 = arith.addf %logistic3A_87, %logistic3A_85 : vector<2000x64xf32>
    %logistic3A_89 = arith.divf %logistic3A_87, %logistic3A_88 : vector<2000x64xf32>
    %mul3A_90 = arith.mulf %logistic3A_80, %add3A_46 : vector<2000x64xf32>
    %mul3A_91 = arith.mulf %logistic3A_73, %tanh3A_82 : vector<2000x64xf32>
    %add3A_92 = arith.addf %mul3A_90, %mul3A_91 : vector<2000x64xf32>
    %tanh3A_93 = math.tanh %add3A_92 : vector<2000x64xf32>
    %mul3A_94 = arith.mulf %logistic3A_89, %tanh3A_93 : vector<2000x64xf32>
    %get3A_95 = arith.constant 0 : index
    %get3A_96 = arith.constant 2 : index
    %get3A_97 = arith.constant 0 : index
    %get3A_98 = vector.load %arg1[%get3A_95, %get3A_96, %get3A_97] : memref<2000x8x128xf32, #tpu.memory_space<vmem>>, vector<2000x1x128xf32>
    %get3A_99 = vector.shape_cast %get3A_98 : vector<2000x1x128xf32> to vector<2000x128xf32>
    %get3A_100 = arith.constant 0 : index
    %get3A_101 = arith.constant 0 : index
    %get3A_102 = vector.load %arg2[%get3A_100, %get3A_101] : memref<128x256xf32, #tpu.memory_space<vmem>>, vector<128x256xf32>
    %dot_general3A_103 = arith.constant dense<0.000000e+00> : vector<2000x256xf32>
    %dot_general3A_104 = tpu.matmul %get3A_99, %get3A_102, %dot_general3A_103 {dimension_numbers = #tpu.dot_dimension_numbers<[1], [0], [0], [1], [0, 0, 1, 1], [], []>, transpose_lhs_hint = false} : vector<2000x128xf32>, vector<128x256xf32>, vector<2000x256xf32> -> vector<2000x256xf32>
    %get3A_105 = arith.constant 0 : index
    %get3A_106 = arith.constant 0 : index
    %get3A_107 = vector.load %arg3[%get3A_105, %get3A_106] : memref<64x256xf32, #tpu.memory_space<vmem>>, vector<64x256xf32>
    %dot_general3A_108 = arith.constant dense<0.000000e+00> : vector<2000x256xf32>
    %dot_general3A_109 = tpu.matmul %mul3A_94, %get3A_107, %dot_general3A_108 {dimension_numbers = #tpu.dot_dimension_numbers<[1], [0], [0], [1], [0, 0, 1, 1], [], []>, transpose_lhs_hint = false} : vector<2000x64xf32>, vector<64x256xf32>, vector<2000x256xf32> -> vector<2000x256xf32>
    %add3A_110 = arith.addf %dot_general3A_104, %dot_general3A_109 : vector<2000x256xf32>
    %add3A_111 = vector.broadcast %add3A : vector<1x256xf32> to vector<2000x256xf32>
    %add3A_112 = arith.addf %add3A_110, %add3A_111 : vector<2000x256xf32>
    %slice3A_113 = vector.extract_strided_slice %add3A_112 {offsets = [0, 0], sizes = [2000, 64], strides = [1, 1]} : vector<2000x256xf32> to vector<2000x64xf32>
    %logistic3A_114 = arith.negf %slice3A_113 : vector<2000x64xf32>
    %logistic3A_115 = math.exp %logistic3A_114 : vector<2000x64xf32>
    %logistic3A_116 = arith.constant 1.000000e+00 : f32
    %logistic3A_117 = vector.broadcast %logistic3A_116 : f32 to vector<2000x64xf32>
    %logistic3A_118 = arith.addf %logistic3A_117, %logistic3A_115 : vector<2000x64xf32>
    %logistic3A_119 = arith.divf %logistic3A_117, %logistic3A_118 : vector<2000x64xf32>
    %slice3A_120 = vector.extract_strided_slice %add3A_112 {offsets = [0, 64], sizes = [2000, 64], strides = [1, 1]} : vector<2000x256xf32> to vector<2000x64xf32>
    %logistic3A_121 = arith.negf %slice3A_120 : vector<2000x64xf32>
    %logistic3A_122 = math.exp %logistic3A_121 : vector<2000x64xf32>
    %logistic3A_123 = arith.constant 1.000000e+00 : f32
    %logistic3A_124 = vector.broadcast %logistic3A_123 : f32 to vector<2000x64xf32>
    %logistic3A_125 = arith.addf %logistic3A_124, %logistic3A_122 : vector<2000x64xf32>
    %logistic3A_126 = arith.divf %logistic3A_124, %logistic3A_125 : vector<2000x64xf32>
    %slice3A_127 = vector.extract_strided_slice %add3A_112 {offsets = [0, 128], sizes = [2000, 64], strides = [1, 1]} : vector<2000x256xf32> to vector<2000x64xf32>
    %tanh3A_128 = math.tanh %slice3A_127 : vector<2000x64xf32>
    %slice3A_129 = vector.extract_strided_slice %add3A_112 {offsets = [0, 192], sizes = [2000, 64], strides = [1, 1]} : vector<2000x256xf32> to vector<2000x64xf32>
    %logistic3A_130 = arith.negf %slice3A_129 : vector<2000x64xf32>
    %logistic3A_131 = math.exp %logistic3A_130 : vector<2000x64xf32>
    %logistic3A_132 = arith.constant 1.000000e+00 : f32
    %logistic3A_133 = vector.broadcast %logistic3A_132 : f32 to vector<2000x64xf32>
    %logistic3A_134 = arith.addf %logistic3A_133, %logistic3A_131 : vector<2000x64xf32>
    %logistic3A_135 = arith.divf %logistic3A_133, %logistic3A_134 : vector<2000x64xf32>
    %mul3A_136 = arith.mulf %logistic3A_126, %add3A_92 : vector<2000x64xf32>
    %mul3A_137 = arith.mulf %logistic3A_119, %tanh3A_128 : vector<2000x64xf32>
    %add3A_138 = arith.addf %mul3A_136, %mul3A_137 : vector<2000x64xf32>
    %tanh3A_139 = math.tanh %add3A_138 : vector<2000x64xf32>
    %mul3A_140 = arith.mulf %logistic3A_135, %tanh3A_139 : vector<2000x64xf32>
    %get3A_141 = arith.constant 0 : index
    %get3A_142 = arith.constant 3 : index
    %get3A_143 = arith.constant 0 : index
    %get3A_144 = vector.load %arg1[%get3A_141, %get3A_142, %get3A_143] : memref<2000x8x128xf32, #tpu.memory_space<vmem>>, vector<2000x1x128xf32>
    %get3A_145 = vector.shape_cast %get3A_144 : vector<2000x1x128xf32> to vector<2000x128xf32>
    %get3A_146 = arith.constant 0 : index
    %get3A_147 = arith.constant 0 : index
    %get3A_148 = vector.load %arg2[%get3A_146, %get3A_147] : memref<128x256xf32, #tpu.memory_space<vmem>>, vector<128x256xf32>
    %dot_general3A_149 = arith.constant dense<0.000000e+00> : vector<2000x256xf32>
    %dot_general3A_150 = tpu.matmul %get3A_145, %get3A_148, %dot_general3A_149 {dimension_numbers = #tpu.dot_dimension_numbers<[1], [0], [0], [1], [0, 0, 1, 1], [], []>, transpose_lhs_hint = false} : vector<2000x128xf32>, vector<128x256xf32>, vector<2000x256xf32> -> vector<2000x256xf32>
    %get3A_151 = arith.constant 0 : index
    %get3A_152 = arith.constant 0 : index
    %get3A_153 = vector.load %arg3[%get3A_151, %get3A_152] : memref<64x256xf32, #tpu.memory_space<vmem>>, vector<64x256xf32>
    %dot_general3A_154 = arith.constant dense<0.000000e+00> : vector<2000x256xf32>
    %dot_general3A_155 = tpu.matmul %mul3A_140, %get3A_153, %dot_general3A_154 {dimension_numbers = #tpu.dot_dimension_numbers<[1], [0], [0], [1], [0, 0, 1, 1], [], []>, transpose_lhs_hint = false} : vector<2000x64xf32>, vector<64x256xf32>, vector<2000x256xf32> -> vector<2000x256xf32>
    %add3A_156 = arith.addf %dot_general3A_150, %dot_general3A_155 : vector<2000x256xf32>
    %add3A_157 = vector.broadcast %add3A : vector<1x256xf32> to vector<2000x256xf32>
    %add3A_158 = arith.addf %add3A_156, %add3A_157 : vector<2000x256xf32>
    %slice3A_159 = vector.extract_strided_slice %add3A_158 {offsets = [0, 0], sizes = [2000, 64], strides = [1, 1]} : vector<2000x256xf32> to vector<2000x64xf32>
    %logistic3A_160 = arith.negf %slice3A_159 : vector<2000x64xf32>
    %logistic3A_161 = math.exp %logistic3A_160 : vector<2000x64xf32>
    %logistic3A_162 = arith.constant 1.000000e+00 : f32
    %logistic3A_163 = vector.broadcast %logistic3A_162 : f32 to vector<2000x64xf32>
    %logistic3A_164 = arith.addf %logistic3A_163, %logistic3A_161 : vector<2000x64xf32>
    %logistic3A_165 = arith.divf %logistic3A_163, %logistic3A_164 : vector<2000x64xf32>
    %slice3A_166 = vector.extract_strided_slice %add3A_158 {offsets = [0, 64], sizes = [2000, 64], strides = [1, 1]} : vector<2000x256xf32> to vector<2000x64xf32>
    %logistic3A_167 = arith.negf %slice3A_166 : vector<2000x64xf32>
    %logistic3A_168 = math.exp %logistic3A_167 : vector<2000x64xf32>
    %logistic3A_169 = arith.constant 1.000000e+00 : f32
    %logistic3A_170 = vector.broadcast %logistic3A_169 : f32 to vector<2000x64xf32>
    %logistic3A_171 = arith.addf %logistic3A_170, %logistic3A_168 : vector<2000x64xf32>
    %logistic3A_172 = arith.divf %logistic3A_170, %logistic3A_171 : vector<2000x64xf32>
    %slice3A_173 = vector.extract_strided_slice %add3A_158 {offsets = [0, 128], sizes = [2000, 64], strides = [1, 1]} : vector<2000x256xf32> to vector<2000x64xf32>
    %tanh3A_174 = math.tanh %slice3A_173 : vector<2000x64xf32>
    %slice3A_175 = vector.extract_strided_slice %add3A_158 {offsets = [0, 192], sizes = [2000, 64], strides = [1, 1]} : vector<2000x256xf32> to vector<2000x64xf32>
    %logistic3A_176 = arith.negf %slice3A_175 : vector<2000x64xf32>
    %logistic3A_177 = math.exp %logistic3A_176 : vector<2000x64xf32>
    %logistic3A_178 = arith.constant 1.000000e+00 : f32
    %logistic3A_179 = vector.broadcast %logistic3A_178 : f32 to vector<2000x64xf32>
    %logistic3A_180 = arith.addf %logistic3A_179, %logistic3A_177 : vector<2000x64xf32>
    %logistic3A_181 = arith.divf %logistic3A_179, %logistic3A_180 : vector<2000x64xf32>
    %mul3A_182 = arith.mulf %logistic3A_172, %add3A_138 : vector<2000x64xf32>
    %mul3A_183 = arith.mulf %logistic3A_165, %tanh3A_174 : vector<2000x64xf32>
    %add3A_184 = arith.addf %mul3A_182, %mul3A_183 : vector<2000x64xf32>
    %tanh3A_185 = math.tanh %add3A_184 : vector<2000x64xf32>
    %mul3A_186 = arith.mulf %logistic3A_181, %tanh3A_185 : vector<2000x64xf32>
    %get3A_187 = arith.constant 0 : index
    %get3A_188 = arith.constant 4 : index
    %get3A_189 = arith.constant 0 : index
    %get3A_190 = vector.load %arg1[%get3A_187, %get3A_188, %get3A_189] : memref<2000x8x128xf32, #tpu.memory_space<vmem>>, vector<2000x1x128xf32>
    %get3A_191 = vector.shape_cast %get3A_190 : vector<2000x1x128xf32> to vector<2000x128xf32>
    %get3A_192 = arith.constant 0 : index
    %get3A_193 = arith.constant 0 : index
    %get3A_194 = vector.load %arg2[%get3A_192, %get3A_193] : memref<128x256xf32, #tpu.memory_space<vmem>>, vector<128x256xf32>
    %dot_general3A_195 = arith.constant dense<0.000000e+00> : vector<2000x256xf32>
    %dot_general3A_196 = tpu.matmul %get3A_191, %get3A_194, %dot_general3A_195 {dimension_numbers = #tpu.dot_dimension_numbers<[1], [0], [0], [1], [0, 0, 1, 1], [], []>, transpose_lhs_hint = false} : vector<2000x128xf32>, vector<128x256xf32>, vector<2000x256xf32> -> vector<2000x256xf32>
    %get3A_197 = arith.constant 0 : index
    %get3A_198 = arith.constant 0 : index
    %get3A_199 = vector.load %arg3[%get3A_197, %get3A_198] : memref<64x256xf32, #tpu.memory_space<vmem>>, vector<64x256xf32>
    %dot_general3A_200 = arith.constant dense<0.000000e+00> : vector<2000x256xf32>
    %dot_general3A_201 = tpu.matmul %mul3A_186, %get3A_199, %dot_general3A_200 {dimension_numbers = #tpu.dot_dimension_numbers<[1], [0], [0], [1], [0, 0, 1, 1], [], []>, transpose_lhs_hint = false} : vector<2000x64xf32>, vector<64x256xf32>, vector<2000x256xf32> -> vector<2000x256xf32>
    %add3A_202 = arith.addf %dot_general3A_196, %dot_general3A_201 : vector<2000x256xf32>
    %add3A_203 = vector.broadcast %add3A : vector<1x256xf32> to vector<2000x256xf32>
    %add3A_204 = arith.addf %add3A_202, %add3A_203 : vector<2000x256xf32>
    %slice3A_205 = vector.extract_strided_slice %add3A_204 {offsets = [0, 0], sizes = [2000, 64], strides = [1, 1]} : vector<2000x256xf32> to vector<2000x64xf32>
    %logistic3A_206 = arith.negf %slice3A_205 : vector<2000x64xf32>
    %logistic3A_207 = math.exp %logistic3A_206 : vector<2000x64xf32>
    %logistic3A_208 = arith.constant 1.000000e+00 : f32
    %logistic3A_209 = vector.broadcast %logistic3A_208 : f32 to vector<2000x64xf32>
    %logistic3A_210 = arith.addf %logistic3A_209, %logistic3A_207 : vector<2000x64xf32>
    %logistic3A_211 = arith.divf %logistic3A_209, %logistic3A_210 : vector<2000x64xf32>
    %slice3A_212 = vector.extract_strided_slice %add3A_204 {offsets = [0, 64], sizes = [2000, 64], strides = [1, 1]} : vector<2000x256xf32> to vector<2000x64xf32>
    %logistic3A_213 = arith.negf %slice3A_212 : vector<2000x64xf32>
    %logistic3A_214 = math.exp %logistic3A_213 : vector<2000x64xf32>
    %logistic3A_215 = arith.constant 1.000000e+00 : f32
    %logistic3A_216 = vector.broadcast %logistic3A_215 : f32 to vector<2000x64xf32>
    %logistic3A_217 = arith.addf %logistic3A_216, %logistic3A_214 : vector<2000x64xf32>
    %logistic3A_218 = arith.divf %logistic3A_216, %logistic3A_217 : vector<2000x64xf32>
    %slice3A_219 = vector.extract_strided_slice %add3A_204 {offsets = [0, 128], sizes = [2000, 64], strides = [1, 1]} : vector<2000x256xf32> to vector<2000x64xf32>
    %tanh3A_220 = math.tanh %slice3A_219 : vector<2000x64xf32>
    %slice3A_221 = vector.extract_strided_slice %add3A_204 {offsets = [0, 192], sizes = [2000, 64], strides = [1, 1]} : vector<2000x256xf32> to vector<2000x64xf32>
    %logistic3A_222 = arith.negf %slice3A_221 : vector<2000x64xf32>
    %logistic3A_223 = math.exp %logistic3A_222 : vector<2000x64xf32>
    %logistic3A_224 = arith.constant 1.000000e+00 : f32
    %logistic3A_225 = vector.broadcast %logistic3A_224 : f32 to vector<2000x64xf32>
    %logistic3A_226 = arith.addf %logistic3A_225, %logistic3A_223 : vector<2000x64xf32>
    %logistic3A_227 = arith.divf %logistic3A_225, %logistic3A_226 : vector<2000x64xf32>
    %mul3A_228 = arith.mulf %logistic3A_218, %add3A_184 : vector<2000x64xf32>
    %mul3A_229 = arith.mulf %logistic3A_211, %tanh3A_220 : vector<2000x64xf32>
    %add3A_230 = arith.addf %mul3A_228, %mul3A_229 : vector<2000x64xf32>
    %tanh3A_231 = math.tanh %add3A_230 : vector<2000x64xf32>
    %mul3A_232 = arith.mulf %logistic3A_227, %tanh3A_231 : vector<2000x64xf32>
    %get3A_233 = arith.constant 0 : index
    %get3A_234 = arith.constant 5 : index
    %get3A_235 = arith.constant 0 : index
    %get3A_236 = vector.load %arg1[%get3A_233, %get3A_234, %get3A_235] : memref<2000x8x128xf32, #tpu.memory_space<vmem>>, vector<2000x1x128xf32>
    %get3A_237 = vector.shape_cast %get3A_236 : vector<2000x1x128xf32> to vector<2000x128xf32>
    %get3A_238 = arith.constant 0 : index
    %get3A_239 = arith.constant 0 : index
    %get3A_240 = vector.load %arg2[%get3A_238, %get3A_239] : memref<128x256xf32, #tpu.memory_space<vmem>>, vector<128x256xf32>
    %dot_general3A_241 = arith.constant dense<0.000000e+00> : vector<2000x256xf32>
    %dot_general3A_242 = tpu.matmul %get3A_237, %get3A_240, %dot_general3A_241 {dimension_numbers = #tpu.dot_dimension_numbers<[1], [0], [0], [1], [0, 0, 1, 1], [], []>, transpose_lhs_hint = false} : vector<2000x128xf32>, vector<128x256xf32>, vector<2000x256xf32> -> vector<2000x256xf32>
    %get3A_243 = arith.constant 0 : index
    %get3A_244 = arith.constant 0 : index
    %get3A_245 = vector.load %arg3[%get3A_243, %get3A_244] : memref<64x256xf32, #tpu.memory_space<vmem>>, vector<64x256xf32>
    %dot_general3A_246 = arith.constant dense<0.000000e+00> : vector<2000x256xf32>
    %dot_general3A_247 = tpu.matmul %mul3A_232, %get3A_245, %dot_general3A_246 {dimension_numbers = #tpu.dot_dimension_numbers<[1], [0], [0], [1], [0, 0, 1, 1], [], []>, transpose_lhs_hint = false} : vector<2000x64xf32>, vector<64x256xf32>, vector<2000x256xf32> -> vector<2000x256xf32>
    %add3A_248 = arith.addf %dot_general3A_242, %dot_general3A_247 : vector<2000x256xf32>
    %add3A_249 = vector.broadcast %add3A : vector<1x256xf32> to vector<2000x256xf32>
    %add3A_250 = arith.addf %add3A_248, %add3A_249 : vector<2000x256xf32>
    %slice3A_251 = vector.extract_strided_slice %add3A_250 {offsets = [0, 0], sizes = [2000, 64], strides = [1, 1]} : vector<2000x256xf32> to vector<2000x64xf32>
    %logistic3A_252 = arith.negf %slice3A_251 : vector<2000x64xf32>
    %logistic3A_253 = math.exp %logistic3A_252 : vector<2000x64xf32>
    %logistic3A_254 = arith.constant 1.000000e+00 : f32
    %logistic3A_255 = vector.broadcast %logistic3A_254 : f32 to vector<2000x64xf32>
    %logistic3A_256 = arith.addf %logistic3A_255, %logistic3A_253 : vector<2000x64xf32>
    %logistic3A_257 = arith.divf %logistic3A_255, %logistic3A_256 : vector<2000x64xf32>
    %slice3A_258 = vector.extract_strided_slice %add3A_250 {offsets = [0, 64], sizes = [2000, 64], strides = [1, 1]} : vector<2000x256xf32> to vector<2000x64xf32>
    %logistic3A_259 = arith.negf %slice3A_258 : vector<2000x64xf32>
    %logistic3A_260 = math.exp %logistic3A_259 : vector<2000x64xf32>
    %logistic3A_261 = arith.constant 1.000000e+00 : f32
    %logistic3A_262 = vector.broadcast %logistic3A_261 : f32 to vector<2000x64xf32>
    %logistic3A_263 = arith.addf %logistic3A_262, %logistic3A_260 : vector<2000x64xf32>
    %logistic3A_264 = arith.divf %logistic3A_262, %logistic3A_263 : vector<2000x64xf32>
    %slice3A_265 = vector.extract_strided_slice %add3A_250 {offsets = [0, 128], sizes = [2000, 64], strides = [1, 1]} : vector<2000x256xf32> to vector<2000x64xf32>
    %tanh3A_266 = math.tanh %slice3A_265 : vector<2000x64xf32>
    %slice3A_267 = vector.extract_strided_slice %add3A_250 {offsets = [0, 192], sizes = [2000, 64], strides = [1, 1]} : vector<2000x256xf32> to vector<2000x64xf32>
    %logistic3A_268 = arith.negf %slice3A_267 : vector<2000x64xf32>
    %logistic3A_269 = math.exp %logistic3A_268 : vector<2000x64xf32>
    %logistic3A_270 = arith.constant 1.000000e+00 : f32
    %logistic3A_271 = vector.broadcast %logistic3A_270 : f32 to vector<2000x64xf32>
    %logistic3A_272 = arith.addf %logistic3A_271, %logistic3A_269 : vector<2000x64xf32>
    %logistic3A_273 = arith.divf %logistic3A_271, %logistic3A_272 : vector<2000x64xf32>
    %mul3A_274 = arith.mulf %logistic3A_264, %add3A_230 : vector<2000x64xf32>
    %mul3A_275 = arith.mulf %logistic3A_257, %tanh3A_266 : vector<2000x64xf32>
    %add3A_276 = arith.addf %mul3A_274, %mul3A_275 : vector<2000x64xf32>
    %tanh3A_277 = math.tanh %add3A_276 : vector<2000x64xf32>
    %mul3A_278 = arith.mulf %logistic3A_273, %tanh3A_277 : vector<2000x64xf32>
    %get3A_279 = arith.constant 0 : index
    %get3A_280 = arith.constant 6 : index
    %get3A_281 = arith.constant 0 : index
    %get3A_282 = vector.load %arg1[%get3A_279, %get3A_280, %get3A_281] : memref<2000x8x128xf32, #tpu.memory_space<vmem>>, vector<2000x1x128xf32>
    %get3A_283 = vector.shape_cast %get3A_282 : vector<2000x1x128xf32> to vector<2000x128xf32>
    %get3A_284 = arith.constant 0 : index
    %get3A_285 = arith.constant 0 : index
    %get3A_286 = vector.load %arg2[%get3A_284, %get3A_285] : memref<128x256xf32, #tpu.memory_space<vmem>>, vector<128x256xf32>
    %dot_general3A_287 = arith.constant dense<0.000000e+00> : vector<2000x256xf32>
    %dot_general3A_288 = tpu.matmul %get3A_283, %get3A_286, %dot_general3A_287 {dimension_numbers = #tpu.dot_dimension_numbers<[1], [0], [0], [1], [0, 0, 1, 1], [], []>, transpose_lhs_hint = false} : vector<2000x128xf32>, vector<128x256xf32>, vector<2000x256xf32> -> vector<2000x256xf32>
    %get3A_289 = arith.constant 0 : index
    %get3A_290 = arith.constant 0 : index
    %get3A_291 = vector.load %arg3[%get3A_289, %get3A_290] : memref<64x256xf32, #tpu.memory_space<vmem>>, vector<64x256xf32>
    %dot_general3A_292 = arith.constant dense<0.000000e+00> : vector<2000x256xf32>
    %dot_general3A_293 = tpu.matmul %mul3A_278, %get3A_291, %dot_general3A_292 {dimension_numbers = #tpu.dot_dimension_numbers<[1], [0], [0], [1], [0, 0, 1, 1], [], []>, transpose_lhs_hint = false} : vector<2000x64xf32>, vector<64x256xf32>, vector<2000x256xf32> -> vector<2000x256xf32>
    %add3A_294 = arith.addf %dot_general3A_288, %dot_general3A_293 : vector<2000x256xf32>
    %add3A_295 = vector.broadcast %add3A : vector<1x256xf32> to vector<2000x256xf32>
    %add3A_296 = arith.addf %add3A_294, %add3A_295 : vector<2000x256xf32>
    %slice3A_297 = vector.extract_strided_slice %add3A_296 {offsets = [0, 0], sizes = [2000, 64], strides = [1, 1]} : vector<2000x256xf32> to vector<2000x64xf32>
    %logistic3A_298 = arith.negf %slice3A_297 : vector<2000x64xf32>
    %logistic3A_299 = math.exp %logistic3A_298 : vector<2000x64xf32>
    %logistic3A_300 = arith.constant 1.000000e+00 : f32
    %logistic3A_301 = vector.broadcast %logistic3A_300 : f32 to vector<2000x64xf32>
    %logistic3A_302 = arith.addf %logistic3A_301, %logistic3A_299 : vector<2000x64xf32>
    %logistic3A_303 = arith.divf %logistic3A_301, %logistic3A_302 : vector<2000x64xf32>
    %slice3A_304 = vector.extract_strided_slice %add3A_296 {offsets = [0, 64], sizes = [2000, 64], strides = [1, 1]} : vector<2000x256xf32> to vector<2000x64xf32>
    %logistic3A_305 = arith.negf %slice3A_304 : vector<2000x64xf32>
    %logistic3A_306 = math.exp %logistic3A_305 : vector<2000x64xf32>
    %logistic3A_307 = arith.constant 1.000000e+00 : f32
    %logistic3A_308 = vector.broadcast %logistic3A_307 : f32 to vector<2000x64xf32>
    %logistic3A_309 = arith.addf %logistic3A_308, %logistic3A_306 : vector<2000x64xf32>
    %logistic3A_310 = arith.divf %logistic3A_308, %logistic3A_309 : vector<2000x64xf32>
    %slice3A_311 = vector.extract_strided_slice %add3A_296 {offsets = [0, 128], sizes = [2000, 64], strides = [1, 1]} : vector<2000x256xf32> to vector<2000x64xf32>
    %tanh3A_312 = math.tanh %slice3A_311 : vector<2000x64xf32>
    %slice3A_313 = vector.extract_strided_slice %add3A_296 {offsets = [0, 192], sizes = [2000, 64], strides = [1, 1]} : vector<2000x256xf32> to vector<2000x64xf32>
    %logistic3A_314 = arith.negf %slice3A_313 : vector<2000x64xf32>
    %logistic3A_315 = math.exp %logistic3A_314 : vector<2000x64xf32>
    %logistic3A_316 = arith.constant 1.000000e+00 : f32
    %logistic3A_317 = vector.broadcast %logistic3A_316 : f32 to vector<2000x64xf32>
    %logistic3A_318 = arith.addf %logistic3A_317, %logistic3A_315 : vector<2000x64xf32>
    %logistic3A_319 = arith.divf %logistic3A_317, %logistic3A_318 : vector<2000x64xf32>
    %mul3A_320 = arith.mulf %logistic3A_310, %add3A_276 : vector<2000x64xf32>
    %mul3A_321 = arith.mulf %logistic3A_303, %tanh3A_312 : vector<2000x64xf32>
    %add3A_322 = arith.addf %mul3A_320, %mul3A_321 : vector<2000x64xf32>
    %tanh3A_323 = math.tanh %add3A_322 : vector<2000x64xf32>
    %mul3A_324 = arith.mulf %logistic3A_319, %tanh3A_323 : vector<2000x64xf32>
    %get3A_325 = arith.constant 0 : index
    %get3A_326 = arith.constant 7 : index
    %get3A_327 = arith.constant 0 : index
    %get3A_328 = vector.load %arg1[%get3A_325, %get3A_326, %get3A_327] : memref<2000x8x128xf32, #tpu.memory_space<vmem>>, vector<2000x1x128xf32>
    %get3A_329 = vector.shape_cast %get3A_328 : vector<2000x1x128xf32> to vector<2000x128xf32>
    %get3A_330 = arith.constant 0 : index
    %get3A_331 = arith.constant 0 : index
    %get3A_332 = vector.load %arg2[%get3A_330, %get3A_331] : memref<128x256xf32, #tpu.memory_space<vmem>>, vector<128x256xf32>
    %dot_general3A_333 = arith.constant dense<0.000000e+00> : vector<2000x256xf32>
    %dot_general3A_334 = tpu.matmul %get3A_329, %get3A_332, %dot_general3A_333 {dimension_numbers = #tpu.dot_dimension_numbers<[1], [0], [0], [1], [0, 0, 1, 1], [], []>, transpose_lhs_hint = false} : vector<2000x128xf32>, vector<128x256xf32>, vector<2000x256xf32> -> vector<2000x256xf32>
    %get3A_335 = arith.constant 0 : index
    %get3A_336 = arith.constant 0 : index
    %get3A_337 = vector.load %arg3[%get3A_335, %get3A_336] : memref<64x256xf32, #tpu.memory_space<vmem>>, vector<64x256xf32>
    %dot_general3A_338 = arith.constant dense<0.000000e+00> : vector<2000x256xf32>
    %dot_general3A_339 = tpu.matmul %mul3A_324, %get3A_337, %dot_general3A_338 {dimension_numbers = #tpu.dot_dimension_numbers<[1], [0], [0], [1], [0, 0, 1, 1], [], []>, transpose_lhs_hint = false} : vector<2000x64xf32>, vector<64x256xf32>, vector<2000x256xf32> -> vector<2000x256xf32>
    %add3A_340 = arith.addf %dot_general3A_334, %dot_general3A_339 : vector<2000x256xf32>
    %add3A_341 = vector.broadcast %add3A : vector<1x256xf32> to vector<2000x256xf32>
    %add3A_342 = arith.addf %add3A_340, %add3A_341 : vector<2000x256xf32>
    %slice3A_343 = vector.extract_strided_slice %add3A_342 {offsets = [0, 0], sizes = [2000, 64], strides = [1, 1]} : vector<2000x256xf32> to vector<2000x64xf32>
    %logistic3A_344 = arith.negf %slice3A_343 : vector<2000x64xf32>
    %logistic3A_345 = math.exp %logistic3A_344 : vector<2000x64xf32>
    %logistic3A_346 = arith.constant 1.000000e+00 : f32
    %logistic3A_347 = vector.broadcast %logistic3A_346 : f32 to vector<2000x64xf32>
    %logistic3A_348 = arith.addf %logistic3A_347, %logistic3A_345 : vector<2000x64xf32>
    %logistic3A_349 = arith.divf %logistic3A_347, %logistic3A_348 : vector<2000x64xf32>
    %slice3A_350 = vector.extract_strided_slice %add3A_342 {offsets = [0, 64], sizes = [2000, 64], strides = [1, 1]} : vector<2000x256xf32> to vector<2000x64xf32>
    %logistic3A_351 = arith.negf %slice3A_350 : vector<2000x64xf32>
    %logistic3A_352 = math.exp %logistic3A_351 : vector<2000x64xf32>
    %logistic3A_353 = arith.constant 1.000000e+00 : f32
    %logistic3A_354 = vector.broadcast %logistic3A_353 : f32 to vector<2000x64xf32>
    %logistic3A_355 = arith.addf %logistic3A_354, %logistic3A_352 : vector<2000x64xf32>
    %logistic3A_356 = arith.divf %logistic3A_354, %logistic3A_355 : vector<2000x64xf32>
    %slice3A_357 = vector.extract_strided_slice %add3A_342 {offsets = [0, 128], sizes = [2000, 64], strides = [1, 1]} : vector<2000x256xf32> to vector<2000x64xf32>
    %tanh3A_358 = math.tanh %slice3A_357 : vector<2000x64xf32>
    %slice3A_359 = vector.extract_strided_slice %add3A_342 {offsets = [0, 192], sizes = [2000, 64], strides = [1, 1]} : vector<2000x256xf32> to vector<2000x64xf32>
    %logistic3A_360 = arith.negf %slice3A_359 : vector<2000x64xf32>
    %logistic3A_361 = math.exp %logistic3A_360 : vector<2000x64xf32>
    %logistic3A_362 = arith.constant 1.000000e+00 : f32
    %logistic3A_363 = vector.broadcast %logistic3A_362 : f32 to vector<2000x64xf32>
    %logistic3A_364 = arith.addf %logistic3A_363, %logistic3A_361 : vector<2000x64xf32>
    %logistic3A_365 = arith.divf %logistic3A_363, %logistic3A_364 : vector<2000x64xf32>
    %mul3A_366 = arith.mulf %logistic3A_356, %add3A_322 : vector<2000x64xf32>
    %mul3A_367 = arith.mulf %logistic3A_349, %tanh3A_358 : vector<2000x64xf32>
    %add3A_368 = arith.addf %mul3A_366, %mul3A_367 : vector<2000x64xf32>
    %tanh3A_369 = math.tanh %add3A_368 : vector<2000x64xf32>
    %mul3A_370 = arith.mulf %logistic3A_365, %tanh3A_369 : vector<2000x64xf32>
    %get3A_371 = arith.constant 0 : index
    %get3A_372 = arith.constant 0 : index
    %get3A_373 = arith.constant 0 : index
    %get3A_374 = vector.load %arg6[%get3A_371, %get3A_372, %get3A_373] : memref<1x2000x16xf32, #tpu.memory_space<vmem>>, vector<1x2000x1xf32>
    %get3A_375 = vector.shape_cast %get3A_374 : vector<1x2000x1xf32> to vector<2000x1xf32>
    %get3A_376 = arith.constant 0 : index
    %get3A_377 = arith.constant 0 : index
    %get3A_378 = arith.constant 0 : index
    %get3A_379 = vector.load %arg7[%get3A_376, %get3A_377, %get3A_378] : memref<1x2000x16xf32, #tpu.memory_space<vmem>>, vector<1x2000x1xf32>
    %get3A_380 = vector.shape_cast %get3A_379 : vector<1x2000x1xf32> to vector<2000x1xf32>
    %add3A_381 = arith.addf %get3A_375, %get3A_380 : vector<2000x1xf32>
    %add3A_382 = arith.constant 1.000000e+00 : f32
    %add3A_383 = vector.broadcast %add3A_382 : f32 to vector<2000x1xf32>
    %add3A_384 = arith.addf %add3A_381, %add3A_383 : vector<2000x1xf32>
    %rsqrt3A = math.rsqrt %add3A_384 : vector<2000x1xf32>
    %mul3A_385 = vector.broadcast %rsqrt3A : vector<2000x1xf32> to vector<2000x64xf32>
    %mul3A_386 = arith.mulf %mul3A_385, %mul3A_370 : vector<2000x64xf32>
    %get3A_387 = arith.constant 0 : index
    %get3A_388 = arith.constant 0 : index
    %get3A_389 = vector.load %arg8[%get3A_387, %get3A_388] : memref<64x64xf32, #tpu.memory_space<vmem>>, vector<64x64xf32>
    %dot_general3A_390 = arith.constant dense<0.000000e+00> : vector<2000x64xf32>
    %dot_general3A_391 = tpu.matmul %mul3A_386, %get3A_389, %dot_general3A_390 {dimension_numbers = #tpu.dot_dimension_numbers<[1], [0], [0], [1], [0, 0, 1, 1], [], []>, transpose_lhs_hint = false} : vector<2000x64xf32>, vector<64x64xf32>, vector<2000x64xf32> -> vector<2000x64xf32>
    %slice3A_392 = vector.extract_strided_slice %dot_general3A_391 {offsets = [0, 0], sizes = [2000, 32], strides = [1, 1]} : vector<2000x64xf32> to vector<2000x32xf32>
    %swap3A = arith.constant 0 : index
    %swap3A_393 = arith.constant 0 : index
    %swap3A_394 = arith.constant 0 : index
    %swap3A_395 = vector.load %arg9[%swap3A, %swap3A_393, %swap3A_394] : memref<2x2000x32xf32, #tpu.memory_space<vmem>>, vector<1x2000x32xf32>
    %swap3A_396 = vector.shape_cast %swap3A_395 : vector<1x2000x32xf32> to vector<2000x32xf32>
    %swap3A_397 = vector.shape_cast %slice3A_392 : vector<2000x32xf32> to vector<1x2000x32xf32>
    tpu.vector_store %arg9[%swap3A, %swap3A_393, %swap3A_394], %swap3A_397 {strides = array<i32>} : memref<2x2000x32xf32, #tpu.memory_space<vmem>>, vector<1x2000x32xf32>,
    %slice3A_398 = vector.extract_strided_slice %dot_general3A_391 {offsets = [0, 32], sizes = [2000, 32], strides = [1, 1]} : vector<2000x64xf32> to vector<2000x32xf32>
    %swap3A_399 = arith.constant 1 : index
    %swap3A_400 = arith.constant 0 : index
    %swap3A_401 = arith.constant 0 : index
    %swap3A_402 = vector.load %arg9[%swap3A_399, %swap3A_400, %swap3A_401] : memref<2x2000x32xf32, #tpu.memory_space<vmem>>, vector<1x2000x32xf32>
    %swap3A_403 = vector.shape_cast %swap3A_402 : vector<1x2000x32xf32> to vector<2000x32xf32>
    %swap3A_404 = vector.shape_cast %slice3A_398 : vector<2000x32xf32> to vector<1x2000x32xf32>
    tpu.vector_store %arg9[%swap3A_399, %swap3A_400, %swap3A_401], %swap3A_404 {strides = array<i32>} : memref<2x2000x32xf32, #tpu.memory_space<vmem>>, vector<1x2000x32xf32>,
    %broadcast_in_dim3A_405 = vector.shape_cast %rsqrt3A : vector<2000x1xf32> to vector<2000x1xf32>
    %broadcast_in_dim3A_406 = vector.broadcast %broadcast_in_dim3A_405 : vector<2000x1xf32> to vector<2000x16xf32>
    %swap3A_407 = arith.constant 0 : index
    %swap3A_408 = arith.constant 0 : index
    %swap3A_409 = vector.load %arg10[%swap3A_407, %swap3A_408] : memref<2000x16xf32, #tpu.memory_space<vmem>>, vector<2000x16xf32>
    tpu.vector_store %arg10[%swap3A_407, %swap3A_408], %broadcast_in_dim3A_406 {strides = array<i32>} : memref<2000x16xf32, #tpu.memory_space<vmem>>, vector<2000x16xf32>,
    return
  }
  func.func @transform_0(%arg0: i32) -> (i32, i32, i32) {
    %c0_i32 = arith.constant 0 : i32
    %c0_i32_0 = arith.constant 0 : i32
    %c0_i32_1 = arith.constant 0 : i32
    return %arg0, %c0_i32, %c0_i32_0 : i32, i32, i32
  }
  func.func @transform_1(%arg0: i32) -> (i32, i32) {
    %c0_i32 = arith.constant 0 : i32
    %c0_i32_0 = arith.constant 0 : i32
    %c0_i32_1 = arith.constant 0 : i32
    return %c0_i32, %c0_i32_0 : i32, i32
  }
  func.func @transform_2(%arg0: i32) -> (i32, i32) {
    %c0_i32 = arith.constant 0 : i32
    %c0_i32_0 = arith.constant 0 : i32
    %c0_i32_1 = arith.constant 0 : i32
    return %c0_i32, %c0_i32_0 : i32, i32
  }
  func.func @transform_3(%arg0: i32) -> (i32, i32) {
    %c0_i32 = arith.constant 0 : i32
    %c0_i32_0 = arith.constant 0 : i32
    %c0_i32_1 = arith.constant 0 : i32
    return %c0_i32, %c0_i32_0 : i32, i32
  }
  func.func @transform_4(%arg0: i32) -> (i32, i32) {
    %c0_i32 = arith.constant 0 : i32
    %c0_i32_0 = arith.constant 0 : i32
    %c0_i32_1 = arith.constant 0 : i32
    return %c0_i32, %c0_i32_0 : i32, i32
  }
  func.func @transform_5(%arg0: i32) -> (i32, i32, i32) {
    %c0_i32 = arith.constant 0 : i32
    %c0_i32_0 = arith.constant 0 : i32
    %c0_i32_1 = arith.constant 0 : i32
    return %c0_i32, %arg0, %c0_i32_0 : i32, i32, i32
  }
  func.func @transform_6(%arg0: i32) -> (i32, i32, i32) {
    %c1_i32 = arith.constant 1 : i32
    %c0_i32 = arith.constant 0 : i32
    %c0_i32_0 = arith.constant 0 : i32
    return %c1_i32, %arg0, %c0_i32 : i32, i32, i32
  }
  func.func @transform_7(%arg0: i32) -> (i32, i32) {
    %c0_i32 = arith.constant 0 : i32
    %c0_i32_0 = arith.constant 0 : i32
    %c0_i32_1 = arith.constant 0 : i32
    return %c0_i32, %c0_i32_0 : i32, i32
  }
  func.func @transform_8(%arg0: i32) -> (i32, i32, i32) {
    %c0_i32 = arith.constant 0 : i32
    %c0_i32_0 = arith.constant 0 : i32
    %c0_i32_1 = arith.constant 0 : i32
    return %c0_i32, %arg0, %c0_i32_0 : i32, i32, i32
  }
  func.func @transform_9(%arg0: i32) -> (i32, i32) {
    %c0_i32 = arith.constant 0 : i32
    %c0_i32_0 = arith.constant 0 : i32
    return %arg0, %c0_i32 : i32, i32
  }
}

module attributes {stable_mosaic.version = 14 : i64} {
  func.func @_comb1_body(%arg0: i32, %arg1: memref<1x2000x32xf32, #tpu.memory_space<vmem>>, %arg2: memref<1x2000x32xf32, #tpu.memory_space<vmem>>, %arg3: memref<1x2000x32xf32, #tpu.memory_space<vmem>>, %arg4: memref<1x2000x32xf32, #tpu.memory_space<vmem>>, %arg5: memref<2000x16xf32, #tpu.memory_space<vmem>>, %arg6: memref<1x64xf32, #tpu.memory_space<vmem>>, %arg7: memref<64x32xf32, #tpu.memory_space<vmem>>, %arg8: memref<2x2000x16xf32, #tpu.memory_space<vmem>>) attributes {dimension_semantics = [#tpu.dimension_semantics<arbitrary>], iteration_bounds = array<i64: 25>, scalar_prefetch = 0 : i64, scratch_operands = 0 : i64, tpu.core_type = #tpu.core_type<tc>, window_params = [{transform_indices = @transform_0, window_bounds = array<i64: 1, 2000, 32>}, {transform_indices = @transform_1, window_bounds = array<i64: 1, 2000, 32>}, {transform_indices = @transform_2, window_bounds = array<i64: 1, 2000, 32>}, {transform_indices = @transform_3, window_bounds = array<i64: 1, 2000, 32>}, {transform_indices = @transform_4, window_bounds = array<i64: 2000, 16>}, {pipeline_mode = #tpu.pipeline_mode<synchronous>, transform_indices = @transform_5, window_bounds = array<i64: 1, 64>}, {pipeline_mode = #tpu.pipeline_mode<synchronous>, transform_indices = @transform_6, window_bounds = array<i64: 64, 32>}, {transform_indices = @transform_7, window_bounds = array<i64: 2, 2000, 16>}]} {
    %get3A = arith.constant 0 : index
    %get3A_0 = arith.constant 0 : index
    %get3A_1 = vector.load %arg5[%get3A, %get3A_0] : memref<2000x16xf32, #tpu.memory_space<vmem>>, vector<2000x1xf32>
    %get3A_2 = arith.constant 0 : index
    %get3A_3 = arith.constant 0 : index
    %get3A_4 = arith.constant 0 : index
    %get3A_5 = vector.load %arg1[%get3A_2, %get3A_3, %get3A_4] : memref<1x2000x32xf32, #tpu.memory_space<vmem>>, vector<1x2000x32xf32>
    %get3A_6 = vector.shape_cast %get3A_5 : vector<1x2000x32xf32> to vector<2000x32xf32>
    %get3A_7 = arith.constant 0 : index
    %get3A_8 = arith.constant 0 : index
    %get3A_9 = arith.constant 0 : index
    %get3A_10 = vector.load %arg3[%get3A_7, %get3A_8, %get3A_9] : memref<1x2000x32xf32, #tpu.memory_space<vmem>>, vector<1x2000x32xf32>
    %get3A_11 = vector.shape_cast %get3A_10 : vector<1x2000x32xf32> to vector<2000x32xf32>
    %add3A = arith.addf %get3A_6, %get3A_11 : vector<2000x32xf32>
    %mul3A = vector.broadcast %get3A_1 : vector<2000x1xf32> to vector<2000x32xf32>
    %mul3A_12 = arith.mulf %mul3A, %add3A : vector<2000x32xf32>
    %get3A_13 = arith.constant 0 : index
    %get3A_14 = arith.constant 0 : index
    %get3A_15 = vector.load %arg6[%get3A_13, %get3A_14] : memref<1x64xf32, #tpu.memory_space<vmem>>, vector<1x32xf32>
    %add3A_16 = vector.broadcast %get3A_15 : vector<1x32xf32> to vector<2000x32xf32>
    %add3A_17 = arith.addf %mul3A_12, %add3A_16 : vector<2000x32xf32>
    %max3A = arith.constant 0.000000e+00 : f32
    %max3A_18 = vector.broadcast %max3A : f32 to vector<2000x32xf32>
    %max3A_19 = arith.maximumf %add3A_17, %max3A_18 : vector<2000x32xf32>
    %get3A_20 = arith.constant 0 : index
    %get3A_21 = arith.constant 0 : index
    %get3A_22 = arith.constant 0 : index
    %get3A_23 = vector.load %arg2[%get3A_20, %get3A_21, %get3A_22] : memref<1x2000x32xf32, #tpu.memory_space<vmem>>, vector<1x2000x32xf32>
    %get3A_24 = vector.shape_cast %get3A_23 : vector<1x2000x32xf32> to vector<2000x32xf32>
    %get3A_25 = arith.constant 0 : index
    %get3A_26 = arith.constant 0 : index
    %get3A_27 = arith.constant 0 : index
    %get3A_28 = vector.load %arg4[%get3A_25, %get3A_26, %get3A_27] : memref<1x2000x32xf32, #tpu.memory_space<vmem>>, vector<1x2000x32xf32>
    %get3A_29 = vector.shape_cast %get3A_28 : vector<1x2000x32xf32> to vector<2000x32xf32>
    %add3A_30 = arith.addf %get3A_24, %get3A_29 : vector<2000x32xf32>
    %mul3A_31 = vector.broadcast %get3A_1 : vector<2000x1xf32> to vector<2000x32xf32>
    %mul3A_32 = arith.mulf %mul3A_31, %add3A_30 : vector<2000x32xf32>
    %get3A_33 = arith.constant 0 : index
    %get3A_34 = arith.constant 32 : index
    %get3A_35 = vector.load %arg6[%get3A_33, %get3A_34] : memref<1x64xf32, #tpu.memory_space<vmem>>, vector<1x32xf32>
    %add3A_36 = vector.broadcast %get3A_35 : vector<1x32xf32> to vector<2000x32xf32>
    %add3A_37 = arith.addf %mul3A_32, %add3A_36 : vector<2000x32xf32>
    %max3A_38 = arith.constant 0.000000e+00 : f32
    %max3A_39 = vector.broadcast %max3A_38 : f32 to vector<2000x32xf32>
    %max3A_40 = arith.maximumf %add3A_37, %max3A_39 : vector<2000x32xf32>
    %concatenate3A = tpu.concatenate %max3A_19, %max3A_40 in 1 : vector<2000x32xf32>, vector<2000x32xf32> -> vector<2000x64xf32>
    %mul3A_41 = vector.broadcast %get3A_1 : vector<2000x1xf32> to vector<2000x64xf32>
    %mul3A_42 = arith.mulf %mul3A_41, %concatenate3A : vector<2000x64xf32>
    %get3A_43 = arith.constant 0 : index
    %get3A_44 = arith.constant 0 : index
    %get3A_45 = vector.load %arg7[%get3A_43, %get3A_44] : memref<64x32xf32, #tpu.memory_space<vmem>>, vector<64x32xf32>
    %dot_general3A = arith.constant dense<0.000000e+00> : vector<2000x32xf32>
    %dot_general3A_46 = tpu.matmul %mul3A_42, %get3A_45, %dot_general3A {dimension_numbers = #tpu.dot_dimension_numbers<[1], [0], [0], [1], [0, 0, 1, 1], [], []>, transpose_lhs_hint = false} : vector<2000x64xf32>, vector<64x32xf32>, vector<2000x32xf32> -> vector<2000x32xf32>
    %slice3A = vector.extract_strided_slice %dot_general3A_46 {offsets = [0, 0], sizes = [2000, 16], strides = [1, 1]} : vector<2000x32xf32> to vector<2000x16xf32>
    %swap3A = arith.constant 0 : index
    %swap3A_47 = arith.constant 0 : index
    %swap3A_48 = arith.constant 0 : index
    %swap3A_49 = vector.load %arg8[%swap3A, %swap3A_47, %swap3A_48] : memref<2x2000x16xf32, #tpu.memory_space<vmem>>, vector<1x2000x16xf32>
    %swap3A_50 = vector.shape_cast %swap3A_49 : vector<1x2000x16xf32> to vector<2000x16xf32>
    %swap3A_51 = vector.shape_cast %slice3A : vector<2000x16xf32> to vector<1x2000x16xf32>
    tpu.vector_store %arg8[%swap3A, %swap3A_47, %swap3A_48], %swap3A_51 {strides = array<i32>} : memref<2x2000x16xf32, #tpu.memory_space<vmem>>, vector<1x2000x16xf32>,
    %slice3A_52 = vector.extract_strided_slice %dot_general3A_46 {offsets = [0, 16], sizes = [2000, 16], strides = [1, 1]} : vector<2000x32xf32> to vector<2000x16xf32>
    %swap3A_53 = arith.constant 1 : index
    %swap3A_54 = arith.constant 0 : index
    %swap3A_55 = arith.constant 0 : index
    %swap3A_56 = vector.load %arg8[%swap3A_53, %swap3A_54, %swap3A_55] : memref<2x2000x16xf32, #tpu.memory_space<vmem>>, vector<1x2000x16xf32>
    %swap3A_57 = vector.shape_cast %swap3A_56 : vector<1x2000x16xf32> to vector<2000x16xf32>
    %swap3A_58 = vector.shape_cast %slice3A_52 : vector<2000x16xf32> to vector<1x2000x16xf32>
    tpu.vector_store %arg8[%swap3A_53, %swap3A_54, %swap3A_55], %swap3A_58 {strides = array<i32>} : memref<2x2000x16xf32, #tpu.memory_space<vmem>>, vector<1x2000x16xf32>,
    return
  }
  func.func @transform_0(%arg0: i32) -> (i32, i32, i32) {
    %c0_i32 = arith.constant 0 : i32
    %c0_i32_0 = arith.constant 0 : i32
    %c0_i32_1 = arith.constant 0 : i32
    return %c0_i32, %arg0, %c0_i32_0 : i32, i32, i32
  }
  func.func @transform_1(%arg0: i32) -> (i32, i32, i32) {
    %c1_i32 = arith.constant 1 : i32
    %c0_i32 = arith.constant 0 : i32
    %c0_i32_0 = arith.constant 0 : i32
    return %c1_i32, %arg0, %c0_i32 : i32, i32, i32
  }
  func.func @transform_2(%arg0: i32) -> (i32, i32, i32) {
    %c0_i32 = arith.constant 0 : i32
    %c0_i32_0 = arith.constant 0 : i32
    %c0_i32_1 = arith.constant 0 : i32
    return %c0_i32, %arg0, %c0_i32_0 : i32, i32, i32
  }
  func.func @transform_3(%arg0: i32) -> (i32, i32, i32) {
    %c1_i32 = arith.constant 1 : i32
    %c0_i32 = arith.constant 0 : i32
    %c0_i32_0 = arith.constant 0 : i32
    return %c1_i32, %arg0, %c0_i32 : i32, i32, i32
  }
  func.func @transform_4(%arg0: i32) -> (i32, i32) {
    %c0_i32 = arith.constant 0 : i32
    %c0_i32_0 = arith.constant 0 : i32
    return %arg0, %c0_i32 : i32, i32
  }
  func.func @transform_5(%arg0: i32) -> (i32, i32) {
    %c0_i32 = arith.constant 0 : i32
    %c0_i32_0 = arith.constant 0 : i32
    %c0_i32_1 = arith.constant 0 : i32
    return %c0_i32, %c0_i32_0 : i32, i32
  }
  func.func @transform_6(%arg0: i32) -> (i32, i32) {
    %c0_i32 = arith.constant 0 : i32
    %c0_i32_0 = arith.constant 0 : i32
    %c0_i32_1 = arith.constant 0 : i32
    return %c0_i32, %c0_i32_0 : i32, i32
  }
  func.func @transform_7(%arg0: i32) -> (i32, i32, i32) {
    %c0_i32 = arith.constant 0 : i32
    %c0_i32_0 = arith.constant 0 : i32
    %c0_i32_1 = arith.constant 0 : i32
    return %c0_i32, %arg0, %c0_i32_0 : i32, i32, i32
  }
}

module attributes {stable_mosaic.version = 14 : i64} {
  func.func @_comb2_body(%arg0: i32, %arg1: memref<1x2000x16xf32, #tpu.memory_space<vmem>>, %arg2: memref<1x2000x16xf32, #tpu.memory_space<vmem>>, %arg3: memref<1x2000x16xf32, #tpu.memory_space<vmem>>, %arg4: memref<1x2000x16xf32, #tpu.memory_space<vmem>>, %arg5: memref<2000x16xf32, #tpu.memory_space<vmem>>, %arg6: memref<1x32xf32, #tpu.memory_space<vmem>>, %arg7: memref<32x2xf32, #tpu.memory_space<vmem>>, %arg8: memref<1x2xf32, #tpu.memory_space<vmem>>, %arg9: memref<2000x2xf32, #tpu.memory_space<vmem>>) attributes {dimension_semantics = [#tpu.dimension_semantics<arbitrary>], iteration_bounds = array<i64: 25>, scalar_prefetch = 0 : i64, scratch_operands = 0 : i64, tpu.core_type = #tpu.core_type<tc>, window_params = [{transform_indices = @transform_0, window_bounds = array<i64: 1, 2000, 16>}, {transform_indices = @transform_1, window_bounds = array<i64: 1, 2000, 16>}, {transform_indices = @transform_2, window_bounds = array<i64: 1, 2000, 16>}, {transform_indices = @transform_3, window_bounds = array<i64: 1, 2000, 16>}, {transform_indices = @transform_4, window_bounds = array<i64: 2000, 16>}, {pipeline_mode = #tpu.pipeline_mode<synchronous>, transform_indices = @transform_5, window_bounds = array<i64: 1, 32>}, {pipeline_mode = #tpu.pipeline_mode<synchronous>, transform_indices = @transform_6, window_bounds = array<i64: 32, 2>}, {pipeline_mode = #tpu.pipeline_mode<synchronous>, transform_indices = @transform_7, window_bounds = array<i64: 1, 2>}, {transform_indices = @transform_8, window_bounds = array<i64: 2000, 2>}]} {
    %get3A = arith.constant 0 : index
    %get3A_0 = arith.constant 0 : index
    %get3A_1 = vector.load %arg5[%get3A, %get3A_0] : memref<2000x16xf32, #tpu.memory_space<vmem>>, vector<2000x1xf32>
    %get3A_2 = arith.constant 0 : index
    %get3A_3 = arith.constant 0 : index
    %get3A_4 = arith.constant 0 : index
    %get3A_5 = vector.load %arg1[%get3A_2, %get3A_3, %get3A_4] : memref<1x2000x16xf32, #tpu.memory_space<vmem>>, vector<1x2000x16xf32>
    %get3A_6 = vector.shape_cast %get3A_5 : vector<1x2000x16xf32> to vector<2000x16xf32>
    %get3A_7 = arith.constant 0 : index
    %get3A_8 = arith.constant 0 : index
    %get3A_9 = arith.constant 0 : index
    %get3A_10 = vector.load %arg3[%get3A_7, %get3A_8, %get3A_9] : memref<1x2000x16xf32, #tpu.memory_space<vmem>>, vector<1x2000x16xf32>
    %get3A_11 = vector.shape_cast %get3A_10 : vector<1x2000x16xf32> to vector<2000x16xf32>
    %add3A = arith.addf %get3A_6, %get3A_11 : vector<2000x16xf32>
    %mul3A = vector.broadcast %get3A_1 : vector<2000x1xf32> to vector<2000x16xf32>
    %mul3A_12 = arith.mulf %mul3A, %add3A : vector<2000x16xf32>
    %get3A_13 = arith.constant 0 : index
    %get3A_14 = arith.constant 0 : index
    %get3A_15 = vector.load %arg6[%get3A_13, %get3A_14] : memref<1x32xf32, #tpu.memory_space<vmem>>, vector<1x16xf32>
    %add3A_16 = vector.broadcast %get3A_15 : vector<1x16xf32> to vector<2000x16xf32>
    %add3A_17 = arith.addf %mul3A_12, %add3A_16 : vector<2000x16xf32>
    %max3A = arith.constant 0.000000e+00 : f32
    %max3A_18 = vector.broadcast %max3A : f32 to vector<2000x16xf32>
    %max3A_19 = arith.maximumf %add3A_17, %max3A_18 : vector<2000x16xf32>
    %get3A_20 = arith.constant 0 : index
    %get3A_21 = arith.constant 0 : index
    %get3A_22 = arith.constant 0 : index
    %get3A_23 = vector.load %arg2[%get3A_20, %get3A_21, %get3A_22] : memref<1x2000x16xf32, #tpu.memory_space<vmem>>, vector<1x2000x16xf32>
    %get3A_24 = vector.shape_cast %get3A_23 : vector<1x2000x16xf32> to vector<2000x16xf32>
    %get3A_25 = arith.constant 0 : index
    %get3A_26 = arith.constant 0 : index
    %get3A_27 = arith.constant 0 : index
    %get3A_28 = vector.load %arg4[%get3A_25, %get3A_26, %get3A_27] : memref<1x2000x16xf32, #tpu.memory_space<vmem>>, vector<1x2000x16xf32>
    %get3A_29 = vector.shape_cast %get3A_28 : vector<1x2000x16xf32> to vector<2000x16xf32>
    %add3A_30 = arith.addf %get3A_24, %get3A_29 : vector<2000x16xf32>
    %mul3A_31 = vector.broadcast %get3A_1 : vector<2000x1xf32> to vector<2000x16xf32>
    %mul3A_32 = arith.mulf %mul3A_31, %add3A_30 : vector<2000x16xf32>
    %get3A_33 = arith.constant 0 : index
    %get3A_34 = arith.constant 16 : index
    %get3A_35 = vector.load %arg6[%get3A_33, %get3A_34] : memref<1x32xf32, #tpu.memory_space<vmem>>, vector<1x16xf32>
    %add3A_36 = vector.broadcast %get3A_35 : vector<1x16xf32> to vector<2000x16xf32>
    %add3A_37 = arith.addf %mul3A_32, %add3A_36 : vector<2000x16xf32>
    %max3A_38 = arith.constant 0.000000e+00 : f32
    %max3A_39 = vector.broadcast %max3A_38 : f32 to vector<2000x16xf32>
    %max3A_40 = arith.maximumf %add3A_37, %max3A_39 : vector<2000x16xf32>
    %concatenate3A = tpu.concatenate %max3A_19, %max3A_40 in 1 : vector<2000x16xf32>, vector<2000x16xf32> -> vector<2000x32xf32>
    %get3A_41 = arith.constant 0 : index
    %get3A_42 = arith.constant 0 : index
    %get3A_43 = vector.load %arg7[%get3A_41, %get3A_42] : memref<32x2xf32, #tpu.memory_space<vmem>>, vector<32x2xf32>
    %dot_general3A = arith.constant dense<0.000000e+00> : vector<2000x2xf32>
    %dot_general3A_44 = tpu.matmul %concatenate3A, %get3A_43, %dot_general3A {dimension_numbers = #tpu.dot_dimension_numbers<[1], [0], [0], [1], [0, 0, 1, 1], [], []>, transpose_lhs_hint = false} : vector<2000x32xf32>, vector<32x2xf32>, vector<2000x2xf32> -> vector<2000x2xf32>
    %get3A_45 = arith.constant 0 : index
    %get3A_46 = arith.constant 0 : index
    %get3A_47 = vector.load %arg8[%get3A_45, %get3A_46] : memref<1x2xf32, #tpu.memory_space<vmem>>, vector<1x2xf32>
    %add3A_48 = vector.broadcast %get3A_47 : vector<1x2xf32> to vector<2000x2xf32>
    %add3A_49 = arith.addf %dot_general3A_44, %add3A_48 : vector<2000x2xf32>
    %reduce_max3A = arith.constant dense<0xFF800000> : vector<2000xf32>
    %reduce_max3A_50 = vector.multi_reduction <maximumf>, %add3A_49, %reduce_max3A [1] : vector<2000x2xf32> to vector<2000xf32>
    %broadcast_in_dim3A = vector.shape_cast %reduce_max3A_50 : vector<2000xf32> to vector<2000x1xf32>
    %sub3A = vector.broadcast %broadcast_in_dim3A : vector<2000x1xf32> to vector<2000x2xf32>
    %sub3A_51 = arith.subf %add3A_49, %sub3A : vector<2000x2xf32>
    %exp3A = math.exp %sub3A_51 : vector<2000x2xf32>
    %reduce_sum3A = arith.constant dense<0.000000e+00> : vector<2000xf32>
    %reduce_sum3A_52 = vector.multi_reduction <add>, %exp3A, %reduce_sum3A [1] : vector<2000x2xf32> to vector<2000xf32>
    %broadcast_in_dim3A_53 = vector.shape_cast %reduce_sum3A_52 : vector<2000xf32> to vector<2000x1xf32>
    %div3A = vector.broadcast %broadcast_in_dim3A_53 : vector<2000x1xf32> to vector<2000x2xf32>
    %div3A_54 = arith.divf %exp3A, %div3A : vector<2000x2xf32>
    %swap3A = arith.constant 0 : index
    %swap3A_55 = arith.constant 0 : index
    %swap3A_56 = vector.load %arg9[%swap3A, %swap3A_55] : memref<2000x2xf32, #tpu.memory_space<vmem>>, vector<2000x2xf32>
    tpu.vector_store %arg9[%swap3A, %swap3A_55], %div3A_54 {strides = array<i32>} : memref<2000x2xf32, #tpu.memory_space<vmem>>, vector<2000x2xf32>,
    return
  }
  func.func @transform_0(%arg0: i32) -> (i32, i32, i32) {
    %c0_i32 = arith.constant 0 : i32
    %c0_i32_0 = arith.constant 0 : i32
    %c0_i32_1 = arith.constant 0 : i32
    return %c0_i32, %arg0, %c0_i32_0 : i32, i32, i32
  }
  func.func @transform_1(%arg0: i32) -> (i32, i32, i32) {
    %c1_i32 = arith.constant 1 : i32
    %c0_i32 = arith.constant 0 : i32
    %c0_i32_0 = arith.constant 0 : i32
    return %c1_i32, %arg0, %c0_i32 : i32, i32, i32
  }
  func.func @transform_2(%arg0: i32) -> (i32, i32, i32) {
    %c0_i32 = arith.constant 0 : i32
    %c0_i32_0 = arith.constant 0 : i32
    %c0_i32_1 = arith.constant 0 : i32
    return %c0_i32, %arg0, %c0_i32_0 : i32, i32, i32
  }
  func.func @transform_3(%arg0: i32) -> (i32, i32, i32) {
    %c1_i32 = arith.constant 1 : i32
    %c0_i32 = arith.constant 0 : i32
    %c0_i32_0 = arith.constant 0 : i32
    return %c1_i32, %arg0, %c0_i32 : i32, i32, i32
  }
  func.func @transform_4(%arg0: i32) -> (i32, i32) {
    %c0_i32 = arith.constant 0 : i32
    %c0_i32_0 = arith.constant 0 : i32
    return %arg0, %c0_i32 : i32, i32
  }
  func.func @transform_5(%arg0: i32) -> (i32, i32) {
    %c0_i32 = arith.constant 0 : i32
    %c0_i32_0 = arith.constant 0 : i32
    %c0_i32_1 = arith.constant 0 : i32
    return %c0_i32, %c0_i32_0 : i32, i32
  }
  func.func @transform_6(%arg0: i32) -> (i32, i32) {
    %c0_i32 = arith.constant 0 : i32
    %c0_i32_0 = arith.constant 0 : i32
    %c0_i32_1 = arith.constant 0 : i32
    return %c0_i32, %c0_i32_0 : i32, i32
  }
  func.func @transform_7(%arg0: i32) -> (i32, i32) {
    %c0_i32 = arith.constant 0 : i32
    %c0_i32_0 = arith.constant 0 : i32
    %c0_i32_1 = arith.constant 0 : i32
    return %c0_i32, %c0_i32_0 : i32, i32
  }
  func.func @transform_8(%arg0: i32) -> (i32, i32) {
    %c0_i32 = arith.constant 0 : i32
    %c0_i32_0 = arith.constant 0 : i32
    return %arg0, %c0_i32 : i32, i32
  }
}

</mosaic_0001>

<sc_bundles>
// kernel: kernel.11.cloned.1.call-start
scs
__scs_entry_jumppad:
0x0: {  	(pc) =	sbr.rel $0x88, $3  }
0x1: {  	(tag) =	ssettag $0x0;
	lr =	simm.s32 $0x1  }
0x2: {  	[smem:$0x3F95] =	sst lr;
	_ =	strace $0xD0000000  }
0x3: {  	_ = 	snop  }
0x4: {  	_ = 	snop  }
0x5: {  	_ = 	snop  }
0x6: {  	_ = 	snop  }
0x7: {  	_ = 	snop  }
__scs_overlays_trampoline_lowered:
0x8: {  	[smem:$0x3FA4] =	sst s0  }
0x9: {  	[smem:$0x3FA5] =	sst s1  }
0xa: {  	[smem:$0x3FA6] =	sst s2  }
0xb: {  	[smem:$0x3FA7] =	sst s3  }
0xc: {  	[smem:$0x3FA8] =	sst s4  }
0xd: {  	[smem:$0x3FA9] =	sst s5  }
0xe: {  	[smem:$0x3FAA] =	sst s6  }
0xf: {  	[smem:$0x3FAB] =	sst s7  }
0x10: {  	[smem:$0x3FAC] =	sst s8  }
0x11: {  	[smem:$0x3FAD] =	sst s9;
	s0 =	simm.s32 @!p0 $0x0  }
0x12: {  	s1 =	sld [smem:$0x3F93];
	s0 =	simm.s32 @p0 $0x1  }
0x13: {  	[smem:$0x3FAE] =	sst s0;
	s0 =	simm.s32 @!p1 $0x0  }
0x14: {  	s2 =	sld [smem:$0x3F92];
	s0 =	simm.s32 @p1 $0x1  }
0x15: {  	[smem:$0x3FAF] =	sst s0;
	s0 =	simm.s32 @!p2 $0x0  }
0x16: {  	s3 =	sld [smem:$0x3FDB];
	s0 =	simm.s32 @p2 $0x1  }
0x17: {  	s4 =	simm.s32 $0x1BF5;
	[smem:$0x3FB1] =	sst s0  }
0x18: {  	s0 =	sld [smem:$0x3F94];
	_ =	swait.ge [sflag:s4], $0x0  }
0x19: {  	s7 =	sld [smem:$0x3F95]  }
0x1a: {  	s8 =	sadd.s32 $0xFFFFE003, lr  }
0x1b: {  	s9 =	sadd.s32 $0xFFFFFEF7, lr;
	s5 =	simm.s32 $0xFFFFFFFF;
	p2 =	slt.u32 s8, $0xFFFFF086  }
0x1c: {  	p1 =	slt.u32 s9, $0xF7A;
	s5 =	simm.s32 @!p2 $0x0  }
0x1d: {  	s5 =	simm.s32 @p1 $0x1;
	p0 =	seq.s32 s7, s2  }
0x1e: {  	s7 =	smul.u32 @!p0 $0xF7A, s2;
	p2 =	seq.s32 @!p0 s5, $0x0  }
0x1f: {  	s9 =	smul.u32 $0xF7A, s1;
	s8 =	simm.s32 @!p0 $0x1BF5;
	p2 =	por !p2, p0  }
0x20: {  	[sflag:s8] =	ssyncset.s32 @!p0 $0xFFFFF086;
	s6 =	sadd.s32 @!p0 s3, s7;
	s7 =	simm.s32 @!p0 $0x108  }
0x21: {  	s3 =	sadd.s32 s3, s9;
	s6 =	sadd.s32 @!p0 $0x88, s6;
	s7 =	simm.s32 @p2 $0x1082  }
0x22: {  	[simem:s7], [sflag:s8] =	dma.local @!p0 [hbm:s6], $0xF7A  }
0x23: {  	s9 =	sor.u32 $0xD0000000, s2;
	s6 =	simm.s32 $0x108;
	_ =	swait.ge @!p0 [sflag:s8], $0x0  }
0x24: {  	s3 =	sadd.s32 $0x88, s3;
	s6 =	simm.s32 @!p1 $0x1082;
	[sflag:s4] =	ssyncset.s32 $0xFFFFF086  }
0x25: {  	[simem:s6], [sflag:s4] =	dma.local [hbm:s3], $0xF7A  }
0x26: {  	[smem:$0x3F95] =	sst s1;
	(tag) =	ssettag s2;
	_ =	strace s9  }
0x27: {  	s1 =	sld [smem:$0x3FA5]  }
0x28: {  	s2 =	sld [smem:$0x3FA6]  }
0x29: {  	s4 =	sld [smem:$0x3FA8]  }
0x2a: {  	p0 =	seq.s32 s5, $0x0;
	s5 =	sld [smem:$0x3FA9]  }
0x2b: {  	s6 =	sld [smem:$0x3FAA]  }
0x2c: {  	s7 =	sld [smem:$0x3FAB]  }
0x2d: {  	s3 =	simm.s32 $0x108;
	s8 =	sld [smem:$0x3FAC]  }
0x2e: {  	s3 =	simm.s32 @!p0 $0x1082;
	s9 =	sld [smem:$0x3FAD]  }
0x2f: {  	lr =	sadd.s32 s0, s3;
	s0 =	sld [smem:$0x3FA4]  }
0x30: {  	s3 =	sld [smem:$0x3FA7]  }
0x31: {  	[smem:$0x3FB0] =	sst s10  }
0x32: {  	s10 =	sld [smem:$0x3FAE];
	_ =	sdelay $0x3  }
0x33: {  	p0 =	seq.s32 s10, $0x1;
	s10 =	sld [smem:$0x3FB0];
	_ =	sdelay $0x3  }
0x34: {  	[smem:$0x3FB0] =	sst s10  }
0x35: {  	s10 =	sld [smem:$0x3FAF];
	_ =	sdelay $0x3  }
0x36: {  	p1 =	seq.s32 s10, $0x1;
	s10 =	sld [smem:$0x3FB0];
	_ =	sdelay $0x3  }
0x37: {  	[smem:$0x3FB0] =	sst s10  }
0x38: {  	s10 =	sld [smem:$0x3FB1]  }
0x39: {  	_ = 	snop;
	(pc) =	sbr.ind lr, $3  }
0x3a: {  	_ = 	snop  }
0x3b: {  	_ = 	snop  }
0x3c: {  	p2 =	seq.s32 s10, $0x1;
	s10 =	sld [smem:$0x3FB0]  }
0x3d: {  	_ =	shalt  }
0x3e: {  	_ =	shalt  }
0x3f: {  	_ =	shalt  }
0x40: {  	_ =	shalt  }
0x41: {  	_ =	shalt  }
0x42: {  	_ =	shalt  }
0x43: {  	_ =	shalt  }
0x44: {  	_ =	shalt  }
0x45: {  	_ =	shalt  }
0x46: {  	_ =	shalt  }
0x47: {  	_ =	shalt  }
0x48: {  	_ =	shalt  }
0x49: {  	_ =	shalt  }
0x4a: {  	_ =	shalt  }
0x4b: {  	_ =	shalt  }
0x4c: {  	_ =	shalt  }
0x4d: {  	_ =	shalt  }
0x4e: {  	_ =	shalt  }
0x4f: {  	_ =	shalt  }
0x50: {  	_ =	shalt  }
0x51: {  	_ =	shalt  }
0x52: {  	_ =	shalt  }
0x53: {  	_ =	shalt  }
0x54: {  	_ =	shalt  }
0x55: {  	_ =	shalt  }
0x56: {  	_ =	shalt  }
0x57: {  	_ =	shalt  }
0x58: {  	_ =	shalt  }
0x59: {  	_ =	shalt  }
0x5a: {  	_ =	shalt  }
0x5b: {  	_ =	shalt  }
0x5c: {  	_ =	shalt  }
0x5d: {  	_ =	shalt  }
0x5e: {  	_ =	shalt  }
0x5f: {  	_ =	shalt  }
0x60: {  	_ =	shalt  }
0x61: {  	_ =	shalt  }
0x62: {  	_ =	shalt  }
0x63: {  	_ =	shalt  }
0x64: {  	_ =	shalt  }
0x65: {  	_ =	shalt  }
0x66: {  	_ =	shalt  }
0x67: {  	_ =	shalt  }
0x68: {  	_ =	shalt  }
0x69: {  	_ =	shalt  }
0x6a: {  	_ =	shalt  }
0x6b: {  	_ =	shalt  }
0x6c: {  	_ =	shalt  }
0x6d: {  	_ =	shalt  }
0x6e: {  	_ =	shalt  }
0x6f: {  	_ =	shalt  }
0x70: {  	_ =	shalt  }
0x71: {  	_ =	shalt  }
0x72: {  	_ =	shalt  }
0x73: {  	_ =	shalt  }
0x74: {  	_ =	shalt  }
0x75: {  	_ =	shalt  }
0x76: {  	_ =	shalt  }
0x77: {  	_ =	shalt  }
0x78: {  	_ =	shalt  }
0x79: {  	_ =	shalt  }
0x7a: {  	_ =	shalt  }
0x7b: {  	_ =	shalt  }
0x7c: {  	_ =	shalt  }
0x7d: {  	_ =	shalt  }
0x7e: {  	_ =	shalt  }
0x7f: {  	_ =	shalt  }
0x80: {  	_ =	shalt  }
0x81: {  	_ =	shalt  }
0x82: {  	_ =	shalt  }
0x83: {  	_ =	shalt  }
0x84: {  	_ =	shalt  }
0x85: {  	_ =	shalt  }
0x86: {  	_ =	shalt  }
0x87: {  	_ =	shalt  }
.Lfunc_end0:
.L_simem_size_0:
called_computation.1_lowered:
.L_overlay_start_0:
0x88: {  	s2 =	sld [smem:$0x3FD9]  }
0x89: {  	s3 =	sld [smem:$0x3FFE];
	_ =	sdelay $0x1  }
0x8a: {  	s1 =	srdreg.scid  }
0x8b: {  	s0 =	sand.u32 $0x1, s1  }
0x8c: {  	s16 =	sshll.u32 s0, $0xA;
	s2 =	sadd.s32 s3, s2  }
0x8d: {  	s2 =	sadd.s32 s2, s16  }
0x8e: {  	[smem:$0x3FBC] =	sst s2  }
0x8f: {  	_ = 	snop  }
0x90: {  	(tm) =	ssettm $0x1  }
0x91: {  	s17 =	sld [smem:$0x3FFB];
	_ =	sdelay $0x3  }
0x92: {  	_ =	strace s17  }
0x93: {  	s2 =	sld [smem:$0x3FFC];
	_ =	sdelay $0x3  }
0x94: {  	_ =	strace s2  }
0x95: {  	s2 =	sld [smem:$0x3FFD];
	_ =	sdelay $0x3  }
0x96: {  	_ =	strace s2  }
0x97: {  	_ =	strace $0x8FFFFFFF  }
0x98: {  	s18 =	sld [smem:$0x3FDB];
	_ =	sdelay $0x1  }
0x99: {  	s19 =	simm.s32 $_scs_section_size  }
0x9a: {  	s4 =	simm.s32 $_size__tile_overlayer_lowered;
	s5 =	simm.s32 $_tile_overlayer_lowered  }
0x9b: {  	s22 =	simm.s32 $0x1BFF;
	s21 =	sshll.u32 s5, $0x1;
	s2 =	sadd.s32 s19, s18  }
0x9c: {  	s6 =	simm.s32 $0x0;
	s20 =	sshll.u32 s4, $0x1;
	s4 =	sadd.s32 s21, s2  }
0x9d: {  	[timem:s6], [sflag:s22] =	dma.local [hbm:s4], s20  }
0x9e: {  	_ =	swait.ge [sflag:s22], s20  }
0x9f: {  	s3 =	ssub.s32 $0x0, s20;
	[sflag:s22] =	ssyncset.done $0x0  }
0xa0: {  	[sflag:s22] =	ssyncadd.s32 s3;
	_ =	sdelay $0x1  }
0xa1: {  	s23 =	simm.s32 $0x1B8B  }
0xa2: {  	_ =	swait.ge [sflag:s23], $0x1  }
0xa3: {  	[sflag:s23] =	ssyncset.done $0x0  }
0xa4: {  	s25 =	simm.s32 $0x1B8E;
	s24 =	sld [smem:$0x3FFE];
	[sflag:s23] =	ssyncadd.s32 $0xFFFFFFFF  }
0xa5: {  	s26 =	simm.s32 $execute0_lowered;
	[smem:$0x3FD2] =	sst s25  }
0xa6: {  	s4 =	sshll.u32 s26, $0x1;
	_ =	strace $0x80000049;
	[dreg:$0x1] =	wrdreg $0xFFFFFFFF  }
0xa7: {  	s28 =	simm.s32 $_size_execute0_lowered;
	s2 =	sadd.s32 s2, s4;
	[dreg:$0x0] =	wrdreg $0x0  }
0xa8: {  	s4 =	sshll.u32 s28, $0x1;
	[dreg:$0x2] =	wrdreg s2  }
0xa9: {  	[dreg:$0x3] =	wrdreg s4  }
0xaa: {  	[dreg:$0x4] =	wrdreg $0xC0  }
0xab: {  	_ =	task [dreg:s6], $0x5FFFF  }
0xac: {  	[dreg:$0x1] =	wrdreg $0xFFFFFFFF  }
0xad: {  	[dreg:$0x0] =	wrdreg $0x60  }
0xae: {  	[dreg:$0x2] =	wrdreg s24  }
0xaf: {  	[dreg:$0x3] =	wrdreg $0x24000  }
0xb0: {  	[dreg:$0x4] =	wrdreg $0x9  }
0xb1: {  	_ =	task.clear_ibuf [dreg:s6], $0x5FFFF;
	_ =	strace $0x90000049  }
0xb2: {  	s29 =	simm.s32 $0x9;
	_ =	strace $0x8000004B  }
0xb3: {  	_ =	swait.ge [sflag:s29], $0x1  }
0xb4: {  	[sflag:s29] =	ssyncadd.s32 $0xFFFFFFFF  }
0xb5: {  	_ =	strace $0x9000004B  }
0xb6: {  	_ =	sfence  }
0xb7: {  	s30 =	sld [smem:$0x0];
	_ =	sdelay $0x2  }
0xb8: {  	s31 =	sshll.u32 s1, $0xD;
	s1 =	sshrl.u32 s1, $0x2  }
0xb9: {  	s3 =	sand.u32 $0x4000, s31;
	s1 =	sadd.s32 s1, s30  }
0xba: {  	s0 =	sor.u32 s3, s0;
	s1 =	sshll.u32 s1, $0x11  }
0xbb: {  	s0 =	sor.u32 s1, s0  }
0xbc: {  	s0 =	sadd.s32 $0x8F2B, s0  }
0xbd: {  	[sflag:s0] =	ssyncadd.remote.s32 $0x1  }
0xbe: {  	_ =	sfence.sel $0xFFFF  }
0xbf: {  	[dreg:$0x0] =	wrdreg $0xFFFFFFFF;
	(pc) =	sbr.abs _section_cstart, $3  }
0xc0: {  	[dreg:$0x1] =	wrdreg $0xFFFFFFFF  }
0xc1: {  	_ =	task.clear_ibuf [dreg:s6], $0x2FFFF;
	_ =	strace $0x9FFFFFFF  }
0xc2: {  	(tm) =	ssettm $0x7FFFFFFF  }
0xc3: {  	_ =	shalt  }
tec
execute0_lowered:
.L_overlay_start_1:
0x0: {  	(tag) =	ssettag $0x1  }
0x1: {  	s0 =	srdreg.scid;
	s5 =	rddreg [dreg:$0x0]  }
0x2: {  	s23 =	stileid.u32;
	s2 =	rddreg [dreg:$0x1];
	s3 =	simm.s32 $0x0  }
0x3: {  	s17 =	simm.s32 $0x100;
	s18 =	simm.s32 $0x200;
	s19 =	simm.s32 $0x80  }
0x4: {  	s20 =	simm.s32 $0x380;
	s21 =	simm.s32 $0x1400;
	s8 =	smul.u32 $0x19000, s23  }
0x5: {  	s22 =	simm.s32 $0x3;
	s28 =	simm.s32 $0x280;
	s10 =	smul.u32 $0x18800, s23  }
0x6: {  	s29 =	simm.s32 $0x0;
	s6 =	sand.u32 $0x1, s0;
	s26 =	smul.u32 $0x64000, s23  }
0x7: {  	[smem:$0x7FF] =	sst s3;
	s4 =	sadd.s32 $0xAE600, s5;
	s7 =	smul.u32 $0x190000, s6  }
0x8: {  	s13 =	sadd.s32 $0x4C600, s5;
	s9 =	smul.u32 $0x188000, s6;
	s6 =	ssub.s32 $0x2, s6  }
0x9: {  	s23 =	simm.s32 $0x1;
	_ =	strace $0x8000004A;
	s25 =	sshrl.u32 s6, $0x1  }
0xa: {  	s12 =	sshrl.u32 s26, $0x2;
	s26 =	simm.s32 $0x180;
	s7 =	sadd.s32 s8, s7  }
0xb: {  	s11 =	sadd.s32 s10, s9;
	s30 =	ssub.s32 s6, s25;
	s9 =	sadd.s32 s12, s2  }
0xc: {  	s25 =	simm.s32 $0x300;
	s7 =	sshrl.u32 s7, $0x3;
	s24 =	sshrl.u32 s11, $0x3  }
0xd: {  	s10 =	sor.u32 $0x600, s11;
	s8 =	smax.u32 s30, $0x1;
	s31 =	sor.u32 $0x500, s11  }
0xe: {  	s15 =	sor.u32 $0x400, s11;
	s11 =	sor.u32 $0x300, s11;
	s14 =	sadd.s32 s7, s5  }
0xf: {  	s5 =	sadd.s32 s13, s24;
	s10 =	sshrl.u32 s10, $0x3;
	s12 =	sshrl.u32 s31, $0x3  }
0x10: {  	v8 =	vlaneseq.u32;
	s15 =	sshrl.u32 s15, $0x3;
	s16 =	sshrl.u32 s11, $0x3;
	s24 =	simm.s32 $0x2  }
0x11: {  	v0 =	vimm.f32 $0.0e+00;
	v1 =	vor.u32 $0xC350, v8;
	v2 =	vor.u32 $0xC360, v8;
	s6 =	sadd.s32 $0x20, s5;
	s7 =	sadd.s32 $0x40, s5;
	s10 =	sadd.s32 s10, s13  }
0x12: {  	v3 =	vor.u32 $0xC370, v8;
	v4 =	vor.u32 $0xC380, v8;
	v5 =	vor.u32 $0xC390, v8;
	s11 =	sadd.s32 s12, s13;
	s12 =	sadd.s32 s15, s13;
	s13 =	sadd.s32 s16, s13  }
0x13: {  	v6 =	vor.u32 $0xC3A0, v8;
	v7 =	vor.u32 $0xC3B0, v8;
	v8 =	vor.u32 $0xC3C0, v8;
	s14 =	sadd.s32 $0x110200, s14;
	s15 =	simm.s32 $0x400;
	s16 =	simm.s32 $0x4  }
.LBB2_1:
0x14: {  	s30 =	simm.s32 $0x0;
	s31 =	simm.s32 $0x0  }
.LBB2_2:
0x15: {  	p0 =	sne.s32 s31, $0x3FC0  }
.Ltmp0:
0x16: {  	_ = 	snop;
	(pc) =	sbr.rel @p0 .LBB2_2-.Ltmp0, $4  }
0x17: {  	s1 =	sand.u32 $0x3F80, s31  }
0x18: {  	s0 =	sand.u32 $0x10, s30;
	s1 =	sshrl.u32 s1, $0x2  }
0x19: {  	s0 =	sor.u32 s0, s1  }
0x1a: {  	s30 =	sadd.s32 $0x10, s30;
	s31 =	sadd.s32 $0x40, s31;
	[tilespmem:s0+$0x400] =	vst v0  }
0x1b: {  	s0 =	sadd.s32 $0x0, s9  }
0x1c: {  	[spmem:s0] =	stream.linear.scatter [tilespmem:s15], [sflag:$0x4], $0x1000, $0x38;
	[tilespmem:$0x1B400] =	vst v63  }
0x1d: {  	s30 =	simm.s32 $0x4000;
	_ =	swait.ge [sflag:s16], $0x1000  }
.LBB2_4:
0x1e: {  	s0 =	sshra.s32 s30, $0x2;
	[sflag:s16] =	ssyncset.done $0x0;
	p0 =	sne.s32 s30, $0x60000  }
.Ltmp1:
0x1f: {  	s0 =	sadd.s32 s0, s9;
	[sflag:s16] =	ssyncadd.s32 $0xFFFFF000;
	(pc) =	sbr.rel @p0 .LBB2_4-.Ltmp1, $3  }
0x20: {  	[spmem:s0] =	stream.linear.scatter [tilespmem:s15], [sflag:$0x4], $0x1000, $0x38;
	[tilespmem:$0x1B400] =	vst v63  }
0x21: {  	s30 =	sadd.s32 $0x4000, s30;
	_ =	sdelay $0x1  }
0x22: {  	_ =	swait.ge [sflag:s16], $0x1000  }
0x23: {  	[sflag:s16] =	ssyncset.done $0x0  }
0x24: {  	[sflag:s16] =	ssyncadd.s32 $0xFFFFF000  }
0x25: {  	[tilespmem:$0x380] =	vst v1  }
0x26: {  	[tilespmem:$0x390] =	vst v2  }
0x27: {  	[tilespmem:$0x3A0] =	vst v3  }
0x28: {  	[tilespmem:$0x3B0] =	vst v4  }
0x29: {  	[tilespmem:$0x3C0] =	vst v5  }
0x2a: {  	[tilespmem:$0x3D0] =	vst v6  }
0x2b: {  	[tilespmem:$0x3E0] =	vst v7  }
0x2c: {  	[tilespmem:$0x3F0] =	vst v8  }
0x2d: {  	s30 =	simm.s32 $0x0;
	[bflag:$0x0] =	sbarrier.arrive $0xFFFF  }
0x2e: {  	[tilespmem:s30], [sflag:$0x3] =	stream.linear.gather [hbm4b:s5+s30], $0x100, $0x38;
	[tilespmem:$0x1B400] =	vst v63  }
0x2f: {  	_ = 	snop  }
0x30: {  	[tilespmem:s17], [sflag:$0x3] =	stream.linear.gather [hbm4b:s6+s30], $0x100, $0x38;
	[tilespmem:$0x1B400] =	vst v63  }
0x31: {  	_ = 	snop  }
0x32: {  	[tilespmem:s18], [sflag:$0x3] =	stream.linear.gather [hbm4b:s7+s30], $0x100, $0x38;
	[tilespmem:$0x1B400] =	vst v63  }
0x33: {  	_ = 	snop  }
0x34: {  	[spmem:s2] =	stream.indirect.scatter.add.f32 [tilespmem:s21], [sflag:$0x2], $0x20, s20, s19, $0xb8;
	[tilespmem:$0x1B400] =	vst v63  }
0x35: {  	_ =	swait.ge [sflag:s22], $0x100  }
0x36: {  	[sflag:s22] =	ssyncset.done $0x0  }
0x37: {  	[sflag:s22] =	ssyncadd.s32 $0xFFFFFF00  }
0x38: {  	[tilespmem:s15], [sflag:$0x1] =	stream.indirect.gather [hbm4b:s4+s19], $0x20, s30, s19, $0xb8;
	[tilespmem:$0x1B400] =	vst v63  }
.LBB2_6:
0x39: {  	_ =	swait.ge [sflag:s23], $0x1000  }
0x3a: {  	[sflag:s23] =	ssyncset.done $0x0  }
0x3b: {  	[sflag:s23] =	ssyncadd.s32 $0xFFFFF000  }
0x3c: {  	_ =	swait.ge [sflag:s24], $0x1000  }
0x3d: {  	[sflag:s24] =	ssyncset.done $0x0  }
0x3e: {  	[sflag:s24] =	ssyncadd.s32 $0xFFFFF000  }
0x3f: {  	_ =	swait.ge [sflag:s22], $0x100  }
0x40: {  	[sflag:s22] =	ssyncset.done $0x0  }
0x41: {  	[sflag:s22] =	ssyncadd.s32 $0xFFFFFF00  }
0x42: {  	[tilespmem:s21], [sflag:$0x1] =	stream.indirect.gather [hbm4b:s4+s19], $0x20, s17, s19, $0xb8;
	[tilespmem:$0x1B400] =	vst v63  }
0x43: {  	_ = 	snop  }
0x44: {  	[spmem:s2] =	stream.indirect.scatter.add.f32 [tilespmem:s15], [sflag:$0x2], $0x20, s19, s19, $0xb8;
	[tilespmem:$0x1B400] =	vst v63  }
0x45: {  	s0 =	sadd.s32 s30, s13  }
0x46: {  	[tilespmem:s25], [sflag:$0x3] =	stream.linear.gather [hbm4b:s0+s3], $0x100, $0x38;
	[tilespmem:$0x1B400] =	vst v63  }
0x47: {  	_ =	swait.ge [sflag:s23], $0x1000  }
0x48: {  	[sflag:s23] =	ssyncset.done $0x0  }
0x49: {  	[sflag:s23] =	ssyncadd.s32 $0xFFFFF000  }
0x4a: {  	_ =	swait.ge [sflag:s24], $0x1000  }
0x4b: {  	[sflag:s24] =	ssyncset.done $0x0  }
0x4c: {  	[sflag:s24] =	ssyncadd.s32 $0xFFFFF000  }
0x4d: {  	_ =	swait.ge [sflag:s22], $0x100  }
0x4e: {  	[sflag:s22] =	ssyncset.done $0x0  }
0x4f: {  	[sflag:s22] =	ssyncadd.s32 $0xFFFFFF00  }
0x50: {  	[tilespmem:s15], [sflag:$0x1] =	stream.indirect.gather [hbm4b:s4+s19], $0x20, s18, s19, $0xb8;
	[tilespmem:$0x1B400] =	vst v63  }
0x51: {  	p0 =	seq.s32 s30, $0x3080  }
0x52: {  	[spmem:s2] =	stream.indirect.scatter.add.f32 [tilespmem:s21], [sflag:$0x2], $0x20, s26, s19, $0xb8;
	[tilespmem:$0x1B400] =	vst v63  }
0x53: {  	s1 =	simm.s32 @!p0 $0x0;
	s0 =	sadd.s32 @!p0 s30, s12  }
0x54: {  	[tilespmem:s1], [sflag:$0x3] =	stream.linear.gather @!p0 [hbm4b:s0+s1], $0x100, $0x38;
	[tilespmem:$0x1B400] =	vst v63  }
0x55: {  	_ =	swait.ge [sflag:s23], $0x1000  }
0x56: {  	[sflag:s23] =	ssyncset.done $0x0  }
0x57: {  	[sflag:s23] =	ssyncadd.s32 $0xFFFFF000  }
0x58: {  	_ =	swait.ge [sflag:s24], $0x1000  }
0x59: {  	[sflag:s24] =	ssyncset.done $0x0  }
0x5a: {  	[sflag:s24] =	ssyncadd.s32 $0xFFFFF000  }
0x5b: {  	_ =	swait.ge [sflag:s22], $0x100  }
.Ltmp2:
0x5c: {  	[sflag:s22] =	ssyncset.done $0x0;
	(pc) =	sbr.rel @p0 .LBB2_8-.Ltmp2, $4  }
0x5d: {  	[sflag:s22] =	ssyncadd.s32 $0xFFFFFF00  }
0x5e: {  	[tilespmem:s21], [sflag:$0x1] =	stream.indirect.gather [hbm4b:s4+s19], $0x20, s25, s19, $0xb8;
	[tilespmem:$0x1B400] =	vst v63  }
0x5f: {  	_ = 	snop  }
0x60: {  	[spmem:s2] =	stream.indirect.scatter.add.f32 [tilespmem:s15], [sflag:$0x2], $0x20, s28, s19, $0xb8;
	[tilespmem:$0x1B400] =	vst v63  }
0x61: {  	s0 =	sadd.s32 s30, s11  }
0x62: {  	[tilespmem:s17], [sflag:$0x3] =	stream.linear.gather [hbm4b:s0+s3], $0x100, $0x38;
	[tilespmem:$0x1B400] =	vst v63  }
0x63: {  	_ =	swait.ge [sflag:s23], $0x1000  }
0x64: {  	[sflag:s23] =	ssyncset.done $0x0  }
0x65: {  	[sflag:s23] =	ssyncadd.s32 $0xFFFFF000  }
0x66: {  	_ =	swait.ge [sflag:s24], $0x1000  }
0x67: {  	[sflag:s24] =	ssyncset.done $0x0  }
0x68: {  	[sflag:s24] =	ssyncadd.s32 $0xFFFFF000  }
0x69: {  	_ =	swait.ge [sflag:s22], $0x100  }
0x6a: {  	[sflag:s22] =	ssyncset.done $0x0  }
0x6b: {  	[sflag:s22] =	ssyncadd.s32 $0xFFFFFF00  }
0x6c: {  	[tilespmem:s15], [sflag:$0x1] =	stream.indirect.gather [hbm4b:s4+s19], $0x20, s3, s19, $0xb8;
	[tilespmem:$0x1B400] =	vst v63  }
.Ltmp3:
0x6d: {  	_ = 	snop;
	(pc) =	sbr.rel .LBB2_6-.Ltmp3, $4  }
0x6e: {  	_ = 	snop  }
0x6f: {  	[spmem:s2] =	stream.indirect.scatter.add.f32 [tilespmem:s21], [sflag:$0x2], $0x20, s20, s19, $0xb8;
	[tilespmem:$0x1B400] =	vst v63  }
0x70: {  	s31 =	sadd.s32 s30, s10;
	s30 =	sadd.s32 $0x80, s30  }
0x71: {  	[tilespmem:s18], [sflag:$0x3] =	stream.linear.gather [hbm4b:s31+s3], $0x100, $0x38;
	[tilespmem:$0x1B400] =	vst v63  }
.LBB2_8:
0x72: {  	_ =	swait.ge [sflag:s23], $0x1000  }
0x73: {  	[sflag:s23] =	ssyncset.done $0x0  }
0x74: {  	[sflag:s23] =	ssyncadd.s32 $0xFFFFF000  }
0x75: {  	_ =	swait.ge [sflag:s24], $0x1000  }
0x76: {  	[sflag:s24] =	ssyncset.done $0x0  }
0x77: {  	[sflag:s24] =	ssyncadd.s32 $0xFFFFF000  }
0x78: {  	[spmem:s2] =	stream.indirect.scatter.add.f32 [tilespmem:s21], [sflag:$0x2], $0x20, s20, s19, $0xb8;
	[tilespmem:$0x1B400] =	vst v63  }
0x79: {  	_ =	swait.ge [sflag:s24], $0x1000  }
0x7a: {  	[sflag:s24] =	ssyncset.done $0x0  }
0x7b: {  	[sflag:s24] =	ssyncadd.s32 $0xFFFFF000  }
0x7c: {  	[bflag:$0x0] =	sbarrier.arrive $0xFFFF  }
0x7d: {  	[tilespmem:s15], [sflag:$0x4] =	stream.linear.gather [spmem:s9], $0x1000, $0x38;
	[tilespmem:$0x1B400] =	vst v63  }
0x7e: {  	_ =	swait.ge [sflag:s16], $0x1000  }
0x7f: {  	[sflag:s16] =	ssyncset.done $0x0  }
0x80: {  	s0 =	sadd.s32 $0x0, s14;
	[sflag:s16] =	ssyncadd.s32 $0xFFFFF000  }
0x81: {  	[hbm4b:s0+s3] =	stream.linear.scatter [tilespmem:s15], [sflag:$0x4], $0x1000, $0x38;
	[tilespmem:$0x1B400] =	vst v63  }
0x82: {  	_ =	swait.ge [sflag:s16], $0x1000  }
0x83: {  	s30 =	simm.s32 $0x200;
	s31 =	smov.u32 s9;
	[sflag:s16] =	ssyncset.done $0x0  }
.LBB2_9:
0x84: {  	p0 =	sne.s32 s30, $0x3000;
	[sflag:s16] =	ssyncadd.s32 $0xFFFFF000;
	s31 =	sadd.s32 $0x1000, s31  }
0x85: {  	[tilespmem:s15], [sflag:$0x4] =	stream.linear.gather [spmem:s31], $0x1000, $0x38;
	[tilespmem:$0x1B400] =	vst v63  }
0x86: {  	s0 =	smov.u32 s30;
	s30 =	sadd.s32 $0x200, s30;
	_ =	swait.ge [sflag:s16], $0x1000  }
.Ltmp4:
0x87: {  	[sflag:s16] =	ssyncset.done $0x0;
	(pc) =	sbr.rel @p0 .LBB2_9-.Ltmp4, $4  }
0x88: {  	s0 =	sadd.s32 s0, s14;
	[sflag:s16] =	ssyncadd.s32 $0xFFFFF000  }
0x89: {  	[hbm4b:s0+s3] =	stream.linear.scatter [tilespmem:s15], [sflag:$0x4], $0x1000, $0x38;
	[tilespmem:$0x1B400] =	vst v63  }
0x8a: {  	_ =	swait.ge [sflag:s16], $0x1000  }
0x8b: {  	[sflag:s16] =	ssyncset.done $0x0  }
0x8c: {  	s29 =	sadd.s32 $0x1, s29  }
0x8d: {  	p0 =	sne.s32 s29, s8  }
.Ltmp5:
0x8e: {  	_ = 	snop;
	(pc) =	sbr.rel @p0 .LBB2_1-.Ltmp5, $2  }
0x8f: {  	_ =	sdelay $0x2  }
0x90: {  	[sflag:s16] =	ssyncadd.s32 $0xFFFFF000  }
0x91: {  	_ =	sfence.sel $0x180000  }
0x92: {  	[bflag:$0x0] =	sbarrier.arrive $0xFFFF  }
0x93: {  	_ =	strace $0x9000004A  }
0x94: {  	s0 =	stileid.u32;
	[bflag:$0x2] =	sbarrier.arrive $0xFFFF  }
0x95: {  	p0 =	sne.s32 s0, $0x0;
	s0 =	rddreg [dreg:$0x2]  }
0x96: {  	s0 =	sadd.s32 @!p0 $0x100000, s0  }
0x97: {  	[sflag:s0] =	ssyncadd.tile.s32 @!p0 $0x1;
	_ =	shalt  }
.Lfunc_end2:
_tile_overlayer_lowered:
.L_overlay_start_2:
0x98: {  	(tag) =	ssettag $0x2  }
0x99: {  	s0 =	rddreg [dreg:$0x0];
	s2 =	stileid.u32  }
0x9a: {  	s1 =	rddreg [dreg:$0x1];
	p0 =	sne.s32 s2, $0x0  }
0x9b: {  	s3 =	rddreg [dreg:$0x2];
	[bflag:$0x3] =	sbarrier.arrive $0xFFFF;
	s2 =	simm.s32 @!p0 $0x1C04  }
0x9c: {  	[timem:s3], [sflag:s2] =	dma.local @!p0 [hbm:s0], s1  }
0x9d: {  	s0 =	simm.s32 @!p0 $0x4  }
0x9e: {  	_ =	swait.ge @!p0 [sflag:s0], s1  }
0x9f: {  	s1 =	ssub.s32 @!p0 $0x0, s1;
	[sflag:s0] =	ssyncset.done @!p0 $0x0  }
0xa0: {  	[sflag:s0] =	ssyncadd.s32 @!p0 s1  }
0xa1: {  	[bflag:$0x3] =	sbarrier.arrive $0xFFFF  }
0xa2: {  	_ =	shalt  }

// kernel: kernel.14.cloned.1.call-start
scs
__scs_entry_jumppad:
0x0: {  	(pc) =	sbr.rel $0x88, $3  }
0x1: {  	(tag) =	ssettag $0x0;
	lr =	simm.s32 $0x1  }
0x2: {  	[smem:$0x3F95] =	sst lr;
	_ =	strace $0xD0000000  }
0x3: {  	_ = 	snop  }
0x4: {  	_ = 	snop  }
0x5: {  	_ = 	snop  }
0x6: {  	_ = 	snop  }
0x7: {  	_ = 	snop  }
__scs_overlays_trampoline_lowered:
0x8: {  	[smem:$0x3FA4] =	sst s0  }
0x9: {  	[smem:$0x3FA5] =	sst s1  }
0xa: {  	[smem:$0x3FA6] =	sst s2  }
0xb: {  	[smem:$0x3FA7] =	sst s3  }
0xc: {  	[smem:$0x3FA8] =	sst s4  }
0xd: {  	[smem:$0x3FA9] =	sst s5  }
0xe: {  	[smem:$0x3FAA] =	sst s6  }
0xf: {  	[smem:$0x3FAB] =	sst s7  }
0x10: {  	[smem:$0x3FAC] =	sst s8  }
0x11: {  	[smem:$0x3FAD] =	sst s9;
	s0 =	simm.s32 @!p0 $0x0  }
0x12: {  	s1 =	sld [smem:$0x3F93];
	s0 =	simm.s32 @p0 $0x1  }
0x13: {  	[smem:$0x3FAE] =	sst s0;
	s0 =	simm.s32 @!p1 $0x0  }
0x14: {  	s2 =	sld [smem:$0x3F92];
	s0 =	simm.s32 @p1 $0x1  }
0x15: {  	[smem:$0x3FAF] =	sst s0;
	s0 =	simm.s32 @!p2 $0x0  }
0x16: {  	s3 =	sld [smem:$0x3FDB];
	s0 =	simm.s32 @p2 $0x1  }
0x17: {  	s4 =	simm.s32 $0x1BF5;
	[smem:$0x3FB1] =	sst s0  }
0x18: {  	s0 =	sld [smem:$0x3F94];
	_ =	swait.ge [sflag:s4], $0x0  }
0x19: {  	s7 =	sld [smem:$0x3F95]  }
0x1a: {  	s8 =	sadd.s32 $0xFFFFE003, lr  }
0x1b: {  	s9 =	sadd.s32 $0xFFFFFEF7, lr;
	s5 =	simm.s32 $0xFFFFFFFF;
	p2 =	slt.u32 s8, $0xFFFFF086  }
0x1c: {  	p1 =	slt.u32 s9, $0xF7A;
	s5 =	simm.s32 @!p2 $0x0  }
0x1d: {  	s5 =	simm.s32 @p1 $0x1;
	p0 =	seq.s32 s7, s2  }
0x1e: {  	s7 =	smul.u32 @!p0 $0xF7A, s2;
	p2 =	seq.s32 @!p0 s5, $0x0  }
0x1f: {  	s9 =	smul.u32 $0xF7A, s1;
	s8 =	simm.s32 @!p0 $0x1BF5;
	p2 =	por !p2, p0  }
0x20: {  	[sflag:s8] =	ssyncset.s32 @!p0 $0xFFFFF086;
	s6 =	sadd.s32 @!p0 s3, s7;
	s7 =	simm.s32 @!p0 $0x108  }
0x21: {  	s3 =	sadd.s32 s3, s9;
	s6 =	sadd.s32 @!p0 $0x88, s6;
	s7 =	simm.s32 @p2 $0x1082  }
0x22: {  	[simem:s7], [sflag:s8] =	dma.local @!p0 [hbm:s6], $0xF7A  }
0x23: {  	s9 =	sor.u32 $0xD0000000, s2;
	s6 =	simm.s32 $0x108;
	_ =	swait.ge @!p0 [sflag:s8], $0x0  }
0x24: {  	s3 =	sadd.s32 $0x88, s3;
	s6 =	simm.s32 @!p1 $0x1082;
	[sflag:s4] =	ssyncset.s32 $0xFFFFF086  }
0x25: {  	[simem:s6], [sflag:s4] =	dma.local [hbm:s3], $0xF7A  }
0x26: {  	[smem:$0x3F95] =	sst s1;
	(tag) =	ssettag s2;
	_ =	strace s9  }
0x27: {  	s1 =	sld [smem:$0x3FA5]  }
0x28: {  	s2 =	sld [smem:$0x3FA6]  }
0x29: {  	s4 =	sld [smem:$0x3FA8]  }
0x2a: {  	p0 =	seq.s32 s5, $0x0;
	s5 =	sld [smem:$0x3FA9]  }
0x2b: {  	s6 =	sld [smem:$0x3FAA]  }
0x2c: {  	s7 =	sld [smem:$0x3FAB]  }
0x2d: {  	s3 =	simm.s32 $0x108;
	s8 =	sld [smem:$0x3FAC]  }
0x2e: {  	s3 =	simm.s32 @!p0 $0x1082;
	s9 =	sld [smem:$0x3FAD]  }
0x2f: {  	lr =	sadd.s32 s0, s3;
	s0 =	sld [smem:$0x3FA4]  }
0x30: {  	s3 =	sld [smem:$0x3FA7]  }
0x31: {  	[smem:$0x3FB0] =	sst s10  }
0x32: {  	s10 =	sld [smem:$0x3FAE];
	_ =	sdelay $0x3  }
0x33: {  	p0 =	seq.s32 s10, $0x1;
	s10 =	sld [smem:$0x3FB0];
	_ =	sdelay $0x3  }
0x34: {  	[smem:$0x3FB0] =	sst s10  }
0x35: {  	s10 =	sld [smem:$0x3FAF];
	_ =	sdelay $0x3  }
0x36: {  	p1 =	seq.s32 s10, $0x1;
	s10 =	sld [smem:$0x3FB0];
	_ =	sdelay $0x3  }
0x37: {  	[smem:$0x3FB0] =	sst s10  }
0x38: {  	s10 =	sld [smem:$0x3FB1]  }
0x39: {  	_ = 	snop;
	(pc) =	sbr.ind lr, $3  }
0x3a: {  	_ = 	snop  }
0x3b: {  	_ = 	snop  }
0x3c: {  	p2 =	seq.s32 s10, $0x1;
	s10 =	sld [smem:$0x3FB0]  }
0x3d: {  	_ =	shalt  }
0x3e: {  	_ =	shalt  }
0x3f: {  	_ =	shalt  }
0x40: {  	_ =	shalt  }
0x41: {  	_ =	shalt  }
0x42: {  	_ =	shalt  }
0x43: {  	_ =	shalt  }
0x44: {  	_ =	shalt  }
0x45: {  	_ =	shalt  }
0x46: {  	_ =	shalt  }
0x47: {  	_ =	shalt  }
0x48: {  	_ =	shalt  }
0x49: {  	_ =	shalt  }
0x4a: {  	_ =	shalt  }
0x4b: {  	_ =	shalt  }
0x4c: {  	_ =	shalt  }
0x4d: {  	_ =	shalt  }
0x4e: {  	_ =	shalt  }
0x4f: {  	_ =	shalt  }
0x50: {  	_ =	shalt  }
0x51: {  	_ =	shalt  }
0x52: {  	_ =	shalt  }
0x53: {  	_ =	shalt  }
0x54: {  	_ =	shalt  }
0x55: {  	_ =	shalt  }
0x56: {  	_ =	shalt  }
0x57: {  	_ =	shalt  }
0x58: {  	_ =	shalt  }
0x59: {  	_ =	shalt  }
0x5a: {  	_ =	shalt  }
0x5b: {  	_ =	shalt  }
0x5c: {  	_ =	shalt  }
0x5d: {  	_ =	shalt  }
0x5e: {  	_ =	shalt  }
0x5f: {  	_ =	shalt  }
0x60: {  	_ =	shalt  }
0x61: {  	_ =	shalt  }
0x62: {  	_ =	shalt  }
0x63: {  	_ =	shalt  }
0x64: {  	_ =	shalt  }
0x65: {  	_ =	shalt  }
0x66: {  	_ =	shalt  }
0x67: {  	_ =	shalt  }
0x68: {  	_ =	shalt  }
0x69: {  	_ =	shalt  }
0x6a: {  	_ =	shalt  }
0x6b: {  	_ =	shalt  }
0x6c: {  	_ =	shalt  }
0x6d: {  	_ =	shalt  }
0x6e: {  	_ =	shalt  }
0x6f: {  	_ =	shalt  }
0x70: {  	_ =	shalt  }
0x71: {  	_ =	shalt  }
0x72: {  	_ =	shalt  }
0x73: {  	_ =	shalt  }
0x74: {  	_ =	shalt  }
0x75: {  	_ =	shalt  }
0x76: {  	_ =	shalt  }
0x77: {  	_ =	shalt  }
0x78: {  	_ =	shalt  }
0x79: {  	_ =	shalt  }
0x7a: {  	_ =	shalt  }
0x7b: {  	_ =	shalt  }
0x7c: {  	_ =	shalt  }
0x7d: {  	_ =	shalt  }
0x7e: {  	_ =	shalt  }
0x7f: {  	_ =	shalt  }
0x80: {  	_ =	shalt  }
0x81: {  	_ =	shalt  }
0x82: {  	_ =	shalt  }
0x83: {  	_ =	shalt  }
0x84: {  	_ =	shalt  }
0x85: {  	_ =	shalt  }
0x86: {  	_ =	shalt  }
0x87: {  	_ =	shalt  }
.Lfunc_end0:
.L_simem_size_0:
called_computation.2_lowered:
.L_overlay_start_0:
0x88: {  	s2 =	sld [smem:$0x3FD9]  }
0x89: {  	s3 =	sld [smem:$0x3FFE];
	_ =	sdelay $0x1  }
0x8a: {  	s1 =	srdreg.scid  }
0x8b: {  	s0 =	sand.u32 $0x1, s1  }
0x8c: {  	s16 =	sshll.u32 s0, $0xA;
	s2 =	sadd.s32 s3, s2  }
0x8d: {  	s2 =	sadd.s32 s2, s16  }
0x8e: {  	[smem:$0x3FBC] =	sst s2  }
0x8f: {  	_ = 	snop  }
0x90: {  	(tm) =	ssettm $0x1  }
0x91: {  	s17 =	sld [smem:$0x3FFB];
	_ =	sdelay $0x3  }
0x92: {  	_ =	strace s17  }
0x93: {  	s2 =	sld [smem:$0x3FFC];
	_ =	sdelay $0x3  }
0x94: {  	_ =	strace s2  }
0x95: {  	s2 =	sld [smem:$0x3FFD];
	_ =	sdelay $0x3  }
0x96: {  	_ =	strace s2  }
0x97: {  	_ =	strace $0x8FFFFFFF  }
0x98: {  	s18 =	sld [smem:$0x3FDB];
	_ =	sdelay $0x1  }
0x99: {  	s19 =	simm.s32 $_scs_section_size  }
0x9a: {  	s4 =	simm.s32 $_size__tile_overlayer_lowered;
	s5 =	simm.s32 $_tile_overlayer_lowered  }
0x9b: {  	s22 =	simm.s32 $0x1BFF;
	s21 =	sshll.u32 s5, $0x1;
	s2 =	sadd.s32 s19, s18  }
0x9c: {  	s6 =	simm.s32 $0x0;
	s20 =	sshll.u32 s4, $0x1;
	s4 =	sadd.s32 s21, s2  }
0x9d: {  	[timem:s6], [sflag:s22] =	dma.local [hbm:s4], s20  }
0x9e: {  	_ =	swait.ge [sflag:s22], s20  }
0x9f: {  	s3 =	ssub.s32 $0x0, s20;
	[sflag:s22] =	ssyncset.done $0x0  }
0xa0: {  	[sflag:s22] =	ssyncadd.s32 s3;
	_ =	sdelay $0x1  }
0xa1: {  	s23 =	simm.s32 $0x1B8B  }
0xa2: {  	_ =	swait.ge [sflag:s23], $0x1  }
0xa3: {  	[sflag:s23] =	ssyncset.done $0x0  }
0xa4: {  	s25 =	simm.s32 $0x1B8E;
	s24 =	sld [smem:$0x3FFE];
	[sflag:s23] =	ssyncadd.s32 $0xFFFFFFFF  }
0xa5: {  	s26 =	simm.s32 $execute0_lowered;
	[smem:$0x3FD2] =	sst s25  }
0xa6: {  	s4 =	sshll.u32 s26, $0x1;
	_ =	strace $0x8000004C;
	[dreg:$0x1] =	wrdreg $0xFFFFFFFF  }
0xa7: {  	s28 =	simm.s32 $_size_execute0_lowered;
	s2 =	sadd.s32 s2, s4;
	[dreg:$0x0] =	wrdreg $0x0  }
0xa8: {  	s4 =	sshll.u32 s28, $0x1;
	[dreg:$0x2] =	wrdreg s2  }
0xa9: {  	[dreg:$0x3] =	wrdreg s4  }
0xaa: {  	[dreg:$0x4] =	wrdreg $0xC0  }
0xab: {  	_ =	task [dreg:s6], $0x5FFFF  }
0xac: {  	[dreg:$0x1] =	wrdreg $0xFFFFFFFF  }
0xad: {  	[dreg:$0x0] =	wrdreg $0x60  }
0xae: {  	[dreg:$0x2] =	wrdreg s24  }
0xaf: {  	[dreg:$0x3] =	wrdreg $0x14000  }
0xb0: {  	[dreg:$0x4] =	wrdreg $0x9  }
0xb1: {  	_ =	task.clear_ibuf [dreg:s6], $0x5FFFF;
	_ =	strace $0x9000004C  }
0xb2: {  	s29 =	simm.s32 $0x9;
	_ =	strace $0x8000004E  }
0xb3: {  	_ =	swait.ge [sflag:s29], $0x1  }
0xb4: {  	[sflag:s29] =	ssyncadd.s32 $0xFFFFFFFF  }
0xb5: {  	_ =	strace $0x9000004E  }
0xb6: {  	_ =	sfence  }
0xb7: {  	s30 =	sld [smem:$0x0];
	_ =	sdelay $0x2  }
0xb8: {  	s31 =	sshll.u32 s1, $0xD;
	s1 =	sshrl.u32 s1, $0x2  }
0xb9: {  	s3 =	sand.u32 $0x4000, s31;
	s1 =	sadd.s32 s1, s30  }
0xba: {  	s0 =	sor.u32 s3, s0;
	s1 =	sshll.u32 s1, $0x11  }
0xbb: {  	s0 =	sor.u32 s1, s0  }
0xbc: {  	s0 =	sadd.s32 $0x8F2B, s0  }
0xbd: {  	[sflag:s0] =	ssyncadd.remote.s32 $0x1  }
0xbe: {  	_ =	sfence.sel $0xFFFF  }
0xbf: {  	[dreg:$0x0] =	wrdreg $0xFFFFFFFF;
	(pc) =	sbr.abs _section_cstart, $3  }
0xc0: {  	[dreg:$0x1] =	wrdreg $0xFFFFFFFF  }
0xc1: {  	_ =	task.clear_ibuf [dreg:s6], $0x2FFFF;
	_ =	strace $0x9FFFFFFF  }
0xc2: {  	(tm) =	ssettm $0x7FFFFFFF  }
0xc3: {  	_ =	shalt  }
tec
execute0_lowered:
.L_overlay_start_1:
0x0: {  	(tag) =	ssettag $0x1  }
0x1: {  	s0 =	srdreg.scid;
	s5 =	rddreg [dreg:$0x0]  }
0x2: {  	s2 =	rddreg [dreg:$0x1];
	s3 =	simm.s32 $0x0;
	s17 =	simm.s32 $0x100  }
0x3: {  	s18 =	simm.s32 $0x200;
	s19 =	simm.s32 $0x80;
	s20 =	simm.s32 $0x380  }
0x4: {  	s21 =	simm.s32 $0xC00;
	s22 =	simm.s32 $0x3;
	s6 =	sand.u32 $0x1, s0  }
0x5: {  	s23 =	simm.s32 $0x1;
	s0 =	stileid.u32;
	s7 =	smul.u32 $0xC8000, s6  }
0x6: {  	s28 =	simm.s32 $0x280;
	s29 =	simm.s32 $0x0;
	s8 =	smul.u32 $0xC800, s0  }
0x7: {  	[smem:$0x7FF] =	sst s3;
	s4 =	sadd.s32 $0x1E00, s5;
	s9 =	smul.u32 $0x188000, s6  }
0x8: {  	s13 =	sadd.s32 $0x4C600, s5;
	s10 =	smul.u32 $0x18800, s0;
	s6 =	ssub.s32 $0x2, s6  }
0x9: {  	_ =	strace $0x8000004D;
	s26 =	smul.u32 $0x32000, s0;
	s25 =	sshrl.u32 s6, $0x1  }
0xa: {  	s7 =	sadd.s32 s8, s7;
	s11 =	sadd.s32 s10, s9;
	s30 =	ssub.s32 s6, s25  }
0xb: {  	s12 =	sshrl.u32 s26, $0x2;
	s25 =	simm.s32 $0x300;
	s26 =	simm.s32 $0x180  }
0xc: {  	s7 =	sshrl.u32 s7, $0x3;
	s24 =	sshrl.u32 s11, $0x3;
	s10 =	sor.u32 $0x600, s11  }
0xd: {  	s8 =	smax.u32 s30, $0x1;
	s9 =	sadd.s32 s12, s2;
	s31 =	sor.u32 $0x500, s11  }
0xe: {  	s15 =	sor.u32 $0x400, s11;
	s11 =	sor.u32 $0x300, s11;
	s14 =	sadd.s32 s7, s5  }
0xf: {  	s5 =	sadd.s32 s13, s24;
	s10 =	sshrl.u32 s10, $0x3;
	s12 =	sshrl.u32 s31, $0x3  }
0x10: {  	v8 =	vlaneseq.u32;
	s15 =	sshrl.u32 s15, $0x3;
	s16 =	sshrl.u32 s11, $0x3;
	s24 =	simm.s32 $0x2  }
0x11: {  	v0 =	vimm.f32 $0.0e+00;
	v1 =	vor.u32 $0xC350, v8;
	v2 =	vor.u32 $0xC360, v8;
	s6 =	sadd.s32 $0x20, s5;
	s7 =	sadd.s32 $0x40, s5;
	s10 =	sadd.s32 s10, s13  }
0x12: {  	v3 =	vor.u32 $0xC370, v8;
	v4 =	vor.u32 $0xC380, v8;
	v5 =	vor.u32 $0xC390, v8;
	s11 =	sadd.s32 s12, s13;
	s12 =	sadd.s32 s15, s13;
	s13 =	sadd.s32 s16, s13  }
0x13: {  	v6 =	vor.u32 $0xC3A0, v8;
	v7 =	vor.u32 $0xC3B0, v8;
	v8 =	vor.u32 $0xC3C0, v8;
	s14 =	sadd.s32 $0x235000, s14;
	s15 =	simm.s32 $0x400;
	s16 =	simm.s32 $0x4  }
.LBB2_1:
0x14: {  	s30 =	simm.s32 $0x0  }
.LBB2_2:
0x15: {  	p0 =	sne.s32 s30, $0x1FC0  }
.Ltmp0:
0x16: {  	_ = 	snop;
	(pc) =	sbr.rel @p0 .LBB2_2-.Ltmp0, $3  }
0x17: {  	_ =	sdelay $0x1  }
0x18: {  	s31 =	sshra.s32 s30, $0x2  }
0x19: {  	s30 =	sadd.s32 $0x40, s30;
	[tilespmem:s31+$0x400] =	vst v0  }
0x1a: {  	s30 =	sadd.s32 $0x0, s9  }
0x1b: {  	[spmem:s30] =	stream.linear.scatter [tilespmem:s15], [sflag:$0x4], $0x800, $0x38;
	[tilespmem:$0xDC00] =	vst v63  }
0x1c: {  	s30 =	simm.s32 $0x2000;
	_ =	swait.ge [sflag:s16], $0x800  }
.LBB2_4:
0x1d: {  	s31 =	sshra.s32 s30, $0x2;
	[sflag:s16] =	ssyncset.done $0x0;
	p0 =	sne.s32 s30, $0x30000  }
.Ltmp1:
0x1e: {  	s31 =	sadd.s32 s31, s9;
	[sflag:s16] =	ssyncadd.s32 $0xFFFFF800;
	(pc) =	sbr.rel @p0 .LBB2_4-.Ltmp1, $3  }
0x1f: {  	[spmem:s31] =	stream.linear.scatter [tilespmem:s15], [sflag:$0x4], $0x800, $0x38;
	[tilespmem:$0xDC00] =	vst v63  }
0x20: {  	s30 =	sadd.s32 $0x2000, s30;
	_ =	sdelay $0x1  }
0x21: {  	_ =	swait.ge [sflag:s16], $0x800  }
0x22: {  	[sflag:s16] =	ssyncset.done $0x0  }
0x23: {  	[sflag:s16] =	ssyncadd.s32 $0xFFFFF800  }
0x24: {  	[tilespmem:$0x380] =	vst v1  }
0x25: {  	[tilespmem:$0x390] =	vst v2  }
0x26: {  	[tilespmem:$0x3A0] =	vst v3  }
0x27: {  	[tilespmem:$0x3B0] =	vst v4  }
0x28: {  	[tilespmem:$0x3C0] =	vst v5  }
0x29: {  	[tilespmem:$0x3D0] =	vst v6  }
0x2a: {  	[tilespmem:$0x3E0] =	vst v7  }
0x2b: {  	[tilespmem:$0x3F0] =	vst v8  }
0x2c: {  	s30 =	simm.s32 $0x0;
	[bflag:$0x0] =	sbarrier.arrive $0xFFFF  }
0x2d: {  	[tilespmem:s30], [sflag:$0x3] =	stream.linear.gather [hbm4b:s5+s30], $0x100, $0x38;
	[tilespmem:$0xDC00] =	vst v63  }
0x2e: {  	_ = 	snop  }
0x2f: {  	[tilespmem:s17], [sflag:$0x3] =	stream.linear.gather [hbm4b:s6+s30], $0x100, $0x38;
	[tilespmem:$0xDC00] =	vst v63  }
0x30: {  	_ = 	snop  }
0x31: {  	[tilespmem:s18], [sflag:$0x3] =	stream.linear.gather [hbm4b:s7+s30], $0x100, $0x38;
	[tilespmem:$0xDC00] =	vst v63  }
0x32: {  	_ = 	snop  }
0x33: {  	[spmem:s2] =	stream.indirect.scatter.add.f32 [tilespmem:s21], [sflag:$0x2], $0x10, s20, s19, $0xb8;
	[tilespmem:$0xDC00] =	vst v63  }
0x34: {  	_ =	swait.ge [sflag:s22], $0x100  }
0x35: {  	[sflag:s22] =	ssyncset.done $0x0  }
0x36: {  	[sflag:s22] =	ssyncadd.s32 $0xFFFFFF00  }
0x37: {  	[tilespmem:s15], [sflag:$0x1] =	stream.indirect.gather [hbm4b:s4+s19], $0x10, s30, s19, $0xb8;
	[tilespmem:$0xDC00] =	vst v63  }
.LBB2_6:
0x38: {  	_ =	swait.ge [sflag:s23], $0x800  }
0x39: {  	[sflag:s23] =	ssyncset.done $0x0  }
0x3a: {  	[sflag:s23] =	ssyncadd.s32 $0xFFFFF800  }
0x3b: {  	_ =	swait.ge [sflag:s24], $0x800  }
0x3c: {  	[sflag:s24] =	ssyncset.done $0x0  }
0x3d: {  	[sflag:s24] =	ssyncadd.s32 $0xFFFFF800  }
0x3e: {  	_ =	swait.ge [sflag:s22], $0x100  }
0x3f: {  	[sflag:s22] =	ssyncset.done $0x0  }
0x40: {  	[sflag:s22] =	ssyncadd.s32 $0xFFFFFF00  }
0x41: {  	[tilespmem:s21], [sflag:$0x1] =	stream.indirect.gather [hbm4b:s4+s19], $0x10, s17, s19, $0xb8;
	[tilespmem:$0xDC00] =	vst v63  }
0x42: {  	_ = 	snop  }
0x43: {  	[spmem:s2] =	stream.indirect.scatter.add.f32 [tilespmem:s15], [sflag:$0x2], $0x10, s19, s19, $0xb8;
	[tilespmem:$0xDC00] =	vst v63  }
0x44: {  	s31 =	sadd.s32 s30, s13  }
0x45: {  	[tilespmem:s25], [sflag:$0x3] =	stream.linear.gather [hbm4b:s31+s3], $0x100, $0x38;
	[tilespmem:$0xDC00] =	vst v63  }
0x46: {  	_ =	swait.ge [sflag:s23], $0x800  }
0x47: {  	[sflag:s23] =	ssyncset.done $0x0  }
0x48: {  	[sflag:s23] =	ssyncadd.s32 $0xFFFFF800  }
0x49: {  	_ =	swait.ge [sflag:s24], $0x800  }
0x4a: {  	[sflag:s24] =	ssyncset.done $0x0  }
0x4b: {  	[sflag:s24] =	ssyncadd.s32 $0xFFFFF800  }
0x4c: {  	_ =	swait.ge [sflag:s22], $0x100  }
0x4d: {  	[sflag:s22] =	ssyncset.done $0x0  }
0x4e: {  	[sflag:s22] =	ssyncadd.s32 $0xFFFFFF00  }
0x4f: {  	[tilespmem:s15], [sflag:$0x1] =	stream.indirect.gather [hbm4b:s4+s19], $0x10, s18, s19, $0xb8;
	[tilespmem:$0xDC00] =	vst v63  }
0x50: {  	p0 =	seq.s32 s30, $0x3080  }
0x51: {  	[spmem:s2] =	stream.indirect.scatter.add.f32 [tilespmem:s21], [sflag:$0x2], $0x10, s26, s19, $0xb8;
	[tilespmem:$0xDC00] =	vst v63  }
0x52: {  	s1 =	simm.s32 @!p0 $0x0;
	s31 =	sadd.s32 @!p0 s30, s12  }
0x53: {  	[tilespmem:s1], [sflag:$0x3] =	stream.linear.gather @!p0 [hbm4b:s31+s1], $0x100, $0x38;
	[tilespmem:$0xDC00] =	vst v63  }
0x54: {  	_ =	swait.ge [sflag:s23], $0x800  }
0x55: {  	[sflag:s23] =	ssyncset.done $0x0  }
0x56: {  	[sflag:s23] =	ssyncadd.s32 $0xFFFFF800  }
0x57: {  	_ =	swait.ge [sflag:s24], $0x800  }
0x58: {  	[sflag:s24] =	ssyncset.done $0x0  }
0x59: {  	[sflag:s24] =	ssyncadd.s32 $0xFFFFF800  }
0x5a: {  	_ =	swait.ge [sflag:s22], $0x100  }
.Ltmp2:
0x5b: {  	[sflag:s22] =	ssyncset.done $0x0;
	(pc) =	sbr.rel @p0 .LBB2_8-.Ltmp2, $4  }
0x5c: {  	[sflag:s22] =	ssyncadd.s32 $0xFFFFFF00  }
0x5d: {  	[tilespmem:s21], [sflag:$0x1] =	stream.indirect.gather [hbm4b:s4+s19], $0x10, s25, s19, $0xb8;
	[tilespmem:$0xDC00] =	vst v63  }
0x5e: {  	_ = 	snop  }
0x5f: {  	[spmem:s2] =	stream.indirect.scatter.add.f32 [tilespmem:s15], [sflag:$0x2], $0x10, s28, s19, $0xb8;
	[tilespmem:$0xDC00] =	vst v63  }
0x60: {  	s1 =	sadd.s32 s30, s11  }
0x61: {  	[tilespmem:s17], [sflag:$0x3] =	stream.linear.gather [hbm4b:s1+s3], $0x100, $0x38;
	[tilespmem:$0xDC00] =	vst v63  }
0x62: {  	_ =	swait.ge [sflag:s23], $0x800  }
0x63: {  	[sflag:s23] =	ssyncset.done $0x0  }
0x64: {  	[sflag:s23] =	ssyncadd.s32 $0xFFFFF800  }
0x65: {  	_ =	swait.ge [sflag:s24], $0x800  }
0x66: {  	[sflag:s24] =	ssyncset.done $0x0  }
0x67: {  	[sflag:s24] =	ssyncadd.s32 $0xFFFFF800  }
0x68: {  	_ =	swait.ge [sflag:s22], $0x100  }
0x69: {  	[sflag:s22] =	ssyncset.done $0x0  }
0x6a: {  	[sflag:s22] =	ssyncadd.s32 $0xFFFFFF00  }
0x6b: {  	[tilespmem:s15], [sflag:$0x1] =	stream.indirect.gather [hbm4b:s4+s19], $0x10, s3, s19, $0xb8;
	[tilespmem:$0xDC00] =	vst v63  }
.Ltmp3:
0x6c: {  	_ = 	snop;
	(pc) =	sbr.rel .LBB2_6-.Ltmp3, $4  }
0x6d: {  	_ = 	snop  }
0x6e: {  	[spmem:s2] =	stream.indirect.scatter.add.f32 [tilespmem:s21], [sflag:$0x2], $0x10, s20, s19, $0xb8;
	[tilespmem:$0xDC00] =	vst v63  }
0x6f: {  	s31 =	sadd.s32 s30, s10;
	s30 =	sadd.s32 $0x80, s30  }
0x70: {  	[tilespmem:s18], [sflag:$0x3] =	stream.linear.gather [hbm4b:s31+s3], $0x100, $0x38;
	[tilespmem:$0xDC00] =	vst v63  }
.LBB2_8:
0x71: {  	_ =	swait.ge [sflag:s23], $0x800  }
0x72: {  	[sflag:s23] =	ssyncset.done $0x0  }
0x73: {  	[sflag:s23] =	ssyncadd.s32 $0xFFFFF800  }
0x74: {  	_ =	swait.ge [sflag:s24], $0x800  }
0x75: {  	[sflag:s24] =	ssyncset.done $0x0  }
0x76: {  	[sflag:s24] =	ssyncadd.s32 $0xFFFFF800  }
0x77: {  	[spmem:s2] =	stream.indirect.scatter.add.f32 [tilespmem:s21], [sflag:$0x2], $0x10, s20, s19, $0xb8;
	[tilespmem:$0xDC00] =	vst v63  }
0x78: {  	_ =	swait.ge [sflag:s24], $0x800  }
0x79: {  	[sflag:s24] =	ssyncset.done $0x0  }
0x7a: {  	[sflag:s24] =	ssyncadd.s32 $0xFFFFF800  }
0x7b: {  	[bflag:$0x0] =	sbarrier.arrive $0xFFFF  }
0x7c: {  	[tilespmem:s15], [sflag:$0x4] =	stream.linear.gather [spmem:s9], $0x800, $0x38;
	[tilespmem:$0xDC00] =	vst v63  }
0x7d: {  	_ =	swait.ge [sflag:s16], $0x800  }
0x7e: {  	[sflag:s16] =	ssyncset.done $0x0  }
0x7f: {  	s1 =	sadd.s32 $0x0, s14;
	[sflag:s16] =	ssyncadd.s32 $0xFFFFF800  }
0x80: {  	[hbm4b:s1+s3] =	stream.linear.scatter [tilespmem:s15], [sflag:$0x4], $0x800, $0x38;
	[tilespmem:$0xDC00] =	vst v63  }
0x81: {  	_ =	swait.ge [sflag:s16], $0x800  }
0x82: {  	s30 =	simm.s32 $0x100;
	s31 =	smov.u32 s9;
	[sflag:s16] =	ssyncset.done $0x0  }
.LBB2_9:
0x83: {  	p0 =	sne.s32 s30, $0x1800;
	[sflag:s16] =	ssyncadd.s32 $0xFFFFF800;
	s31 =	sadd.s32 $0x800, s31  }
0x84: {  	[tilespmem:s15], [sflag:$0x4] =	stream.linear.gather [spmem:s31], $0x800, $0x38;
	[tilespmem:$0xDC00] =	vst v63  }
0x85: {  	s1 =	smov.u32 s30;
	s30 =	sadd.s32 $0x100, s30;
	_ =	swait.ge [sflag:s16], $0x800  }
.Ltmp4:
0x86: {  	[sflag:s16] =	ssyncset.done $0x0;
	(pc) =	sbr.rel @p0 .LBB2_9-.Ltmp4, $4  }
0x87: {  	s1 =	sadd.s32 s1, s14;
	[sflag:s16] =	ssyncadd.s32 $0xFFFFF800  }
0x88: {  	[hbm4b:s1+s3] =	stream.linear.scatter [tilespmem:s15], [sflag:$0x4], $0x800, $0x38;
	[tilespmem:$0xDC00] =	vst v63  }
0x89: {  	_ =	swait.ge [sflag:s16], $0x800  }
0x8a: {  	[sflag:s16] =	ssyncset.done $0x0  }
0x8b: {  	s29 =	sadd.s32 $0x1, s29  }
0x8c: {  	p0 =	sne.s32 s29, s8  }
.Ltmp5:
0x8d: {  	_ = 	snop;
	(pc) =	sbr.rel @p0 .LBB2_1-.Ltmp5, $2  }
0x8e: {  	_ =	sdelay $0x2  }
0x8f: {  	[sflag:s16] =	ssyncadd.s32 $0xFFFFF800  }
0x90: {  	_ =	sfence.sel $0x180000  }
0x91: {  	[bflag:$0x0] =	sbarrier.arrive $0xFFFF  }
0x92: {  	_ =	strace $0x9000004D  }
0x93: {  	[bflag:$0x2] =	sbarrier.arrive $0xFFFF  }
0x94: {  	p0 =	sne.s32 s0, $0x0;
	s0 =	rddreg [dreg:$0x2]  }
0x95: {  	s0 =	sadd.s32 @!p0 $0x100000, s0  }
0x96: {  	[sflag:s0] =	ssyncadd.tile.s32 @!p0 $0x1;
	_ =	shalt  }
.Lfunc_end2:
_tile_overlayer_lowered:
.L_overlay_start_2:
0x97: {  	(tag) =	ssettag $0x2  }
0x98: {  	s0 =	rddreg [dreg:$0x0];
	s2 =	stileid.u32  }
0x99: {  	s1 =	rddreg [dreg:$0x1];
	p0 =	sne.s32 s2, $0x0  }
0x9a: {  	s3 =	rddreg [dreg:$0x2];
	[bflag:$0x3] =	sbarrier.arrive $0xFFFF;
	s2 =	simm.s32 @!p0 $0x1C04  }
0x9b: {  	[timem:s3], [sflag:s2] =	dma.local @!p0 [hbm:s0], s1  }
0x9c: {  	s0 =	simm.s32 @!p0 $0x4  }
0x9d: {  	_ =	swait.ge @!p0 [sflag:s0], s1  }
0x9e: {  	s1 =	ssub.s32 @!p0 $0x0, s1;
	[sflag:s0] =	ssyncset.done @!p0 $0x0  }
0x9f: {  	[sflag:s0] =	ssyncadd.s32 @!p0 s1  }
0xa0: {  	[bflag:$0x3] =	sbarrier.arrive $0xFFFF  }
0xa1: {  	_ =	shalt  }

// kernel: kernel.8.cloned.1.call-start
scs
__scs_entry_jumppad:
0x0: {  	(pc) =	sbr.rel $0x88, $3  }
0x1: {  	(tag) =	ssettag $0x0;
	lr =	simm.s32 $0x1  }
0x2: {  	[smem:$0x3F95] =	sst lr;
	_ =	strace $0xD0000000  }
0x3: {  	_ = 	snop  }
0x4: {  	_ = 	snop  }
0x5: {  	_ = 	snop  }
0x6: {  	_ = 	snop  }
0x7: {  	_ = 	snop  }
__scs_overlays_trampoline_lowered:
0x8: {  	[smem:$0x3FA4] =	sst s0  }
0x9: {  	[smem:$0x3FA5] =	sst s1  }
0xa: {  	[smem:$0x3FA6] =	sst s2  }
0xb: {  	[smem:$0x3FA7] =	sst s3  }
0xc: {  	[smem:$0x3FA8] =	sst s4  }
0xd: {  	[smem:$0x3FA9] =	sst s5  }
0xe: {  	[smem:$0x3FAA] =	sst s6  }
0xf: {  	[smem:$0x3FAB] =	sst s7  }
0x10: {  	[smem:$0x3FAC] =	sst s8  }
0x11: {  	[smem:$0x3FAD] =	sst s9;
	s0 =	simm.s32 @!p0 $0x0  }
0x12: {  	s1 =	sld [smem:$0x3F93];
	s0 =	simm.s32 @p0 $0x1  }
0x13: {  	[smem:$0x3FAE] =	sst s0;
	s0 =	simm.s32 @!p1 $0x0  }
0x14: {  	s2 =	sld [smem:$0x3F92];
	s0 =	simm.s32 @p1 $0x1  }
0x15: {  	[smem:$0x3FAF] =	sst s0;
	s0 =	simm.s32 @!p2 $0x0  }
0x16: {  	s3 =	sld [smem:$0x3FDB];
	s0 =	simm.s32 @p2 $0x1  }
0x17: {  	s4 =	simm.s32 $0x1BF5;
	[smem:$0x3FB1] =	sst s0  }
0x18: {  	s0 =	sld [smem:$0x3F94];
	_ =	swait.ge [sflag:s4], $0x0  }
0x19: {  	s7 =	sld [smem:$0x3F95]  }
0x1a: {  	s8 =	sadd.s32 $0xFFFFE003, lr  }
0x1b: {  	s9 =	sadd.s32 $0xFFFFFEF7, lr;
	s5 =	simm.s32 $0xFFFFFFFF;
	p2 =	slt.u32 s8, $0xFFFFF086  }
0x1c: {  	p1 =	slt.u32 s9, $0xF7A;
	s5 =	simm.s32 @!p2 $0x0  }
0x1d: {  	s5 =	simm.s32 @p1 $0x1;
	p0 =	seq.s32 s7, s2  }
0x1e: {  	s7 =	smul.u32 @!p0 $0xF7A, s2;
	p2 =	seq.s32 @!p0 s5, $0x0  }
0x1f: {  	s9 =	smul.u32 $0xF7A, s1;
	s8 =	simm.s32 @!p0 $0x1BF5;
	p2 =	por !p2, p0  }
0x20: {  	[sflag:s8] =	ssyncset.s32 @!p0 $0xFFFFF086;
	s6 =	sadd.s32 @!p0 s3, s7;
	s7 =	simm.s32 @!p0 $0x108  }
0x21: {  	s3 =	sadd.s32 s3, s9;
	s6 =	sadd.s32 @!p0 $0x88, s6;
	s7 =	simm.s32 @p2 $0x1082  }
0x22: {  	[simem:s7], [sflag:s8] =	dma.local @!p0 [hbm:s6], $0xF7A  }
0x23: {  	s9 =	sor.u32 $0xD0000000, s2;
	s6 =	simm.s32 $0x108;
	_ =	swait.ge @!p0 [sflag:s8], $0x0  }
0x24: {  	s3 =	sadd.s32 $0x88, s3;
	s6 =	simm.s32 @!p1 $0x1082;
	[sflag:s4] =	ssyncset.s32 $0xFFFFF086  }
0x25: {  	[simem:s6], [sflag:s4] =	dma.local [hbm:s3], $0xF7A  }
0x26: {  	[smem:$0x3F95] =	sst s1;
	(tag) =	ssettag s2;
	_ =	strace s9  }
0x27: {  	s1 =	sld [smem:$0x3FA5]  }
0x28: {  	s2 =	sld [smem:$0x3FA6]  }
0x29: {  	s4 =	sld [smem:$0x3FA8]  }
0x2a: {  	p0 =	seq.s32 s5, $0x0;
	s5 =	sld [smem:$0x3FA9]  }
0x2b: {  	s6 =	sld [smem:$0x3FAA]  }
0x2c: {  	s7 =	sld [smem:$0x3FAB]  }
0x2d: {  	s3 =	simm.s32 $0x108;
	s8 =	sld [smem:$0x3FAC]  }
0x2e: {  	s3 =	simm.s32 @!p0 $0x1082;
	s9 =	sld [smem:$0x3FAD]  }
0x2f: {  	lr =	sadd.s32 s0, s3;
	s0 =	sld [smem:$0x3FA4]  }
0x30: {  	s3 =	sld [smem:$0x3FA7]  }
0x31: {  	[smem:$0x3FB0] =	sst s10  }
0x32: {  	s10 =	sld [smem:$0x3FAE];
	_ =	sdelay $0x3  }
0x33: {  	p0 =	seq.s32 s10, $0x1;
	s10 =	sld [smem:$0x3FB0];
	_ =	sdelay $0x3  }
0x34: {  	[smem:$0x3FB0] =	sst s10  }
0x35: {  	s10 =	sld [smem:$0x3FAF];
	_ =	sdelay $0x3  }
0x36: {  	p1 =	seq.s32 s10, $0x1;
	s10 =	sld [smem:$0x3FB0];
	_ =	sdelay $0x3  }
0x37: {  	[smem:$0x3FB0] =	sst s10  }
0x38: {  	s10 =	sld [smem:$0x3FB1]  }
0x39: {  	_ = 	snop;
	(pc) =	sbr.ind lr, $3  }
0x3a: {  	_ = 	snop  }
0x3b: {  	_ = 	snop  }
0x3c: {  	p2 =	seq.s32 s10, $0x1;
	s10 =	sld [smem:$0x3FB0]  }
0x3d: {  	_ =	shalt  }
0x3e: {  	_ =	shalt  }
0x3f: {  	_ =	shalt  }
0x40: {  	_ =	shalt  }
0x41: {  	_ =	shalt  }
0x42: {  	_ =	shalt  }
0x43: {  	_ =	shalt  }
0x44: {  	_ =	shalt  }
0x45: {  	_ =	shalt  }
0x46: {  	_ =	shalt  }
0x47: {  	_ =	shalt  }
0x48: {  	_ =	shalt  }
0x49: {  	_ =	shalt  }
0x4a: {  	_ =	shalt  }
0x4b: {  	_ =	shalt  }
0x4c: {  	_ =	shalt  }
0x4d: {  	_ =	shalt  }
0x4e: {  	_ =	shalt  }
0x4f: {  	_ =	shalt  }
0x50: {  	_ =	shalt  }
0x51: {  	_ =	shalt  }
0x52: {  	_ =	shalt  }
0x53: {  	_ =	shalt  }
0x54: {  	_ =	shalt  }
0x55: {  	_ =	shalt  }
0x56: {  	_ =	shalt  }
0x57: {  	_ =	shalt  }
0x58: {  	_ =	shalt  }
0x59: {  	_ =	shalt  }
0x5a: {  	_ =	shalt  }
0x5b: {  	_ =	shalt  }
0x5c: {  	_ =	shalt  }
0x5d: {  	_ =	shalt  }
0x5e: {  	_ =	shalt  }
0x5f: {  	_ =	shalt  }
0x60: {  	_ =	shalt  }
0x61: {  	_ =	shalt  }
0x62: {  	_ =	shalt  }
0x63: {  	_ =	shalt  }
0x64: {  	_ =	shalt  }
0x65: {  	_ =	shalt  }
0x66: {  	_ =	shalt  }
0x67: {  	_ =	shalt  }
0x68: {  	_ =	shalt  }
0x69: {  	_ =	shalt  }
0x6a: {  	_ =	shalt  }
0x6b: {  	_ =	shalt  }
0x6c: {  	_ =	shalt  }
0x6d: {  	_ =	shalt  }
0x6e: {  	_ =	shalt  }
0x6f: {  	_ =	shalt  }
0x70: {  	_ =	shalt  }
0x71: {  	_ =	shalt  }
0x72: {  	_ =	shalt  }
0x73: {  	_ =	shalt  }
0x74: {  	_ =	shalt  }
0x75: {  	_ =	shalt  }
0x76: {  	_ =	shalt  }
0x77: {  	_ =	shalt  }
0x78: {  	_ =	shalt  }
0x79: {  	_ =	shalt  }
0x7a: {  	_ =	shalt  }
0x7b: {  	_ =	shalt  }
0x7c: {  	_ =	shalt  }
0x7d: {  	_ =	shalt  }
0x7e: {  	_ =	shalt  }
0x7f: {  	_ =	shalt  }
0x80: {  	_ =	shalt  }
0x81: {  	_ =	shalt  }
0x82: {  	_ =	shalt  }
0x83: {  	_ =	shalt  }
0x84: {  	_ =	shalt  }
0x85: {  	_ =	shalt  }
0x86: {  	_ =	shalt  }
0x87: {  	_ =	shalt  }
.Lfunc_end0:
.L_simem_size_0:
called_computation_lowered:
.L_overlay_start_0:
0x88: {  	s2 =	sld [smem:$0x3FD9]  }
0x89: {  	s3 =	sld [smem:$0x3FFE];
	_ =	sdelay $0x1  }
0x8a: {  	s1 =	srdreg.scid  }
0x8b: {  	s0 =	sand.u32 $0x1, s1  }
0x8c: {  	s16 =	sshll.u32 s0, $0xA;
	s2 =	sadd.s32 s3, s2  }
0x8d: {  	s2 =	sadd.s32 s2, s16  }
0x8e: {  	[smem:$0x3FBC] =	sst s2  }
0x8f: {  	_ = 	snop  }
0x90: {  	(tm) =	ssettm $0x1  }
0x91: {  	s17 =	sld [smem:$0x3FFB];
	_ =	sdelay $0x3  }
0x92: {  	_ =	strace s17  }
0x93: {  	s2 =	sld [smem:$0x3FFC];
	_ =	sdelay $0x3  }
0x94: {  	_ =	strace s2  }
0x95: {  	s2 =	sld [smem:$0x3FFD];
	_ =	sdelay $0x3  }
0x96: {  	_ =	strace s2  }
0x97: {  	_ =	strace $0x8FFFFFFF  }
0x98: {  	s18 =	sld [smem:$0x3FDB];
	_ =	sdelay $0x1  }
0x99: {  	s19 =	simm.s32 $_scs_section_size  }
0x9a: {  	s4 =	simm.s32 $_size__tile_overlayer_lowered;
	s5 =	simm.s32 $_tile_overlayer_lowered  }
0x9b: {  	s22 =	simm.s32 $0x1BFF;
	s21 =	sshll.u32 s5, $0x1;
	s2 =	sadd.s32 s19, s18  }
0x9c: {  	s6 =	simm.s32 $0x0;
	s20 =	sshll.u32 s4, $0x1;
	s4 =	sadd.s32 s21, s2  }
0x9d: {  	[timem:s6], [sflag:s22] =	dma.local [hbm:s4], s20  }
0x9e: {  	_ =	swait.ge [sflag:s22], s20  }
0x9f: {  	s3 =	ssub.s32 $0x0, s20;
	[sflag:s22] =	ssyncset.done $0x0  }
0xa0: {  	[sflag:s22] =	ssyncadd.s32 s3;
	_ =	sdelay $0x1  }
0xa1: {  	s23 =	simm.s32 $0x1B8B  }
0xa2: {  	_ =	swait.ge [sflag:s23], $0x1  }
0xa3: {  	[sflag:s23] =	ssyncset.done $0x0  }
0xa4: {  	s25 =	simm.s32 $0x1B8E;
	s24 =	sld [smem:$0x3FFE];
	[sflag:s23] =	ssyncadd.s32 $0xFFFFFFFF  }
0xa5: {  	s26 =	simm.s32 $execute0_lowered;
	[smem:$0x3FD2] =	sst s25  }
0xa6: {  	s4 =	sshll.u32 s26, $0x1;
	_ =	strace $0x80000046;
	[dreg:$0x1] =	wrdreg $0xFFFFFFFF  }
0xa7: {  	s28 =	simm.s32 $_size_execute0_lowered;
	s2 =	sadd.s32 s2, s4;
	[dreg:$0x0] =	wrdreg $0x0  }
0xa8: {  	s4 =	sshll.u32 s28, $0x1;
	[dreg:$0x2] =	wrdreg s2  }
0xa9: {  	[dreg:$0x3] =	wrdreg s4  }
0xaa: {  	[dreg:$0x4] =	wrdreg $0xC0  }
0xab: {  	_ =	task [dreg:s6], $0x5FFFF  }
0xac: {  	[dreg:$0x1] =	wrdreg $0xFFFFFFFF  }
0xad: {  	[dreg:$0x0] =	wrdreg $0x60  }
0xae: {  	[dreg:$0x2] =	wrdreg s24  }
0xaf: {  	[dreg:$0x3] =	wrdreg $0x12000  }
0xb0: {  	[dreg:$0x4] =	wrdreg $0x9  }
0xb1: {  	_ =	task.clear_ibuf [dreg:s6], $0x5FFFF;
	_ =	strace $0x90000046  }
0xb2: {  	s29 =	simm.s32 $0x9;
	_ =	strace $0x80000048  }
0xb3: {  	_ =	swait.ge [sflag:s29], $0x1  }
0xb4: {  	[sflag:s29] =	ssyncadd.s32 $0xFFFFFFFF  }
0xb5: {  	_ =	strace $0x90000048  }
0xb6: {  	_ =	sfence  }
0xb7: {  	s30 =	sld [smem:$0x0];
	_ =	sdelay $0x2  }
0xb8: {  	s31 =	sshll.u32 s1, $0xD;
	s1 =	sshrl.u32 s1, $0x2  }
0xb9: {  	s3 =	sand.u32 $0x4000, s31;
	s1 =	sadd.s32 s1, s30  }
0xba: {  	s0 =	sor.u32 s3, s0;
	s1 =	sshll.u32 s1, $0x11  }
0xbb: {  	s0 =	sor.u32 s1, s0  }
0xbc: {  	s0 =	sadd.s32 $0x8F2B, s0  }
0xbd: {  	[sflag:s0] =	ssyncadd.remote.s32 $0x1  }
0xbe: {  	_ =	sfence.sel $0xFFFF  }
0xbf: {  	[dreg:$0x0] =	wrdreg $0xFFFFFFFF;
	(pc) =	sbr.abs _section_cstart, $3  }
0xc0: {  	[dreg:$0x1] =	wrdreg $0xFFFFFFFF  }
0xc1: {  	_ =	task.clear_ibuf [dreg:s6], $0x2FFFF;
	_ =	strace $0x9FFFFFFF  }
0xc2: {  	(tm) =	ssettm $0x7FFFFFFF  }
0xc3: {  	_ =	shalt  }
tec
execute0_lowered:
.L_overlay_start_1:
0x0: {  	(tag) =	ssettag $0x1  }
0x1: {  	s4 =	rddreg [dreg:$0x0];
	s1 =	srdreg.scid  }
0x2: {  	s0 =	stileid.u32;
	s2 =	rddreg [dreg:$0x1];
	s3 =	simm.s32 $0x0  }
0x3: {  	s10 =	simm.s32 $0x80;
	s11 =	simm.s32 $0x200;
	s6 =	smul.u32 $0xC400, s0  }
0x4: {  	s12 =	simm.s32 $0x100;
	s13 =	simm.s32 $0x180;
	s29 =	smul.u32 $0xC800, s0  }
0x5: {  	s5 =	sand.u32 $0x1, s1;
	s1 =	rddreg [dreg:$0x2];
	s9 =	smul.u32 $0x32000, s0  }
0x6: {  	s14 =	simm.s32 $0x0;
	[smem:$0x7FF] =	sst s3;
	s7 =	smul.u32 $0x6200, s5  }
0x7: {  	s8 =	smul.u32 $0xC8000, s5;
	_ =	strace $0x80000047;
	s5 =	ssub.s32 $0x2, s5  }
0x8: {  	s30 =	sshrl.u32 s5, $0x1;
	s31 =	sshrl.u32 s9, $0x2;
	s9 =	simm.s32 $0x1  }
0x9: {  	s6 =	sadd.s32 s7, s6;
	s7 =	sadd.s32 s29, s8;
	s5 =	ssub.s32 s5, s30  }
0xa: {  	s8 =	simm.s32 $0xA00;
	s6 =	sshrl.u32 s6, $0x3;
	s7 =	sshrl.u32 s7, $0x3  }
0xb: {  	vm0 =	vcmask $0x300;
	v0 =	vimm.f32 $0.0e+00;
	s6 =	sadd.s32 s6, s4;
	s7 =	sadd.s32 s7, s4;
	s4 =	smax.u32 s5, $0x1  }
0xc: {  	v1 =	vsel vm0, $0x3F800000, v0;
	s5 =	sadd.s32 s31, s2;
	s6 =	sadd.s32 $0x1E00, s6;
	s7 =	sadd.s32 $0x1A600, s7  }
.LBB2_1:
0xd: {  	s15 =	simm.s32 $0x0  }
.LBB2_2:
0xe: {  	p0 =	sne.s32 s15, $0x1FC0  }
.Ltmp0:
0xf: {  	_ = 	snop;
	(pc) =	sbr.rel @p0 .LBB2_2-.Ltmp0, $4  }
0x10: {  	_ = 	snop  }
0x11: {  	s16 =	sshra.s32 s15, $0x2  }
0x12: {  	[tilespmem:s16+$0x200] =	vst v1  }
0x13: {  	s15 =	sadd.s32 $0x40, s15;
	[tilespmem:s16+$0xA00] =	vst v0  }
0x14: {  	s15 =	sadd.s32 $0x0, s5  }
0x15: {  	[spmem:s15] =	stream.linear.scatter [tilespmem:s8], [sflag:$0x1], $0x800, $0x38;
	[tilespmem:$0xDA00] =	vst v63  }
0x16: {  	s15 =	simm.s32 $0x2000;
	_ =	swait.ge [sflag:s9], $0x800  }
.LBB2_4:
0x17: {  	s16 =	sshra.s32 s15, $0x2;
	[sflag:s9] =	ssyncset.done $0x0;
	p0 =	sne.s32 s15, $0x30000  }
.Ltmp1:
0x18: {  	s16 =	sadd.s32 s16, s5;
	[sflag:s9] =	ssyncadd.s32 $0xFFFFF800;
	(pc) =	sbr.rel @p0 .LBB2_4-.Ltmp1, $3  }
0x19: {  	[spmem:s16] =	stream.linear.scatter [tilespmem:s8], [sflag:$0x1], $0x800, $0x38;
	[tilespmem:$0xDA00] =	vst v63  }
0x1a: {  	s15 =	sadd.s32 $0x2000, s15;
	_ =	sdelay $0x1  }
0x1b: {  	_ =	swait.ge [sflag:s9], $0x800  }
0x1c: {  	[sflag:s9] =	ssyncset.done $0x0  }
0x1d: {  	[sflag:s9] =	ssyncadd.s32 $0xFFFFF800  }
0x1e: {  	s15 =	sadd.s32 $0x0, s6;
	[bflag:$0x0] =	sbarrier.arrive $0xFFFF  }
0x1f: {  	[tilespmem:s3], [sflag:$0x1] =	stream.linear.gather [hbm4b:s15+s3], $0x200, $0x38;
	[tilespmem:$0xDA00] =	vst v63  }
0x20: {  	_ =	swait.ge [sflag:s9], $0x200  }
0x21: {  	[sflag:s9] =	ssyncset.done $0x0  }
0x22: {  	[sflag:s9] =	ssyncadd.s32 $0xFFFFFE00  }
0x23: {  	[spmem:s2] =	stream.indirect.scatter.add.f32 [tilespmem:s11], [sflag:$0x1], $0x10, s3, s10, $0xb8;
	[tilespmem:$0xDA00] =	vst v63  }
0x24: {  	_ =	swait.ge [sflag:s9], $0x800  }
0x25: {  	[sflag:s9] =	ssyncset.done $0x0  }
0x26: {  	[sflag:s9] =	ssyncadd.s32 $0xFFFFF800  }
0x27: {  	[spmem:s2] =	stream.indirect.scatter.add.f32 [tilespmem:s11], [sflag:$0x1], $0x10, s10, s10, $0xb8;
	[tilespmem:$0xDA00] =	vst v63  }
0x28: {  	_ =	swait.ge [sflag:s9], $0x800  }
0x29: {  	[sflag:s9] =	ssyncset.done $0x0  }
0x2a: {  	[sflag:s9] =	ssyncadd.s32 $0xFFFFF800  }
0x2b: {  	[spmem:s2] =	stream.indirect.scatter.add.f32 [tilespmem:s11], [sflag:$0x1], $0x10, s12, s10, $0xb8;
	[tilespmem:$0xDA00] =	vst v63  }
0x2c: {  	_ =	swait.ge [sflag:s9], $0x800  }
0x2d: {  	[sflag:s9] =	ssyncset.done $0x0  }
0x2e: {  	[sflag:s9] =	ssyncadd.s32 $0xFFFFF800  }
0x2f: {  	[spmem:s2] =	stream.indirect.scatter.add.f32 [tilespmem:s11], [sflag:$0x1], $0x10, s13, s10, $0xb8;
	[tilespmem:$0xDA00] =	vst v63  }
0x30: {  	_ =	swait.ge [sflag:s9], $0x800  }
0x31: {  	s16 =	simm.s32 $0x80;
	s15 =	simm.s32 $0x40;
	[sflag:s9] =	ssyncset.done $0x0  }
.LBB2_6:
0x32: {  	s17 =	sadd.s32 s15, s6  }
0x33: {  	[sflag:s9] =	ssyncadd.s32 $0xFFFFF800;
	s15 =	smov.u32 s16;
	s18 =	sadd.s32 $0x40, s16  }
0x34: {  	[tilespmem:s3], [sflag:$0x1] =	stream.linear.gather [hbm4b:s17+s3], $0x200, $0x38;
	[tilespmem:$0xDA00] =	vst v63  }
0x35: {  	p0 =	sne.s32 s16, $0xC00;
	_ =	swait.ge [sflag:s9], $0x200  }
0x36: {  	[sflag:s9] =	ssyncset.done $0x0  }
0x37: {  	[sflag:s9] =	ssyncadd.s32 $0xFFFFFE00  }
0x38: {  	[spmem:s2] =	stream.indirect.scatter.add.f32 [tilespmem:s11], [sflag:$0x1], $0x10, s3, s10, $0xb8;
	[tilespmem:$0xDA00] =	vst v63  }
0x39: {  	_ =	swait.ge [sflag:s9], $0x800  }
0x3a: {  	[sflag:s9] =	ssyncset.done $0x0  }
0x3b: {  	[sflag:s9] =	ssyncadd.s32 $0xFFFFF800  }
0x3c: {  	[spmem:s2] =	stream.indirect.scatter.add.f32 [tilespmem:s11], [sflag:$0x1], $0x10, s10, s10, $0xb8;
	[tilespmem:$0xDA00] =	vst v63  }
0x3d: {  	_ =	swait.ge [sflag:s9], $0x800  }
0x3e: {  	[sflag:s9] =	ssyncset.done $0x0  }
0x3f: {  	[sflag:s9] =	ssyncadd.s32 $0xFFFFF800  }
0x40: {  	[spmem:s2] =	stream.indirect.scatter.add.f32 [tilespmem:s11], [sflag:$0x1], $0x10, s12, s10, $0xb8;
	[tilespmem:$0xDA00] =	vst v63  }
0x41: {  	_ =	swait.ge [sflag:s9], $0x800  }
.Ltmp2:
0x42: {  	[sflag:s9] =	ssyncset.done $0x0;
	(pc) =	sbr.rel @p0 .LBB2_6-.Ltmp2, $4  }
0x43: {  	[sflag:s9] =	ssyncadd.s32 $0xFFFFF800  }
0x44: {  	[spmem:s2] =	stream.indirect.scatter.add.f32 [tilespmem:s11], [sflag:$0x1], $0x10, s13, s10, $0xb8;
	[tilespmem:$0xDA00] =	vst v63  }
0x45: {  	_ =	swait.ge [sflag:s9], $0x800  }
0x46: {  	s16 =	smov.u32 s18;
	[sflag:s9] =	ssyncset.done $0x0  }
0x47: {  	s15 =	sadd.s32 s15, s6;
	[sflag:s9] =	ssyncadd.s32 $0xFFFFF800  }
0x48: {  	[tilespmem:s3], [sflag:$0x1] =	stream.linear.gather [hbm4b:s15+s3], $0x200, $0x38;
	[tilespmem:$0xDA00] =	vst v63  }
0x49: {  	_ =	swait.ge [sflag:s9], $0x200  }
0x4a: {  	[sflag:s9] =	ssyncset.done $0x0  }
0x4b: {  	[sflag:s9] =	ssyncadd.s32 $0xFFFFFE00  }
0x4c: {  	[spmem:s2] =	stream.indirect.scatter.add.f32 [tilespmem:s11], [sflag:$0x1], $0x10, s3, s10, $0xb8;
	[tilespmem:$0xDA00] =	vst v63  }
0x4d: {  	_ =	swait.ge [sflag:s9], $0x800  }
0x4e: {  	[sflag:s9] =	ssyncset.done $0x0  }
0x4f: {  	[sflag:s9] =	ssyncadd.s32 $0xFFFFF800  }
0x50: {  	[spmem:s2] =	stream.indirect.scatter.add.f32 [tilespmem:s11], [sflag:$0x1], $0x10, s10, s10, $0xb8;
	[tilespmem:$0xDA00] =	vst v63  }
0x51: {  	_ =	swait.ge [sflag:s9], $0x800  }
0x52: {  	[sflag:s9] =	ssyncset.done $0x0  }
0x53: {  	[sflag:s9] =	ssyncadd.s32 $0xFFFFF800  }
0x54: {  	[spmem:s2] =	stream.indirect.scatter.add.f32 [tilespmem:s11], [sflag:$0x1], $0x10, s12, s10, $0xb8;
	[tilespmem:$0xDA00] =	vst v63  }
0x55: {  	_ =	swait.ge [sflag:s9], $0x800  }
0x56: {  	[sflag:s9] =	ssyncset.done $0x0  }
0x57: {  	[sflag:s9] =	ssyncadd.s32 $0xFFFFF800  }
0x58: {  	[spmem:s2] =	stream.indirect.scatter.add.f32 [tilespmem:s11], [sflag:$0x1], $0x10, s13, s10, $0xb8;
	[tilespmem:$0xDA00] =	vst v63  }
0x59: {  	_ =	swait.ge [sflag:s9], $0x800  }
0x5a: {  	[sflag:s9] =	ssyncset.done $0x0  }
0x5b: {  	[sflag:s9] =	ssyncadd.s32 $0xFFFFF800  }
0x5c: {  	[bflag:$0x0] =	sbarrier.arrive $0xFFFF  }
0x5d: {  	[tilespmem:s8], [sflag:$0x1] =	stream.linear.gather [spmem:s5], $0x800, $0x38;
	[tilespmem:$0xDA00] =	vst v63  }
0x5e: {  	_ =	swait.ge [sflag:s9], $0x800  }
0x5f: {  	[sflag:s9] =	ssyncset.done $0x0  }
0x60: {  	s31 =	sadd.s32 $0x0, s7;
	[sflag:s9] =	ssyncadd.s32 $0xFFFFF800  }
0x61: {  	[hbm4b:s31+s3] =	stream.linear.scatter [tilespmem:s8], [sflag:$0x1], $0x800, $0x38;
	[tilespmem:$0xDA00] =	vst v63  }
0x62: {  	_ =	swait.ge [sflag:s9], $0x800  }
0x63: {  	s16 =	smov.u32 s5;
	s15 =	simm.s32 $0x100;
	[sflag:s9] =	ssyncset.done $0x0  }
.LBB2_8:
0x64: {  	p0 =	sne.s32 s15, $0x1800;
	[sflag:s9] =	ssyncadd.s32 $0xFFFFF800;
	s16 =	sadd.s32 $0x800, s16  }
0x65: {  	[tilespmem:s8], [sflag:$0x1] =	stream.linear.gather [spmem:s16], $0x800, $0x38;
	[tilespmem:$0xDA00] =	vst v63  }
0x66: {  	s17 =	smov.u32 s15;
	s15 =	sadd.s32 $0x100, s15;
	_ =	swait.ge [sflag:s9], $0x800  }
.Ltmp3:
0x67: {  	[sflag:s9] =	ssyncset.done $0x0;
	(pc) =	sbr.rel @p0 .LBB2_8-.Ltmp3, $4  }
0x68: {  	s17 =	sadd.s32 s17, s7;
	[sflag:s9] =	ssyncadd.s32 $0xFFFFF800  }
0x69: {  	[hbm4b:s17+s3] =	stream.linear.scatter [tilespmem:s8], [sflag:$0x1], $0x800, $0x38;
	[tilespmem:$0xDA00] =	vst v63  }
0x6a: {  	_ =	swait.ge [sflag:s9], $0x800  }
0x6b: {  	[sflag:s9] =	ssyncset.done $0x0  }
0x6c: {  	s14 =	sadd.s32 $0x1, s14  }
0x6d: {  	p0 =	sne.s32 s14, s4  }
.Ltmp4:
0x6e: {  	_ = 	snop;
	(pc) =	sbr.rel @p0 .LBB2_1-.Ltmp4, $2  }
0x6f: {  	_ =	sdelay $0x2  }
0x70: {  	[sflag:s9] =	ssyncadd.s32 $0xFFFFF800  }
0x71: {  	_ =	sfence.sel $0x180000  }
0x72: {  	[bflag:$0x0] =	sbarrier.arrive $0xFFFF  }
0x73: {  	p0 =	sne.s32 s0, $0x0;
	_ =	strace $0x90000047  }
0x74: {  	s0 =	sadd.s32 @!p0 $0x100000, s1;
	[bflag:$0x2] =	sbarrier.arrive $0xFFFF  }
0x75: {  	[sflag:s0] =	ssyncadd.tile.s32 @!p0 $0x1;
	_ =	shalt  }
.Lfunc_end2:
_tile_overlayer_lowered:
.L_overlay_start_2:
0x76: {  	(tag) =	ssettag $0x2  }
0x77: {  	s0 =	rddreg [dreg:$0x0];
	s2 =	stileid.u32  }
0x78: {  	s1 =	rddreg [dreg:$0x1];
	p0 =	sne.s32 s2, $0x0  }
0x79: {  	s3 =	rddreg [dreg:$0x2];
	[bflag:$0x3] =	sbarrier.arrive $0xFFFF;
	s2 =	simm.s32 @!p0 $0x1C01  }
0x7a: {  	[timem:s3], [sflag:s2] =	dma.local @!p0 [hbm:s0], s1  }
0x7b: {  	s0 =	simm.s32 @!p0 $0x1  }
0x7c: {  	_ =	swait.ge @!p0 [sflag:s0], s1  }
0x7d: {  	s1 =	ssub.s32 @!p0 $0x0, s1;
	[sflag:s0] =	ssyncset.done @!p0 $0x0  }
0x7e: {  	[sflag:s0] =	ssyncadd.s32 @!p0 s1  }
0x7f: {  	[bflag:$0x3] =	sbarrier.arrive $0xFFFF  }
0x80: {  	_ =	shalt  }

</sc_bundles>
